<compile_context>
chip_gen: v7x
topology: tpu7x:2x2x1
jax: 0.10.2.dev20260603
libtpu: 0.0.44.dev20260713+nightly
codegen_flags: <defaults>
</compile_context>

<pallas_src>
import functools

import jax
import jax.numpy as jnp
from jax import lax
from jax.experimental import pallas as pl
from jax.experimental.pallas import tpu as pltpu
from jax.experimental.pallas import tpu_sc as plsc

N = 10000
E = 160000
D = 16
DA = 272
DB = 288

NC = 2
NS = 16
NW = NC * NS
EPW = E // NW
CHUNK = 200
NCHUNK = EPW // CHUNK
NPAD = 10240
RPT = NPAD // NS

MBLK = 2000


def _round_bf16_bits(x):
    u = jax.lax.bitcast_convert_type(x, jnp.int32)
    return jax.lax.shift_right_logical(
        u + jnp.int32(0x7FFF) + (jax.lax.shift_right_logical(u, 16) & 1), 16)


def _matmul_body(f_ref, we_ref, wo_ref, g_ref):
    ge = jnp.dot(f_ref[...], we_ref[...], preferred_element_type=jnp.float32)
    go = jnp.dot(f_ref[...], wo_ref[...], preferred_element_type=jnp.float32)
    packed = jax.lax.shift_left(_round_bf16_bits(go), 16) | _round_bf16_bits(ge)
    g_ref[...] = jax.lax.bitcast_convert_type(packed, jnp.float32)


def _combine_body(p_ref, f_ref, b_ref, o_ref):
    o_ref[...] = p_ref[0, :N] + p_ref[1, :N] + f_ref[...] + b_ref[...]


def _sc_body(g_hbm, ef_hbm, ei_hbm, out_hbm,
             srcall_v, dstall_v, ef_v, rows_v, msg_v, acc_sh, sems,
             ssems):
    cid = lax.axis_index("c")
    sid = lax.axis_index("s")
    wid = cid * NS + sid
    wbase = wid * EPW

    pltpu.sync_copy(ei_hbm.at[0, pl.ds(wbase, EPW)], srcall_v)
    pltpu.sync_copy(ei_hbm.at[1, pl.ds(wbase, EPW)], dstall_v)

    def zero_msg(r, carry):
        for s in range(3):
            msg_v[s][r, :] = jnp.zeros((D,), jnp.float32)
        return carry

    lax.fori_loop(0, CHUNK, zero_msg, 0)
    for q in range(3):
        pltpu.sync_copy(msg_v[0], acc_sh.at[pl.ds(sid * RPT + q * CHUNK, CHUNK)])
    pltpu.sync_copy(msg_v[0].at[pl.ds(0, RPT - 3 * CHUNK)],
                    acc_sh.at[pl.ds(sid * RPT + 3 * CHUNK, RPT - 3 * CHUNK)])
    plsc.subcore_barrier()

    def issue(c, slot):
        pltpu.async_copy(ef_hbm.at[:, pl.ds(wbase + c * CHUNK, CHUNK)],
                         ef_v[slot], sems[slot])
        pltpu.async_copy(g_hbm.at[srcall_v.at[pl.ds(c * CHUNK, CHUNK)]],
                         rows_v[slot], sems[slot])

    def wait(slot):
        pltpu.make_async_copy(ef_hbm.at[:, pl.ds(0, CHUNK)],
                              ef_v[slot], sems[slot]).wait()
        pltpu.make_async_copy(g_hbm.at[pl.ds(0, CHUNK), :],
                              rows_v[slot], sems[slot]).wait()

    def scatter(c, slot):
        pltpu.async_copy(msg_v[slot],
                         acc_sh.at[dstall_v.at[pl.ds(c * CHUNK, CHUNK)]],
                         ssems[slot], add=True)

    def scatter_wait(slot):
        pltpu.make_async_copy(msg_v[slot], acc_sh.at[pl.ds(0, CHUNK)],
                              ssems[slot]).wait()

    def compute(c, slot):
        erows = rows_v[slot]
        eef = ef_v[slot]
        scatter_wait(slot)

        lanes = lax.iota(jnp.int32, D)

        def edge_body(e, ecarry):
            ef_row = plsc.load_gather(eef, [lanes, jnp.full((D,), e, jnp.int32)])
            def halves(p):
                xi = plsc.bitcast(erows[e, pl.ds(16 * p, 16)], jnp.int32)
                a = plsc.bitcast(xi << 16, jnp.float32)
                b = plsc.bitcast(xi & jnp.int32(-65536), jnp.float32)
                return a, b

            bias_t, _ = halves(8)
            terms = [bias_t]
            for p in range(8):
                a, b = halves(p)
                terms.append(ef_row[2 * p] * a + ef_row[2 * p + 1] * b)
            while len(terms) > 1:
                terms = [terms[i] + terms[i + 1]
                         for i in range(0, len(terms) - 1, 2)] + (
                             [terms[-1]] if len(terms) % 2 else [])
            msg_v[slot][e, :] = terms[0]
            return ecarry

        lax.fori_loop(0, CHUNK, edge_body, 0)
        scatter(c, slot)

    issue(0, 0)
    issue(1, 1)
    for s in range(3):
        scatter(0, s)

    def tri_body(j, carry):
        c0 = 3 * j
        for s in range(3):
            wait(s)
            issue(c0 + s + 2, (s + 2) % 3)
            compute(c0 + s, s)
        return carry

    lax.fori_loop(0, 7, tri_body, 0)
    wait(0)
    issue(23, 2)
    compute(21, 0)
    wait(1)
    issue(24, 0)
    compute(22, 1)
    wait(2)
    compute(23, 2)
    wait(0)
    compute(24, 0)
    scatter_wait(0)
    scatter_wait(1)
    scatter_wait(2)

    plsc.subcore_barrier()
    pltpu.sync_copy(acc_sh.at[pl.ds(sid * RPT, RPT)],
                    out_hbm.at[cid, pl.ds(sid * RPT, RPT), :])


_sc_call = functools.partial(
    pl.kernel,
    out_type=jax.ShapeDtypeStruct((NC, NPAD, D), jnp.float32),
    mesh=plsc.VectorSubcoreMesh(core_axis_name="c", subcore_axis_name="s"),
    scratch_types=[
        pltpu.VMEM((EPW,), jnp.int32),
        pltpu.VMEM((EPW,), jnp.int32),
        [pltpu.VMEM((D, CHUNK), jnp.float32)] * 3,
        [pltpu.VMEM((CHUNK, DB // 2), jnp.float32)] * 3,
        [pltpu.VMEM((CHUNK, D), jnp.float32)] * 3,
        pltpu.VMEM_SHARED((NPAD, D), jnp.float32),
        [pltpu.SemaphoreType.DMA] * 3,
        [pltpu.SemaphoreType.DMA] * 3,
    ],
    compiler_params=pltpu.CompilerParams(use_tc_tiling_on_sc=False,
                                         needs_layout_passes=False),
)(_sc_body)


@jax.jit
def kernel(feat, efeat, edge_index, W_edge, b_edge, bias):
    Wr = W_edge.reshape(D, D, D).transpose(1, 0, 2).reshape(D, D * D)
    Waug = jnp.concatenate([Wr, b_edge.reshape(D, D),
                            jnp.zeros((D, DB - DA), jnp.float32)], axis=1)
    Wb = Waug.reshape(D, DB // D, D)
    We = Wb[:, 0::2, :].reshape(D, DB // 2)
    Wo = Wb[:, 1::2, :].reshape(D, DB // 2)

    g_aug = pl.pallas_call(
        _matmul_body,
        grid=(N // MBLK,),
        in_specs=[
            pl.BlockSpec((MBLK, D), lambda i: (i, 0)),
            pl.BlockSpec((D, DB // 2), lambda i: (0, 0)),
            pl.BlockSpec((D, DB // 2), lambda i: (0, 0)),
        ],
        out_specs=pl.BlockSpec((MBLK, DB // 2), lambda i: (i, 0)),
        out_shape=jax.ShapeDtypeStruct((N, DB // 2), jnp.float32),
    )(feat, We, Wo)

    partials = _sc_call(g_aug, efeat.T, edge_index)

    out = pl.pallas_call(
        _combine_body,
        out_shape=jax.ShapeDtypeStruct((N, D), jnp.float32),
    )(partials, feat, bias.reshape(1, D))
    return out

# --- scband reference (transcript-rebuilt; emitter-appended) ---
"""Pipeline reference for scband-nnconv-26216480375300 (READ-ONLY COPY).

The authoritative reference and input builder live on the scoring server;
editing this copy changes nothing except your own understanding.
"""

import jax, jax.numpy as jnp
import numpy as np

N = 10000
E = 160000
D_IN = 16
D_OUT = 16
D_EDGE = 16


def setup_inputs(seed: int = 0) -> dict:
    key = jax.random.key(seed)
    k1, k2, k3, k4, k5, k6 = jax.random.split(key, 6)
    feat = jax.random.normal(k1, (N, D_IN), dtype=jnp.float32)
    efeat = jax.random.normal(k2, (E, D_EDGE), dtype=jnp.float32)
    edge_index = jax.random.randint(k3, (2, E), 0, N, dtype=jnp.int32)
    # edge_nn = Linear(D_EDGE, D_IN * D_OUT)
    W_edge = jax.random.normal(k4, (D_EDGE, D_IN * D_OUT), dtype=jnp.float32) * 0.05
    b_edge = jax.random.normal(k5, (D_IN * D_OUT,), dtype=jnp.float32) * 0.01
    bias = jax.random.normal(k6, (D_OUT,), dtype=jnp.float32) * 0.01
    return {"feat": feat, "efeat": efeat, "edge_index": edge_index,
            "W_edge": W_edge, "b_edge": b_edge, "bias": bias}


def reference(feat, efeat, edge_index, W_edge, b_edge, bias):
    # edge_nn: per-edge weight matrices [E, D_IN, D_OUT]
    w = (efeat @ W_edge + b_edge).reshape(E, D_IN, D_OUT)
    src = edge_index[0]
    dst = edge_index[1]
    # u_mul_e: h_src [E, D_IN, 1] * w [E, D_IN, D_OUT] -> messages [E, D_IN, D_OUT]
    msg = jnp.take(feat, src, axis=0)[:, :, None] * w
    # sum-aggregate messages at destination nodes
    agg = jax.ops.segment_sum(msg, dst, num_segments=N)
    # sum over the in_feats dimension
    rst = agg.sum(axis=1)
    # residual (Identity since in_feats == out_feats) + bias
    rst = rst + feat + bias
    return rst

if __name__ == "__main__":
    import jax
    _d = setup_inputs()
    print(jax.jit(kernel)(*tuple(_d.values())))

</pallas_src>

<mosaic_0001>
#map = affine_map<(d0, d1) -> (0, 0)>
#map1 = affine_map<(d0, d1) -> (0, 0, 0)>
module attributes {stable_mosaic.version = 14 : i64} {
  func.func @_sc_body(%arg0: i32, %arg1: i32, %arg2: memref<10000x144xf32, #tpu.memory_space<hbm>>, %arg3: memref<16x160000xf32, #tpu.memory_space<hbm>>, %arg4: memref<2x160000xi32, #tpu.memory_space<hbm>>, %arg5: memref<2x10240x16xf32, #tpu.memory_space<hbm>>, %arg6: memref<5000xi32, #tpu.memory_space<vmem>>, %arg7: memref<5000xi32, #tpu.memory_space<vmem>>, %arg8: memref<16x200xf32, #tpu.memory_space<vmem>>, %arg9: memref<16x200xf32, #tpu.memory_space<vmem>>, %arg10: memref<16x200xf32, #tpu.memory_space<vmem>>, %arg11: memref<200x144xf32, #tpu.memory_space<vmem>>, %arg12: memref<200x144xf32, #tpu.memory_space<vmem>>, %arg13: memref<200x144xf32, #tpu.memory_space<vmem>>, %arg14: memref<200x16xf32, #tpu.memory_space<vmem>>, %arg15: memref<200x16xf32, #tpu.memory_space<vmem>>, %arg16: memref<200x16xf32, #tpu.memory_space<vmem>>, %arg17: memref<10240x16xf32, #tpu.memory_space<vmem_shared>>, %arg18: memref<!tpu.dma_semaphore, #tpu.memory_space<semaphore_mem>>, %arg19: memref<!tpu.dma_semaphore, #tpu.memory_space<semaphore_mem>>, %arg20: memref<!tpu.dma_semaphore, #tpu.memory_space<semaphore_mem>>, %arg21: memref<!tpu.dma_semaphore, #tpu.memory_space<semaphore_mem>>, %arg22: memref<!tpu.dma_semaphore, #tpu.memory_space<semaphore_mem>>, %arg23: memref<!tpu.dma_semaphore, #tpu.memory_space<semaphore_mem>>) attributes {dimension_semantics = [#tpu.dimension_semantics<core_parallel>, #tpu.dimension_semantics<subcore_parallel>], iteration_bounds = array<i64: 2, 16>, scalar_prefetch = 0 : i64, scratch_operands = 18 : i64, tpu.core_type = #tpu.core_type<sc_vector_subcore>, window_params = [{transform_indices = #map}, {transform_indices = #map}, {transform_indices = #map}, {transform_indices = #map1}]} {
    %mul3A = arith.constant 16 : i32
    %mul3A_0 = arith.muli %arg0, %mul3A : i32
    %add3A = arith.addi %mul3A_0, %arg1 : i32
    %mul3A_1 = arith.constant 5000 : i32
    %mul3A_2 = arith.muli %add3A, %mul3A_1 : i32
    %run_scoped3A = arith.constant 0 : i32
    "tpu.region"() ({
      %run_scoped3A_230 = tpu.sem_alloc : memref<!tpu.dma_semaphore, #tpu.memory_space<semaphore_mem>>
      %dma_start3A_231 = tpu.memref_slice %arg4[%run_scoped3A, %mul3A_2] : memref<2x160000xi32, #tpu.memory_space<hbm>> -> memref<1x5000xi32, #tpu.memory_space<hbm>>
      %dma_start3A_232 = tpu.memref_squeeze %dma_start3A_231 : memref<1x5000xi32, #tpu.memory_space<hbm>> -> memref<5000xi32, #tpu.memory_space<hbm>>
      %dma_start3A_233 = tpu.memref_slice %arg4[%run_scoped3A, %mul3A_2] : memref<2x160000xi32, #tpu.memory_space<hbm>> -> memref<1x5000xi32, #tpu.memory_space<hbm>>
      %dma_start3A_234 = tpu.memref_squeeze %dma_start3A_233 : memref<1x5000xi32, #tpu.memory_space<hbm>> -> memref<5000xi32, #tpu.memory_space<hbm>>
      tpu.enqueue_dma source(%dma_start3A_234 : memref<5000xi32, #tpu.memory_space<hbm>>) target(%arg6 : memref<5000xi32, #tpu.memory_space<vmem>>) target_semaphore(%run_scoped3A_230 : memref<!tpu.dma_semaphore, #tpu.memory_space<semaphore_mem>>)
      %dma_wait3A_235 = tpu.memref_slice %arg4[%run_scoped3A, %mul3A_2] : memref<2x160000xi32, #tpu.memory_space<hbm>> -> memref<1x5000xi32, #tpu.memory_space<hbm>>
      %dma_wait3A_236 = tpu.memref_squeeze %dma_wait3A_235 : memref<1x5000xi32, #tpu.memory_space<hbm>> -> memref<5000xi32, #tpu.memory_space<hbm>>
      %dma_wait3A_237 = tpu.memref_slice %arg4[%run_scoped3A, %mul3A_2] : memref<2x160000xi32, #tpu.memory_space<hbm>> -> memref<1x5000xi32, #tpu.memory_space<hbm>>
      %dma_wait3A_238 = tpu.memref_squeeze %dma_wait3A_237 : memref<1x5000xi32, #tpu.memory_space<hbm>> -> memref<5000xi32, #tpu.memory_space<hbm>>
      tpu.wait_dma2 semaphore(%run_scoped3A_230 : memref<!tpu.dma_semaphore, #tpu.memory_space<semaphore_mem>>) src(%dma_wait3A_238 : memref<5000xi32, #tpu.memory_space<hbm>>) dst(%arg6 : memref<5000xi32, #tpu.memory_space<vmem>>)
      tpu.yield
    }) : () -> ()
    %run_scoped3A_3 = arith.constant 1 : i32
    "tpu.region"() ({
      %run_scoped3A_230 = tpu.sem_alloc : memref<!tpu.dma_semaphore, #tpu.memory_space<semaphore_mem>>
      %dma_start3A_231 = tpu.memref_slice %arg4[%run_scoped3A_3, %mul3A_2] : memref<2x160000xi32, #tpu.memory_space<hbm>> -> memref<1x5000xi32, #tpu.memory_space<hbm>>
      %dma_start3A_232 = tpu.memref_squeeze %dma_start3A_231 : memref<1x5000xi32, #tpu.memory_space<hbm>> -> memref<5000xi32, #tpu.memory_space<hbm>>
      %dma_start3A_233 = tpu.memref_slice %arg4[%run_scoped3A_3, %mul3A_2] : memref<2x160000xi32, #tpu.memory_space<hbm>> -> memref<1x5000xi32, #tpu.memory_space<hbm>>
      %dma_start3A_234 = tpu.memref_squeeze %dma_start3A_233 : memref<1x5000xi32, #tpu.memory_space<hbm>> -> memref<5000xi32, #tpu.memory_space<hbm>>
      tpu.enqueue_dma source(%dma_start3A_234 : memref<5000xi32, #tpu.memory_space<hbm>>) target(%arg7 : memref<5000xi32, #tpu.memory_space<vmem>>) target_semaphore(%run_scoped3A_230 : memref<!tpu.dma_semaphore, #tpu.memory_space<semaphore_mem>>)
      %dma_wait3A_235 = tpu.memref_slice %arg4[%run_scoped3A_3, %mul3A_2] : memref<2x160000xi32, #tpu.memory_space<hbm>> -> memref<1x5000xi32, #tpu.memory_space<hbm>>
      %dma_wait3A_236 = tpu.memref_squeeze %dma_wait3A_235 : memref<1x5000xi32, #tpu.memory_space<hbm>> -> memref<5000xi32, #tpu.memory_space<hbm>>
      %dma_wait3A_237 = tpu.memref_slice %arg4[%run_scoped3A_3, %mul3A_2] : memref<2x160000xi32, #tpu.memory_space<hbm>> -> memref<1x5000xi32, #tpu.memory_space<hbm>>
      %dma_wait3A_238 = tpu.memref_squeeze %dma_wait3A_237 : memref<1x5000xi32, #tpu.memory_space<hbm>> -> memref<5000xi32, #tpu.memory_space<hbm>>
      tpu.wait_dma2 semaphore(%run_scoped3A_230 : memref<!tpu.dma_semaphore, #tpu.memory_space<semaphore_mem>>) src(%dma_wait3A_238 : memref<5000xi32, #tpu.memory_space<hbm>>) dst(%arg7 : memref<5000xi32, #tpu.memory_space<vmem>>)
      tpu.yield
    }) : () -> ()
    %scan3A = arith.constant 0 : i32
    %scan3A_4 = arith.constant 0 : i32
    %scan3A_5 = arith.constant 200 : i32
    %scan3A_6 = arith.addi %scan3A_4, %scan3A_5 : i32
    %scan3A_7 = arith.constant 1 : i32
    scf.for %scan3A_230 = %scan3A_4 to %scan3A_6 step %scan3A_7  : i32 {
      %broadcast_in_dim3A = arith.constant 0.000000e+00 : f32
      %broadcast_in_dim3A_231 = vector.broadcast %broadcast_in_dim3A : f32 to vector<16xf32>
      %swap3A = arith.index_cast %scan3A_230 : i32 to index
      %swap3A_232 = arith.constant 0 : index
      %swap3A_233 = tpu.vector_load %arg14[%swap3A, %swap3A_232] {strides = array<i32>} : memref<200x16xf32, #tpu.memory_space<vmem>>, vector<16xf32>,
      tpu.vector_store %arg14[%swap3A, %swap3A_232], %broadcast_in_dim3A_231 {strides = array<i32>} : memref<200x16xf32, #tpu.memory_space<vmem>>, vector<16xf32>,
      %broadcast_in_dim3A_234 = arith.constant 0.000000e+00 : f32
      %broadcast_in_dim3A_235 = vector.broadcast %broadcast_in_dim3A_234 : f32 to vector<16xf32>
      %swap3A_236 = arith.index_cast %scan3A_230 : i32 to index
      %swap3A_237 = arith.constant 0 : index
      %swap3A_238 = tpu.vector_load %arg15[%swap3A_236, %swap3A_237] {strides = array<i32>} : memref<200x16xf32, #tpu.memory_space<vmem>>, vector<16xf32>,
      tpu.vector_store %arg15[%swap3A_236, %swap3A_237], %broadcast_in_dim3A_235 {strides = array<i32>} : memref<200x16xf32, #tpu.memory_space<vmem>>, vector<16xf32>,
      %broadcast_in_dim3A_239 = arith.constant 0.000000e+00 : f32
      %broadcast_in_dim3A_240 = vector.broadcast %broadcast_in_dim3A_239 : f32 to vector<16xf32>
      %swap3A_241 = arith.index_cast %scan3A_230 : i32 to index
      %swap3A_242 = arith.constant 0 : index
      %swap3A_243 = tpu.vector_load %arg16[%swap3A_241, %swap3A_242] {strides = array<i32>} : memref<200x16xf32, #tpu.memory_space<vmem>>, vector<16xf32>,
      tpu.vector_store %arg16[%swap3A_241, %swap3A_242], %broadcast_in_dim3A_240 {strides = array<i32>} : memref<200x16xf32, #tpu.memory_space<vmem>>, vector<16xf32>,
    }
    %scan3A_8 = arith.constant 200 : i32
    %mul3A_9 = arith.constant 640 : i32
    %mul3A_10 = arith.muli %arg1, %mul3A_9 : i32
    %add3A_11 = arith.constant 0 : i32
    %add3A_12 = arith.addi %mul3A_10, %add3A_11 : i32
    "tpu.region"() ({
      %run_scoped3A_230 = tpu.sem_alloc : memref<!tpu.dma_semaphore, #tpu.memory_space<semaphore_mem>>
      %dma_start3A_231 = arith.constant 0 : i32
      %dma_start3A_232 = tpu.memref_slice %arg17[%add3A_12, %dma_start3A_231] : memref<10240x16xf32, #tpu.memory_space<vmem_shared>> -> memref<200x16xf32, #tpu.memory_space<vmem_shared>>
      %dma_start3A_233 = arith.constant 0 : i32
      %dma_start3A_234 = tpu.memref_slice %arg17[%add3A_12, %dma_start3A_233] : memref<10240x16xf32, #tpu.memory_space<vmem_shared>> -> memref<200x16xf32, #tpu.memory_space<vmem_shared>>
      tpu.enqueue_dma source(%arg14 : memref<200x16xf32, #tpu.memory_space<vmem>>) target(%dma_start3A_234 : memref<200x16xf32, #tpu.memory_space<vmem_shared>>) target_semaphore(%run_scoped3A_230 : memref<!tpu.dma_semaphore, #tpu.memory_space<semaphore_mem>>)
      %dma_wait3A_235 = arith.constant 0 : i32
      %dma_wait3A_236 = tpu.memref_slice %arg17[%add3A_12, %dma_wait3A_235] : memref<10240x16xf32, #tpu.memory_space<vmem_shared>> -> memref<200x16xf32, #tpu.memory_space<vmem_shared>>
      %dma_wait3A_237 = arith.constant 0 : i32
      %dma_wait3A_238 = tpu.memref_slice %arg17[%add3A_12, %dma_wait3A_237] : memref<10240x16xf32, #tpu.memory_space<vmem_shared>> -> memref<200x16xf32, #tpu.memory_space<vmem_shared>>
      tpu.wait_dma2 semaphore(%run_scoped3A_230 : memref<!tpu.dma_semaphore, #tpu.memory_space<semaphore_mem>>) src(%arg14 : memref<200x16xf32, #tpu.memory_space<vmem>>) dst(%dma_wait3A_238 : memref<200x16xf32, #tpu.memory_space<vmem_shared>>)
      tpu.yield
    }) : () -> ()
    %mul3A_13 = arith.constant 640 : i32
    %mul3A_14 = arith.muli %arg1, %mul3A_13 : i32
    %add3A_15 = arith.constant 200 : i32
    %add3A_16 = arith.addi %mul3A_14, %add3A_15 : i32
    "tpu.region"() ({
      %run_scoped3A_230 = tpu.sem_alloc : memref<!tpu.dma_semaphore, #tpu.memory_space<semaphore_mem>>
      %dma_start3A_231 = arith.constant 0 : i32
      %dma_start3A_232 = tpu.memref_slice %arg17[%add3A_16, %dma_start3A_231] : memref<10240x16xf32, #tpu.memory_space<vmem_shared>> -> memref<200x16xf32, #tpu.memory_space<vmem_shared>>
      %dma_start3A_233 = arith.constant 0 : i32
      %dma_start3A_234 = tpu.memref_slice %arg17[%add3A_16, %dma_start3A_233] : memref<10240x16xf32, #tpu.memory_space<vmem_shared>> -> memref<200x16xf32, #tpu.memory_space<vmem_shared>>
      tpu.enqueue_dma source(%arg14 : memref<200x16xf32, #tpu.memory_space<vmem>>) target(%dma_start3A_234 : memref<200x16xf32, #tpu.memory_space<vmem_shared>>) target_semaphore(%run_scoped3A_230 : memref<!tpu.dma_semaphore, #tpu.memory_space<semaphore_mem>>)
      %dma_wait3A_235 = arith.constant 0 : i32
      %dma_wait3A_236 = tpu.memref_slice %arg17[%add3A_16, %dma_wait3A_235] : memref<10240x16xf32, #tpu.memory_space<vmem_shared>> -> memref<200x16xf32, #tpu.memory_space<vmem_shared>>
      %dma_wait3A_237 = arith.constant 0 : i32
      %dma_wait3A_238 = tpu.memref_slice %arg17[%add3A_16, %dma_wait3A_237] : memref<10240x16xf32, #tpu.memory_space<vmem_shared>> -> memref<200x16xf32, #tpu.memory_space<vmem_shared>>
      tpu.wait_dma2 semaphore(%run_scoped3A_230 : memref<!tpu.dma_semaphore, #tpu.memory_space<semaphore_mem>>) src(%arg14 : memref<200x16xf32, #tpu.memory_space<vmem>>) dst(%dma_wait3A_238 : memref<200x16xf32, #tpu.memory_space<vmem_shared>>)
      tpu.yield
    }) : () -> ()
    %mul3A_17 = arith.constant 640 : i32
    %mul3A_18 = arith.muli %arg1, %mul3A_17 : i32
    %add3A_19 = arith.constant 400 : i32
    %add3A_20 = arith.addi %mul3A_18, %add3A_19 : i32
    "tpu.region"() ({
      %run_scoped3A_230 = tpu.sem_alloc : memref<!tpu.dma_semaphore, #tpu.memory_space<semaphore_mem>>
      %dma_start3A_231 = arith.constant 0 : i32
      %dma_start3A_232 = tpu.memref_slice %arg17[%add3A_20, %dma_start3A_231] : memref<10240x16xf32, #tpu.memory_space<vmem_shared>> -> memref<200x16xf32, #tpu.memory_space<vmem_shared>>
      %dma_start3A_233 = arith.constant 0 : i32
      %dma_start3A_234 = tpu.memref_slice %arg17[%add3A_20, %dma_start3A_233] : memref<10240x16xf32, #tpu.memory_space<vmem_shared>> -> memref<200x16xf32, #tpu.memory_space<vmem_shared>>
      tpu.enqueue_dma source(%arg14 : memref<200x16xf32, #tpu.memory_space<vmem>>) target(%dma_start3A_234 : memref<200x16xf32, #tpu.memory_space<vmem_shared>>) target_semaphore(%run_scoped3A_230 : memref<!tpu.dma_semaphore, #tpu.memory_space<semaphore_mem>>)
      %dma_wait3A_235 = arith.constant 0 : i32
      %dma_wait3A_236 = tpu.memref_slice %arg17[%add3A_20, %dma_wait3A_235] : memref<10240x16xf32, #tpu.memory_space<vmem_shared>> -> memref<200x16xf32, #tpu.memory_space<vmem_shared>>
      %dma_wait3A_237 = arith.constant 0 : i32
      %dma_wait3A_238 = tpu.memref_slice %arg17[%add3A_20, %dma_wait3A_237] : memref<10240x16xf32, #tpu.memory_space<vmem_shared>> -> memref<200x16xf32, #tpu.memory_space<vmem_shared>>
      tpu.wait_dma2 semaphore(%run_scoped3A_230 : memref<!tpu.dma_semaphore, #tpu.memory_space<semaphore_mem>>) src(%arg14 : memref<200x16xf32, #tpu.memory_space<vmem>>) dst(%dma_wait3A_238 : memref<200x16xf32, #tpu.memory_space<vmem_shared>>)
      tpu.yield
    }) : () -> ()
    %mul3A_21 = arith.constant 640 : i32
    %mul3A_22 = arith.muli %arg1, %mul3A_21 : i32
    %add3A_23 = arith.constant 600 : i32
    %add3A_24 = arith.addi %mul3A_22, %add3A_23 : i32
    "tpu.region"() ({
      %run_scoped3A_230 = tpu.sem_alloc : memref<!tpu.dma_semaphore, #tpu.memory_space<semaphore_mem>>
      %dma_start3A_231 = arith.constant 0 : i32
      %dma_start3A_232 = arith.constant 0 : i32
      %dma_start3A_233 = tpu.memref_slice %arg14[%dma_start3A_231, %dma_start3A_232] : memref<200x16xf32, #tpu.memory_space<vmem>> -> memref<40x16xf32, #tpu.memory_space<vmem>>
      %dma_start3A_234 = arith.constant 0 : i32
      %dma_start3A_235 = tpu.memref_slice %arg17[%add3A_24, %dma_start3A_234] : memref<10240x16xf32, #tpu.memory_space<vmem_shared>> -> memref<40x16xf32, #tpu.memory_space<vmem_shared>>
      %dma_start3A_236 = arith.constant 0 : i32
      %dma_start3A_237 = tpu.memref_slice %arg17[%add3A_24, %dma_start3A_236] : memref<10240x16xf32, #tpu.memory_space<vmem_shared>> -> memref<40x16xf32, #tpu.memory_space<vmem_shared>>
      %dma_start3A_238 = arith.constant 0 : i32
      %dma_start3A_239 = arith.constant 0 : i32
      %dma_start3A_240 = tpu.memref_slice %arg14[%dma_start3A_238, %dma_start3A_239] : memref<200x16xf32, #tpu.memory_space<vmem>> -> memref<40x16xf32, #tpu.memory_space<vmem>>
      tpu.enqueue_dma source(%dma_start3A_240 : memref<40x16xf32, #tpu.memory_space<vmem>>) target(%dma_start3A_237 : memref<40x16xf32, #tpu.memory_space<vmem_shared>>) target_semaphore(%run_scoped3A_230 : memref<!tpu.dma_semaphore, #tpu.memory_space<semaphore_mem>>)
      %dma_wait3A_241 = arith.constant 0 : i32
      %dma_wait3A_242 = arith.constant 0 : i32
      %dma_wait3A_243 = tpu.memref_slice %arg14[%dma_wait3A_241, %dma_wait3A_242] : memref<200x16xf32, #tpu.memory_space<vmem>> -> memref<40x16xf32, #tpu.memory_space<vmem>>
      %dma_wait3A_244 = arith.constant 0 : i32
      %dma_wait3A_245 = tpu.memref_slice %arg17[%add3A_24, %dma_wait3A_244] : memref<10240x16xf32, #tpu.memory_space<vmem_shared>> -> memref<40x16xf32, #tpu.memory_space<vmem_shared>>
      %dma_wait3A_246 = arith.constant 0 : i32
      %dma_wait3A_247 = tpu.memref_slice %arg17[%add3A_24, %dma_wait3A_246] : memref<10240x16xf32, #tpu.memory_space<vmem_shared>> -> memref<40x16xf32, #tpu.memory_space<vmem_shared>>
      %dma_wait3A_248 = arith.constant 0 : i32
      %dma_wait3A_249 = arith.constant 0 : i32
      %dma_wait3A_250 = tpu.memref_slice %arg14[%dma_wait3A_248, %dma_wait3A_249] : memref<200x16xf32, #tpu.memory_space<vmem>> -> memref<40x16xf32, #tpu.memory_space<vmem>>
      tpu.wait_dma2 semaphore(%run_scoped3A_230 : memref<!tpu.dma_semaphore, #tpu.memory_space<semaphore_mem>>) src(%dma_wait3A_250 : memref<40x16xf32, #tpu.memory_space<vmem>>) dst(%dma_wait3A_247 : memref<40x16xf32, #tpu.memory_space<vmem_shared>>)
      tpu.yield
    }) : () -> ()
    %barrier3A = arith.constant 0 : index
    tpu.barrier barrier_id(%barrier3A)
    %add3A_25 = arith.constant 0 : i32
    %add3A_26 = arith.addi %mul3A_2, %add3A_25 : i32
    %dma_start3A = arith.constant 0 : i32
    %dma_start3A_27 = tpu.memref_slice %arg3[%dma_start3A, %add3A_26] : memref<16x160000xf32, #tpu.memory_space<hbm>> -> memref<16x200xf32, #tpu.memory_space<hbm>>
    %dma_start3A_28 = arith.constant 0 : i32
    %dma_start3A_29 = tpu.memref_slice %arg3[%dma_start3A_28, %add3A_26] : memref<16x160000xf32, #tpu.memory_space<hbm>> -> memref<16x200xf32, #tpu.memory_space<hbm>>
    tpu.enqueue_dma source(%dma_start3A_29 : memref<16x200xf32, #tpu.memory_space<hbm>>) target(%arg8 : memref<16x200xf32, #tpu.memory_space<vmem>>) target_semaphore(%arg18 : memref<!tpu.dma_semaphore, #tpu.memory_space<semaphore_mem>>)
    %dma_start3A_30 = arith.constant 0 : i32
    %dma_start3A_31 = tpu.memref_slice %arg6[%dma_start3A_30] : memref<5000xi32, #tpu.memory_space<vmem>> -> memref<200xi32, #tpu.memory_space<vmem>>
    %dma_start3A_32 = arith.constant 0 : i32
    %dma_start3A_33 = arith.constant 0 : i32
    %dma_start3A_34 = tpu.memref_slice %arg2[%dma_start3A_32, %dma_start3A_33] : memref<10000x144xf32, #tpu.memory_space<hbm>> -> memref<10000x144xf32, #tpu.memory_space<hbm>>
    tpu.enqueue_indirect_dma source(%dma_start3A_34 : memref<10000x144xf32, #tpu.memory_space<hbm>>) target(%arg11 : memref<200x144xf32, #tpu.memory_space<vmem>>) offsets(%dma_start3A_31 : memref<200xi32, #tpu.memory_space<vmem>>) semaphore(%arg18 : memref<!tpu.dma_semaphore, #tpu.memory_space<semaphore_mem>>)
    %add3A_35 = arith.constant 200 : i32
    %add3A_36 = arith.addi %mul3A_2, %add3A_35 : i32
    %dma_start3A_37 = arith.constant 0 : i32
    %dma_start3A_38 = tpu.memref_slice %arg3[%dma_start3A_37, %add3A_36] : memref<16x160000xf32, #tpu.memory_space<hbm>> -> memref<16x200xf32, #tpu.memory_space<hbm>>
    %dma_start3A_39 = arith.constant 0 : i32
    %dma_start3A_40 = tpu.memref_slice %arg3[%dma_start3A_39, %add3A_36] : memref<16x160000xf32, #tpu.memory_space<hbm>> -> memref<16x200xf32, #tpu.memory_space<hbm>>
    tpu.enqueue_dma source(%dma_start3A_40 : memref<16x200xf32, #tpu.memory_space<hbm>>) target(%arg9 : memref<16x200xf32, #tpu.memory_space<vmem>>) target_semaphore(%arg19 : memref<!tpu.dma_semaphore, #tpu.memory_space<semaphore_mem>>)
    %dma_start3A_41 = arith.constant 200 : i32
    %dma_start3A_42 = tpu.memref_slice %arg6[%dma_start3A_41] : memref<5000xi32, #tpu.memory_space<vmem>> -> memref<200xi32, #tpu.memory_space<vmem>>
    %dma_start3A_43 = arith.constant 0 : i32
    %dma_start3A_44 = arith.constant 0 : i32
    %dma_start3A_45 = tpu.memref_slice %arg2[%dma_start3A_43, %dma_start3A_44] : memref<10000x144xf32, #tpu.memory_space<hbm>> -> memref<10000x144xf32, #tpu.memory_space<hbm>>
    tpu.enqueue_indirect_dma source(%dma_start3A_45 : memref<10000x144xf32, #tpu.memory_space<hbm>>) target(%arg12 : memref<200x144xf32, #tpu.memory_space<vmem>>) offsets(%dma_start3A_42 : memref<200xi32, #tpu.memory_space<vmem>>) semaphore(%arg19 : memref<!tpu.dma_semaphore, #tpu.memory_space<semaphore_mem>>)
    %dma_start3A_46 = arith.constant 0 : i32
    %dma_start3A_47 = tpu.memref_slice %arg7[%dma_start3A_46] : memref<5000xi32, #tpu.memory_space<vmem>> -> memref<200xi32, #tpu.memory_space<vmem>>
    %dma_start3A_48 = arith.constant 0 : i32
    %dma_start3A_49 = arith.constant 0 : i32
    %dma_start3A_50 = tpu.memref_slice %arg17[%dma_start3A_48, %dma_start3A_49] : memref<10240x16xf32, #tpu.memory_space<vmem_shared>> -> memref<10240x16xf32, #tpu.memory_space<vmem_shared>>
    tpu.enqueue_indirect_dma source(%arg14 : memref<200x16xf32, #tpu.memory_space<vmem>>) target(%dma_start3A_50 : memref<10240x16xf32, #tpu.memory_space<vmem_shared>>) offsets(%dma_start3A_47 : memref<200xi32, #tpu.memory_space<vmem>>) semaphore(%arg21 : memref<!tpu.dma_semaphore, #tpu.memory_space<semaphore_mem>>) {add = true}
    %dma_start3A_51 = arith.constant 0 : i32
    %dma_start3A_52 = tpu.memref_slice %arg7[%dma_start3A_51] : memref<5000xi32, #tpu.memory_space<vmem>> -> memref<200xi32, #tpu.memory_space<vmem>>
    %dma_start3A_53 = arith.constant 0 : i32
    %dma_start3A_54 = arith.constant 0 : i32
    %dma_start3A_55 = tpu.memref_slice %arg17[%dma_start3A_53, %dma_start3A_54] : memref<10240x16xf32, #tpu.memory_space<vmem_shared>> -> memref<10240x16xf32, #tpu.memory_space<vmem_shared>>
    tpu.enqueue_indirect_dma source(%arg15 : memref<200x16xf32, #tpu.memory_space<vmem>>) target(%dma_start3A_55 : memref<10240x16xf32, #tpu.memory_space<vmem_shared>>) offsets(%dma_start3A_52 : memref<200xi32, #tpu.memory_space<vmem>>) semaphore(%arg22 : memref<!tpu.dma_semaphore, #tpu.memory_space<semaphore_mem>>) {add = true}
    %dma_start3A_56 = arith.constant 0 : i32
    %dma_start3A_57 = tpu.memref_slice %arg7[%dma_start3A_56] : memref<5000xi32, #tpu.memory_space<vmem>> -> memref<200xi32, #tpu.memory_space<vmem>>
    %dma_start3A_58 = arith.constant 0 : i32
    %dma_start3A_59 = arith.constant 0 : i32
    %dma_start3A_60 = tpu.memref_slice %arg17[%dma_start3A_58, %dma_start3A_59] : memref<10240x16xf32, #tpu.memory_space<vmem_shared>> -> memref<10240x16xf32, #tpu.memory_space<vmem_shared>>
    tpu.enqueue_indirect_dma source(%arg16 : memref<200x16xf32, #tpu.memory_space<vmem>>) target(%dma_start3A_60 : memref<10240x16xf32, #tpu.memory_space<vmem_shared>>) offsets(%dma_start3A_57 : memref<200xi32, #tpu.memory_space<vmem>>) semaphore(%arg23 : memref<!tpu.dma_semaphore, #tpu.memory_space<semaphore_mem>>) {add = true}
    %scan3A_61 = arith.constant 0 : i32
    %scan3A_62 = arith.constant 0 : i32
    %scan3A_63 = arith.constant 7 : i32
    %scan3A_64 = arith.addi %scan3A_62, %scan3A_63 : i32
    %scan3A_65 = arith.constant 1 : i32
    scf.for %scan3A_230 = %scan3A_62 to %scan3A_64 step %scan3A_65  : i32 {
      %mul3A_231 = arith.constant 3 : i32
      %mul3A_232 = arith.muli %mul3A_231, %scan3A_230 : i32
      %dma_wait3A_233 = arith.constant 0 : i32
      %dma_wait3A_234 = arith.constant 0 : i32
      %dma_wait3A_235 = tpu.memref_slice %arg3[%dma_wait3A_233, %dma_wait3A_234] : memref<16x160000xf32, #tpu.memory_space<hbm>> -> memref<16x200xf32, #tpu.memory_space<hbm>>
      %dma_wait3A_236 = arith.constant 0 : i32
      %dma_wait3A_237 = arith.constant 0 : i32
      %dma_wait3A_238 = tpu.memref_slice %arg3[%dma_wait3A_236, %dma_wait3A_237] : memref<16x160000xf32, #tpu.memory_space<hbm>> -> memref<16x200xf32, #tpu.memory_space<hbm>>
      tpu.wait_dma2 semaphore(%arg18 : memref<!tpu.dma_semaphore, #tpu.memory_space<semaphore_mem>>) src(%dma_wait3A_238 : memref<16x200xf32, #tpu.memory_space<hbm>>) dst(%arg8 : memref<16x200xf32, #tpu.memory_space<vmem>>)
      %dma_wait3A_239 = arith.constant 0 : i32
      %dma_wait3A_240 = arith.constant 0 : i32
      %dma_wait3A_241 = tpu.memref_slice %arg2[%dma_wait3A_239, %dma_wait3A_240] : memref<10000x144xf32, #tpu.memory_space<hbm>> -> memref<200x144xf32, #tpu.memory_space<hbm>>
      %dma_wait3A_242 = arith.constant 0 : i32
      %dma_wait3A_243 = arith.constant 0 : i32
      %dma_wait3A_244 = tpu.memref_slice %arg2[%dma_wait3A_242, %dma_wait3A_243] : memref<10000x144xf32, #tpu.memory_space<hbm>> -> memref<200x144xf32, #tpu.memory_space<hbm>>
      tpu.wait_dma2 semaphore(%arg18 : memref<!tpu.dma_semaphore, #tpu.memory_space<semaphore_mem>>) src(%dma_wait3A_244 : memref<200x144xf32, #tpu.memory_space<hbm>>) dst(%arg11 : memref<200x144xf32, #tpu.memory_space<vmem>>)
      %add3A_245 = arith.constant 0 : i32
      %add3A_246 = arith.addi %mul3A_232, %add3A_245 : i32
      %add3A_247 = arith.constant 2 : i32
      %add3A_248 = arith.addi %add3A_246, %add3A_247 : i32
      %mul3A_249 = arith.constant 200 : i32
      %mul3A_250 = arith.muli %add3A_248, %mul3A_249 : i32
      %add3A_251 = arith.addi %mul3A_2, %mul3A_250 : i32
      %dma_start3A_252 = arith.constant 0 : i32
      %dma_start3A_253 = tpu.memref_slice %arg3[%dma_start3A_252, %add3A_251] : memref<16x160000xf32, #tpu.memory_space<hbm>> -> memref<16x200xf32, #tpu.memory_space<hbm>>
      %dma_start3A_254 = arith.constant 0 : i32
      %dma_start3A_255 = tpu.memref_slice %arg3[%dma_start3A_254, %add3A_251] : memref<16x160000xf32, #tpu.memory_space<hbm>> -> memref<16x200xf32, #tpu.memory_space<hbm>>
      tpu.enqueue_dma source(%dma_start3A_255 : memref<16x200xf32, #tpu.memory_space<hbm>>) target(%arg10 : memref<16x200xf32, #tpu.memory_space<vmem>>) target_semaphore(%arg20 : memref<!tpu.dma_semaphore, #tpu.memory_space<semaphore_mem>>)
      %mul3A_256 = arith.constant 200 : i32
      %mul3A_257 = arith.muli %add3A_248, %mul3A_256 : i32
      %dma_start3A_258 = tpu.memref_slice %arg6[%mul3A_257] : memref<5000xi32, #tpu.memory_space<vmem>> -> memref<200xi32, #tpu.memory_space<vmem>>
      %dma_start3A_259 = arith.constant 0 : i32
      %dma_start3A_260 = arith.constant 0 : i32
      %dma_start3A_261 = tpu.memref_slice %arg2[%dma_start3A_259, %dma_start3A_260] : memref<10000x144xf32, #tpu.memory_space<hbm>> -> memref<10000x144xf32, #tpu.memory_space<hbm>>
      tpu.enqueue_indirect_dma source(%dma_start3A_261 : memref<10000x144xf32, #tpu.memory_space<hbm>>) target(%arg13 : memref<200x144xf32, #tpu.memory_space<vmem>>) offsets(%dma_start3A_258 : memref<200xi32, #tpu.memory_space<vmem>>) semaphore(%arg20 : memref<!tpu.dma_semaphore, #tpu.memory_space<semaphore_mem>>)
      %add3A_262 = arith.constant 0 : i32
      %add3A_263 = arith.addi %mul3A_232, %add3A_262 : i32
      %dma_wait3A_264 = arith.constant 0 : i32
      %dma_wait3A_265 = arith.constant 0 : i32
      %dma_wait3A_266 = tpu.memref_slice %arg17[%dma_wait3A_264, %dma_wait3A_265] : memref<10240x16xf32, #tpu.memory_space<vmem_shared>> -> memref<200x16xf32, #tpu.memory_space<vmem_shared>>
      %dma_wait3A_267 = arith.constant 0 : i32
      %dma_wait3A_268 = arith.constant 0 : i32
      %dma_wait3A_269 = tpu.memref_slice %arg17[%dma_wait3A_267, %dma_wait3A_268] : memref<10240x16xf32, #tpu.memory_space<vmem_shared>> -> memref<200x16xf32, #tpu.memory_space<vmem_shared>>
      tpu.wait_dma2 semaphore(%arg21 : memref<!tpu.dma_semaphore, #tpu.memory_space<semaphore_mem>>) src(%arg14 : memref<200x16xf32, #tpu.memory_space<vmem>>) dst(%dma_wait3A_269 : memref<200x16xf32, #tpu.memory_space<vmem_shared>>)
      %iota3A_270 = tpu.iota {dimensions = array<i32: 0>} : vector<16xi32>
      %scan3A_271 = arith.constant 0 : i32
      %scan3A_272 = arith.constant 0 : i32
      %scan3A_273 = arith.constant 200 : i32
      %scan3A_274 = arith.addi %scan3A_272, %scan3A_273 : i32
      %scan3A_275 = arith.constant 1 : i32
      scf.for %scan3A_383 = %scan3A_272 to %scan3A_274 step %scan3A_275  : i32 {
        %broadcast_in_dim3A = vector.broadcast %scan3A_383 : i32 to vector<16xi32>
        %gather3A = tpu.vector_load_idx %arg8[%iota3A_270, %broadcast_in_dim3A] : memref<16x200xf32, #tpu.memory_space<vmem>>[vector<16xi32>, vector<16xi32>], vector<16xf32>,
        %get3A = arith.index_cast %scan3A_383 : i32 to index
        %get3A_384 = arith.constant 128 : index
        %get3A_385 = tpu.vector_load %arg11[%get3A, %get3A_384] {strides = array<i32>} : memref<200x144xf32, #tpu.memory_space<vmem>>, vector<16xf32>,
        %bitcast3A = vector.bitcast %get3A_385 : vector<16xf32> to vector<16xi32>
        %shift_left3A = arith.constant 16 : i32
        %shift_left3A_386 = vector.broadcast %shift_left3A : i32 to vector<16xi32>
        %shift_left3A_387 = arith.shli %bitcast3A, %shift_left3A_386 : vector<16xi32>
        %bitcast3A_388 = vector.bitcast %shift_left3A_387 : vector<16xi32> to vector<16xf32>
        %and3A = arith.constant -65536 : i32
        %and3A_389 = vector.broadcast %and3A : i32 to vector<16xi32>
        %and3A_390 = arith.andi %bitcast3A, %and3A_389 : vector<16xi32>
        %bitcast3A_391 = vector.bitcast %and3A_390 : vector<16xi32> to vector<16xf32>
        %get3A_392 = arith.index_cast %scan3A_383 : i32 to index
        %get3A_393 = arith.constant 0 : index
        %get3A_394 = tpu.vector_load %arg11[%get3A_392, %get3A_393] {strides = array<i32>} : memref<200x144xf32, #tpu.memory_space<vmem>>, vector<16xf32>,
        %bitcast3A_395 = vector.bitcast %get3A_394 : vector<16xf32> to vector<16xi32>
        %shift_left3A_396 = arith.constant 16 : i32
        %shift_left3A_397 = vector.broadcast %shift_left3A_396 : i32 to vector<16xi32>
        %shift_left3A_398 = arith.shli %bitcast3A_395, %shift_left3A_397 : vector<16xi32>
        %bitcast3A_399 = vector.bitcast %shift_left3A_398 : vector<16xi32> to vector<16xf32>
        %and3A_400 = arith.constant -65536 : i32
        %and3A_401 = vector.broadcast %and3A_400 : i32 to vector<16xi32>
        %and3A_402 = arith.andi %bitcast3A_395, %and3A_401 : vector<16xi32>
        %bitcast3A_403 = vector.bitcast %and3A_402 : vector<16xi32> to vector<16xf32>
        %slice3A = vector.extract_strided_slice %gather3A {offsets = [0], sizes = [1], strides = [1]} : vector<16xf32> to vector<1xf32>
        %squeeze3A = vector.extract %slice3A[0] : f32 from vector<1xf32>
        %mul3A_404 = vector.broadcast %squeeze3A : f32 to vector<16xf32>
        %mul3A_405 = arith.mulf %mul3A_404, %bitcast3A_399 : vector<16xf32>
        %slice3A_406 = vector.extract_strided_slice %gather3A {offsets = [1], sizes = [1], strides = [1]} : vector<16xf32> to vector<1xf32>
        %squeeze3A_407 = vector.extract %slice3A_406[0] : f32 from vector<1xf32>
        %mul3A_408 = vector.broadcast %squeeze3A_407 : f32 to vector<16xf32>
        %mul3A_409 = arith.mulf %mul3A_408, %bitcast3A_403 : vector<16xf32>
        %add3A_410 = arith.addf %mul3A_405, %mul3A_409 : vector<16xf32>
        %get3A_411 = arith.index_cast %scan3A_383 : i32 to index
        %get3A_412 = arith.constant 16 : index
        %get3A_413 = tpu.vector_load %arg11[%get3A_411, %get3A_412] {strides = array<i32>} : memref<200x144xf32, #tpu.memory_space<vmem>>, vector<16xf32>,
        %bitcast3A_414 = vector.bitcast %get3A_413 : vector<16xf32> to vector<16xi32>
        %shift_left3A_415 = arith.constant 16 : i32
        %shift_left3A_416 = vector.broadcast %shift_left3A_415 : i32 to vector<16xi32>
        %shift_left3A_417 = arith.shli %bitcast3A_414, %shift_left3A_416 : vector<16xi32>
        %bitcast3A_418 = vector.bitcast %shift_left3A_417 : vector<16xi32> to vector<16xf32>
        %and3A_419 = arith.constant -65536 : i32
        %and3A_420 = vector.broadcast %and3A_419 : i32 to vector<16xi32>
        %and3A_421 = arith.andi %bitcast3A_414, %and3A_420 : vector<16xi32>
        %bitcast3A_422 = vector.bitcast %and3A_421 : vector<16xi32> to vector<16xf32>
        %slice3A_423 = vector.extract_strided_slice %gather3A {offsets = [2], sizes = [1], strides = [1]} : vector<16xf32> to vector<1xf32>
        %squeeze3A_424 = vector.extract %slice3A_423[0] : f32 from vector<1xf32>
        %mul3A_425 = vector.broadcast %squeeze3A_424 : f32 to vector<16xf32>
        %mul3A_426 = arith.mulf %mul3A_425, %bitcast3A_418 : vector<16xf32>
        %slice3A_427 = vector.extract_strided_slice %gather3A {offsets = [3], sizes = [1], strides = [1]} : vector<16xf32> to vector<1xf32>
        %squeeze3A_428 = vector.extract %slice3A_427[0] : f32 from vector<1xf32>
        %mul3A_429 = vector.broadcast %squeeze3A_428 : f32 to vector<16xf32>
        %mul3A_430 = arith.mulf %mul3A_429, %bitcast3A_422 : vector<16xf32>
        %add3A_431 = arith.addf %mul3A_426, %mul3A_430 : vector<16xf32>
        %get3A_432 = arith.index_cast %scan3A_383 : i32 to index
        %get3A_433 = arith.constant 32 : index
        %get3A_434 = tpu.vector_load %arg11[%get3A_432, %get3A_433] {strides = array<i32>} : memref<200x144xf32, #tpu.memory_space<vmem>>, vector<16xf32>,
        %bitcast3A_435 = vector.bitcast %get3A_434 : vector<16xf32> to vector<16xi32>
        %shift_left3A_436 = arith.constant 16 : i32
        %shift_left3A_437 = vector.broadcast %shift_left3A_436 : i32 to vector<16xi32>
        %shift_left3A_438 = arith.shli %bitcast3A_435, %shift_left3A_437 : vector<16xi32>
        %bitcast3A_439 = vector.bitcast %shift_left3A_438 : vector<16xi32> to vector<16xf32>
        %and3A_440 = arith.constant -65536 : i32
        %and3A_441 = vector.broadcast %and3A_440 : i32 to vector<16xi32>
        %and3A_442 = arith.andi %bitcast3A_435, %and3A_441 : vector<16xi32>
        %bitcast3A_443 = vector.bitcast %and3A_442 : vector<16xi32> to vector<16xf32>
        %slice3A_444 = vector.extract_strided_slice %gather3A {offsets = [4], sizes = [1], strides = [1]} : vector<16xf32> to vector<1xf32>
        %squeeze3A_445 = vector.extract %slice3A_444[0] : f32 from vector<1xf32>
        %mul3A_446 = vector.broadcast %squeeze3A_445 : f32 to vector<16xf32>
        %mul3A_447 = arith.mulf %mul3A_446, %bitcast3A_439 : vector<16xf32>
        %slice3A_448 = vector.extract_strided_slice %gather3A {offsets = [5], sizes = [1], strides = [1]} : vector<16xf32> to vector<1xf32>
        %squeeze3A_449 = vector.extract %slice3A_448[0] : f32 from vector<1xf32>
        %mul3A_450 = vector.broadcast %squeeze3A_449 : f32 to vector<16xf32>
        %mul3A_451 = arith.mulf %mul3A_450, %bitcast3A_443 : vector<16xf32>
        %add3A_452 = arith.addf %mul3A_447, %mul3A_451 : vector<16xf32>
        %get3A_453 = arith.index_cast %scan3A_383 : i32 to index
        %get3A_454 = arith.constant 48 : index
        %get3A_455 = tpu.vector_load %arg11[%get3A_453, %get3A_454] {strides = array<i32>} : memref<200x144xf32, #tpu.memory_space<vmem>>, vector<16xf32>,
        %bitcast3A_456 = vector.bitcast %get3A_455 : vector<16xf32> to vector<16xi32>
        %shift_left3A_457 = arith.constant 16 : i32
        %shift_left3A_458 = vector.broadcast %shift_left3A_457 : i32 to vector<16xi32>
        %shift_left3A_459 = arith.shli %bitcast3A_456, %shift_left3A_458 : vector<16xi32>
        %bitcast3A_460 = vector.bitcast %shift_left3A_459 : vector<16xi32> to vector<16xf32>
        %and3A_461 = arith.constant -65536 : i32
        %and3A_462 = vector.broadcast %and3A_461 : i32 to vector<16xi32>
        %and3A_463 = arith.andi %bitcast3A_456, %and3A_462 : vector<16xi32>
        %bitcast3A_464 = vector.bitcast %and3A_463 : vector<16xi32> to vector<16xf32>
        %slice3A_465 = vector.extract_strided_slice %gather3A {offsets = [6], sizes = [1], strides = [1]} : vector<16xf32> to vector<1xf32>
        %squeeze3A_466 = vector.extract %slice3A_465[0] : f32 from vector<1xf32>
        %mul3A_467 = vector.broadcast %squeeze3A_466 : f32 to vector<16xf32>
        %mul3A_468 = arith.mulf %mul3A_467, %bitcast3A_460 : vector<16xf32>
        %slice3A_469 = vector.extract_strided_slice %gather3A {offsets = [7], sizes = [1], strides = [1]} : vector<16xf32> to vector<1xf32>
        %squeeze3A_470 = vector.extract %slice3A_469[0] : f32 from vector<1xf32>
        %mul3A_471 = vector.broadcast %squeeze3A_470 : f32 to vector<16xf32>
        %mul3A_472 = arith.mulf %mul3A_471, %bitcast3A_464 : vector<16xf32>
        %add3A_473 = arith.addf %mul3A_468, %mul3A_472 : vector<16xf32>
        %get3A_474 = arith.index_cast %scan3A_383 : i32 to index
        %get3A_475 = arith.constant 64 : index
        %get3A_476 = tpu.vector_load %arg11[%get3A_474, %get3A_475] {strides = array<i32>} : memref<200x144xf32, #tpu.memory_space<vmem>>, vector<16xf32>,
        %bitcast3A_477 = vector.bitcast %get3A_476 : vector<16xf32> to vector<16xi32>
        %shift_left3A_478 = arith.constant 16 : i32
        %shift_left3A_479 = vector.broadcast %shift_left3A_478 : i32 to vector<16xi32>
        %shift_left3A_480 = arith.shli %bitcast3A_477, %shift_left3A_479 : vector<16xi32>
        %bitcast3A_481 = vector.bitcast %shift_left3A_480 : vector<16xi32> to vector<16xf32>
        %and3A_482 = arith.constant -65536 : i32
        %and3A_483 = vector.broadcast %and3A_482 : i32 to vector<16xi32>
        %and3A_484 = arith.andi %bitcast3A_477, %and3A_483 : vector<16xi32>
        %bitcast3A_485 = vector.bitcast %and3A_484 : vector<16xi32> to vector<16xf32>
        %slice3A_486 = vector.extract_strided_slice %gather3A {offsets = [8], sizes = [1], strides = [1]} : vector<16xf32> to vector<1xf32>
        %squeeze3A_487 = vector.extract %slice3A_486[0] : f32 from vector<1xf32>
        %mul3A_488 = vector.broadcast %squeeze3A_487 : f32 to vector<16xf32>
        %mul3A_489 = arith.mulf %mul3A_488, %bitcast3A_481 : vector<16xf32>
        %slice3A_490 = vector.extract_strided_slice %gather3A {offsets = [9], sizes = [1], strides = [1]} : vector<16xf32> to vector<1xf32>
        %squeeze3A_491 = vector.extract %slice3A_490[0] : f32 from vector<1xf32>
        %mul3A_492 = vector.broadcast %squeeze3A_491 : f32 to vector<16xf32>
        %mul3A_493 = arith.mulf %mul3A_492, %bitcast3A_485 : vector<16xf32>
        %add3A_494 = arith.addf %mul3A_489, %mul3A_493 : vector<16xf32>
        %get3A_495 = arith.index_cast %scan3A_383 : i32 to index
        %get3A_496 = arith.constant 80 : index
        %get3A_497 = tpu.vector_load %arg11[%get3A_495, %get3A_496] {strides = array<i32>} : memref<200x144xf32, #tpu.memory_space<vmem>>, vector<16xf32>,
        %bitcast3A_498 = vector.bitcast %get3A_497 : vector<16xf32> to vector<16xi32>
        %shift_left3A_499 = arith.constant 16 : i32
        %shift_left3A_500 = vector.broadcast %shift_left3A_499 : i32 to vector<16xi32>
        %shift_left3A_501 = arith.shli %bitcast3A_498, %shift_left3A_500 : vector<16xi32>
        %bitcast3A_502 = vector.bitcast %shift_left3A_501 : vector<16xi32> to vector<16xf32>
        %and3A_503 = arith.constant -65536 : i32
        %and3A_504 = vector.broadcast %and3A_503 : i32 to vector<16xi32>
        %and3A_505 = arith.andi %bitcast3A_498, %and3A_504 : vector<16xi32>
        %bitcast3A_506 = vector.bitcast %and3A_505 : vector<16xi32> to vector<16xf32>
        %slice3A_507 = vector.extract_strided_slice %gather3A {offsets = [10], sizes = [1], strides = [1]} : vector<16xf32> to vector<1xf32>
        %squeeze3A_508 = vector.extract %slice3A_507[0] : f32 from vector<1xf32>
        %mul3A_509 = vector.broadcast %squeeze3A_508 : f32 to vector<16xf32>
        %mul3A_510 = arith.mulf %mul3A_509, %bitcast3A_502 : vector<16xf32>
        %slice3A_511 = vector.extract_strided_slice %gather3A {offsets = [11], sizes = [1], strides = [1]} : vector<16xf32> to vector<1xf32>
        %squeeze3A_512 = vector.extract %slice3A_511[0] : f32 from vector<1xf32>
        %mul3A_513 = vector.broadcast %squeeze3A_512 : f32 to vector<16xf32>
        %mul3A_514 = arith.mulf %mul3A_513, %bitcast3A_506 : vector<16xf32>
        %add3A_515 = arith.addf %mul3A_510, %mul3A_514 : vector<16xf32>
        %get3A_516 = arith.index_cast %scan3A_383 : i32 to index
        %get3A_517 = arith.constant 96 : index
        %get3A_518 = tpu.vector_load %arg11[%get3A_516, %get3A_517] {strides = array<i32>} : memref<200x144xf32, #tpu.memory_space<vmem>>, vector<16xf32>,
        %bitcast3A_519 = vector.bitcast %get3A_518 : vector<16xf32> to vector<16xi32>
        %shift_left3A_520 = arith.constant 16 : i32
        %shift_left3A_521 = vector.broadcast %shift_left3A_520 : i32 to vector<16xi32>
        %shift_left3A_522 = arith.shli %bitcast3A_519, %shift_left3A_521 : vector<16xi32>
        %bitcast3A_523 = vector.bitcast %shift_left3A_522 : vector<16xi32> to vector<16xf32>
        %and3A_524 = arith.constant -65536 : i32
        %and3A_525 = vector.broadcast %and3A_524 : i32 to vector<16xi32>
        %and3A_526 = arith.andi %bitcast3A_519, %and3A_525 : vector<16xi32>
        %bitcast3A_527 = vector.bitcast %and3A_526 : vector<16xi32> to vector<16xf32>
        %slice3A_528 = vector.extract_strided_slice %gather3A {offsets = [12], sizes = [1], strides = [1]} : vector<16xf32> to vector<1xf32>
        %squeeze3A_529 = vector.extract %slice3A_528[0] : f32 from vector<1xf32>
        %mul3A_530 = vector.broadcast %squeeze3A_529 : f32 to vector<16xf32>
        %mul3A_531 = arith.mulf %mul3A_530, %bitcast3A_523 : vector<16xf32>
        %slice3A_532 = vector.extract_strided_slice %gather3A {offsets = [13], sizes = [1], strides = [1]} : vector<16xf32> to vector<1xf32>
        %squeeze3A_533 = vector.extract %slice3A_532[0] : f32 from vector<1xf32>
        %mul3A_534 = vector.broadcast %squeeze3A_533 : f32 to vector<16xf32>
        %mul3A_535 = arith.mulf %mul3A_534, %bitcast3A_527 : vector<16xf32>
        %add3A_536 = arith.addf %mul3A_531, %mul3A_535 : vector<16xf32>
        %get3A_537 = arith.index_cast %scan3A_383 : i32 to index
        %get3A_538 = arith.constant 112 : index
        %get3A_539 = tpu.vector_load %arg11[%get3A_537, %get3A_538] {strides = array<i32>} : memref<200x144xf32, #tpu.memory_space<vmem>>, vector<16xf32>,
        %bitcast3A_540 = vector.bitcast %get3A_539 : vector<16xf32> to vector<16xi32>
        %shift_left3A_541 = arith.constant 16 : i32
        %shift_left3A_542 = vector.broadcast %shift_left3A_541 : i32 to vector<16xi32>
        %shift_left3A_543 = arith.shli %bitcast3A_540, %shift_left3A_542 : vector<16xi32>
        %bitcast3A_544 = vector.bitcast %shift_left3A_543 : vector<16xi32> to vector<16xf32>
        %and3A_545 = arith.constant -65536 : i32
        %and3A_546 = vector.broadcast %and3A_545 : i32 to vector<16xi32>
        %and3A_547 = arith.andi %bitcast3A_540, %and3A_546 : vector<16xi32>
        %bitcast3A_548 = vector.bitcast %and3A_547 : vector<16xi32> to vector<16xf32>
        %slice3A_549 = vector.extract_strided_slice %gather3A {offsets = [14], sizes = [1], strides = [1]} : vector<16xf32> to vector<1xf32>
        %squeeze3A_550 = vector.extract %slice3A_549[0] : f32 from vector<1xf32>
        %mul3A_551 = vector.broadcast %squeeze3A_550 : f32 to vector<16xf32>
        %mul3A_552 = arith.mulf %mul3A_551, %bitcast3A_544 : vector<16xf32>
        %slice3A_553 = vector.extract_strided_slice %gather3A {offsets = [15], sizes = [1], strides = [1]} : vector<16xf32> to vector<1xf32>
        %squeeze3A_554 = vector.extract %slice3A_553[0] : f32 from vector<1xf32>
        %mul3A_555 = vector.broadcast %squeeze3A_554 : f32 to vector<16xf32>
        %mul3A_556 = arith.mulf %mul3A_555, %bitcast3A_548 : vector<16xf32>
        %add3A_557 = arith.addf %mul3A_552, %mul3A_556 : vector<16xf32>
        %add3A_558 = arith.addf %bitcast3A_388, %add3A_410 : vector<16xf32>
        %add3A_559 = arith.addf %add3A_431, %add3A_452 : vector<16xf32>
        %add3A_560 = arith.addf %add3A_473, %add3A_494 : vector<16xf32>
        %add3A_561 = arith.addf %add3A_515, %add3A_536 : vector<16xf32>
        %add3A_562 = arith.addf %add3A_558, %add3A_559 : vector<16xf32>
        %add3A_563 = arith.addf %add3A_560, %add3A_561 : vector<16xf32>
        %add3A_564 = arith.addf %add3A_562, %add3A_563 : vector<16xf32>
        %add3A_565 = arith.addf %add3A_564, %add3A_557 : vector<16xf32>
        %swap3A = arith.index_cast %scan3A_383 : i32 to index
        %swap3A_566 = arith.constant 0 : index
        %swap3A_567 = tpu.vector_load %arg14[%swap3A, %swap3A_566] {strides = array<i32>} : memref<200x16xf32, #tpu.memory_space<vmem>>, vector<16xf32>,
        tpu.vector_store %arg14[%swap3A, %swap3A_566], %add3A_565 {strides = array<i32>} : memref<200x16xf32, #tpu.memory_space<vmem>>, vector<16xf32>,
      }
      %scan3A_276 = arith.constant 200 : i32
      %mul3A_277 = arith.constant 200 : i32
      %mul3A_278 = arith.muli %add3A_263, %mul3A_277 : i32
      %dma_start3A_279 = tpu.memref_slice %arg7[%mul3A_278] : memref<5000xi32, #tpu.memory_space<vmem>> -> memref<200xi32, #tpu.memory_space<vmem>>
      %dma_start3A_280 = arith.constant 0 : i32
      %dma_start3A_281 = arith.constant 0 : i32
      %dma_start3A_282 = tpu.memref_slice %arg17[%dma_start3A_280, %dma_start3A_281] : memref<10240x16xf32, #tpu.memory_space<vmem_shared>> -> memref<10240x16xf32, #tpu.memory_space<vmem_shared>>
      tpu.enqueue_indirect_dma source(%arg14 : memref<200x16xf32, #tpu.memory_space<vmem>>) target(%dma_start3A_282 : memref<10240x16xf32, #tpu.memory_space<vmem_shared>>) offsets(%dma_start3A_279 : memref<200xi32, #tpu.memory_space<vmem>>) semaphore(%arg21 : memref<!tpu.dma_semaphore, #tpu.memory_space<semaphore_mem>>) {add = true}
      %dma_wait3A_283 = arith.constant 0 : i32
      %dma_wait3A_284 = arith.constant 0 : i32
      %dma_wait3A_285 = tpu.memref_slice %arg3[%dma_wait3A_283, %dma_wait3A_284] : memref<16x160000xf32, #tpu.memory_space<hbm>> -> memref<16x200xf32, #tpu.memory_space<hbm>>
      %dma_wait3A_286 = arith.constant 0 : i32
      %dma_wait3A_287 = arith.constant 0 : i32
      %dma_wait3A_288 = tpu.memref_slice %arg3[%dma_wait3A_286, %dma_wait3A_287] : memref<16x160000xf32, #tpu.memory_space<hbm>> -> memref<16x200xf32, #tpu.memory_space<hbm>>
      tpu.wait_dma2 semaphore(%arg19 : memref<!tpu.dma_semaphore, #tpu.memory_space<semaphore_mem>>) src(%dma_wait3A_288 : memref<16x200xf32, #tpu.memory_space<hbm>>) dst(%arg9 : memref<16x200xf32, #tpu.memory_space<vmem>>)
      %dma_wait3A_289 = arith.constant 0 : i32
      %dma_wait3A_290 = arith.constant 0 : i32
      %dma_wait3A_291 = tpu.memref_slice %arg2[%dma_wait3A_289, %dma_wait3A_290] : memref<10000x144xf32, #tpu.memory_space<hbm>> -> memref<200x144xf32, #tpu.memory_space<hbm>>
      %dma_wait3A_292 = arith.constant 0 : i32
      %dma_wait3A_293 = arith.constant 0 : i32
      %dma_wait3A_294 = tpu.memref_slice %arg2[%dma_wait3A_292, %dma_wait3A_293] : memref<10000x144xf32, #tpu.memory_space<hbm>> -> memref<200x144xf32, #tpu.memory_space<hbm>>
      tpu.wait_dma2 semaphore(%arg19 : memref<!tpu.dma_semaphore, #tpu.memory_space<semaphore_mem>>) src(%dma_wait3A_294 : memref<200x144xf32, #tpu.memory_space<hbm>>) dst(%arg12 : memref<200x144xf32, #tpu.memory_space<vmem>>)
      %add3A_295 = arith.constant 1 : i32
      %add3A_296 = arith.addi %mul3A_232, %add3A_295 : i32
      %add3A_297 = arith.constant 2 : i32
      %add3A_298 = arith.addi %add3A_296, %add3A_297 : i32
      %mul3A_299 = arith.constant 200 : i32
      %mul3A_300 = arith.muli %add3A_298, %mul3A_299 : i32
      %add3A_301 = arith.addi %mul3A_2, %mul3A_300 : i32
      %dma_start3A_302 = arith.constant 0 : i32
      %dma_start3A_303 = tpu.memref_slice %arg3[%dma_start3A_302, %add3A_301] : memref<16x160000xf32, #tpu.memory_space<hbm>> -> memref<16x200xf32, #tpu.memory_space<hbm>>
      %dma_start3A_304 = arith.constant 0 : i32
      %dma_start3A_305 = tpu.memref_slice %arg3[%dma_start3A_304, %add3A_301] : memref<16x160000xf32, #tpu.memory_space<hbm>> -> memref<16x200xf32, #tpu.memory_space<hbm>>
      tpu.enqueue_dma source(%dma_start3A_305 : memref<16x200xf32, #tpu.memory_space<hbm>>) target(%arg8 : memref<16x200xf32, #tpu.memory_space<vmem>>) target_semaphore(%arg18 : memref<!tpu.dma_semaphore, #tpu.memory_space<semaphore_mem>>)
      %mul3A_306 = arith.constant 200 : i32
      %mul3A_307 = arith.muli %add3A_298, %mul3A_306 : i32
      %dma_start3A_308 = tpu.memref_slice %arg6[%mul3A_307] : memref<5000xi32, #tpu.memory_space<vmem>> -> memref<200xi32, #tpu.memory_space<vmem>>
      %dma_start3A_309 = arith.constant 0 : i32
      %dma_start3A_310 = arith.constant 0 : i32
      %dma_start3A_311 = tpu.memref_slice %arg2[%dma_start3A_309, %dma_start3A_310] : memref<10000x144xf32, #tpu.memory_space<hbm>> -> memref<10000x144xf32, #tpu.memory_space<hbm>>
      tpu.enqueue_indirect_dma source(%dma_start3A_311 : memref<10000x144xf32, #tpu.memory_space<hbm>>) target(%arg11 : memref<200x144xf32, #tpu.memory_space<vmem>>) offsets(%dma_start3A_308 : memref<200xi32, #tpu.memory_space<vmem>>) semaphore(%arg18 : memref<!tpu.dma_semaphore, #tpu.memory_space<semaphore_mem>>)
      %add3A_312 = arith.constant 1 : i32
      %add3A_313 = arith.addi %mul3A_232, %add3A_312 : i32
      %dma_wait3A_314 = arith.constant 0 : i32
      %dma_wait3A_315 = arith.constant 0 : i32
      %dma_wait3A_316 = tpu.memref_slice %arg17[%dma_wait3A_314, %dma_wait3A_315] : memref<10240x16xf32, #tpu.memory_space<vmem_shared>> -> memref<200x16xf32, #tpu.memory_space<vmem_shared>>
      %dma_wait3A_317 = arith.constant 0 : i32
      %dma_wait3A_318 = arith.constant 0 : i32
      %dma_wait3A_319 = tpu.memref_slice %arg17[%dma_wait3A_317, %dma_wait3A_318] : memref<10240x16xf32, #tpu.memory_space<vmem_shared>> -> memref<200x16xf32, #tpu.memory_space<vmem_shared>>
      tpu.wait_dma2 semaphore(%arg22 : memref<!tpu.dma_semaphore, #tpu.memory_space<semaphore_mem>>) src(%arg15 : memref<200x16xf32, #tpu.memory_space<vmem>>) dst(%dma_wait3A_319 : memref<200x16xf32, #tpu.memory_space<vmem_shared>>)
      %iota3A_320 = tpu.iota {dimensions = array<i32: 0>} : vector<16xi32>
      %scan3A_321 = arith.constant 0 : i32
      %scan3A_322 = arith.constant 0 : i32
      %scan3A_323 = arith.constant 200 : i32
      %scan3A_324 = arith.addi %scan3A_322, %scan3A_323 : i32
      %scan3A_325 = arith.constant 1 : i32
      scf.for %scan3A_383 = %scan3A_322 to %scan3A_324 step %scan3A_325  : i32 {
        %broadcast_in_dim3A = vector.broadcast %scan3A_383 : i32 to vector<16xi32>
        %gather3A = tpu.vector_load_idx %arg9[%iota3A_320, %broadcast_in_dim3A] : memref<16x200xf32, #tpu.memory_space<vmem>>[vector<16xi32>, vector<16xi32>], vector<16xf32>,
        %get3A = arith.index_cast %scan3A_383 : i32 to index
        %get3A_384 = arith.constant 128 : index
        %get3A_385 = tpu.vector_load %arg12[%get3A, %get3A_384] {strides = array<i32>} : memref<200x144xf32, #tpu.memory_space<vmem>>, vector<16xf32>,
        %bitcast3A = vector.bitcast %get3A_385 : vector<16xf32> to vector<16xi32>
        %shift_left3A = arith.constant 16 : i32
        %shift_left3A_386 = vector.broadcast %shift_left3A : i32 to vector<16xi32>
        %shift_left3A_387 = arith.shli %bitcast3A, %shift_left3A_386 : vector<16xi32>
        %bitcast3A_388 = vector.bitcast %shift_left3A_387 : vector<16xi32> to vector<16xf32>
        %and3A = arith.constant -65536 : i32
        %and3A_389 = vector.broadcast %and3A : i32 to vector<16xi32>
        %and3A_390 = arith.andi %bitcast3A, %and3A_389 : vector<16xi32>
        %bitcast3A_391 = vector.bitcast %and3A_390 : vector<16xi32> to vector<16xf32>
        %get3A_392 = arith.index_cast %scan3A_383 : i32 to index
        %get3A_393 = arith.constant 0 : index
        %get3A_394 = tpu.vector_load %arg12[%get3A_392, %get3A_393] {strides = array<i32>} : memref<200x144xf32, #tpu.memory_space<vmem>>, vector<16xf32>,
        %bitcast3A_395 = vector.bitcast %get3A_394 : vector<16xf32> to vector<16xi32>
        %shift_left3A_396 = arith.constant 16 : i32
        %shift_left3A_397 = vector.broadcast %shift_left3A_396 : i32 to vector<16xi32>
        %shift_left3A_398 = arith.shli %bitcast3A_395, %shift_left3A_397 : vector<16xi32>
        %bitcast3A_399 = vector.bitcast %shift_left3A_398 : vector<16xi32> to vector<16xf32>
        %and3A_400 = arith.constant -65536 : i32
        %and3A_401 = vector.broadcast %and3A_400 : i32 to vector<16xi32>
        %and3A_402 = arith.andi %bitcast3A_395, %and3A_401 : vector<16xi32>
        %bitcast3A_403 = vector.bitcast %and3A_402 : vector<16xi32> to vector<16xf32>
        %slice3A = vector.extract_strided_slice %gather3A {offsets = [0], sizes = [1], strides = [1]} : vector<16xf32> to vector<1xf32>
        %squeeze3A = vector.extract %slice3A[0] : f32 from vector<1xf32>
        %mul3A_404 = vector.broadcast %squeeze3A : f32 to vector<16xf32>
        %mul3A_405 = arith.mulf %mul3A_404, %bitcast3A_399 : vector<16xf32>
        %slice3A_406 = vector.extract_strided_slice %gather3A {offsets = [1], sizes = [1], strides = [1]} : vector<16xf32> to vector<1xf32>
        %squeeze3A_407 = vector.extract %slice3A_406[0] : f32 from vector<1xf32>
        %mul3A_408 = vector.broadcast %squeeze3A_407 : f32 to vector<16xf32>
        %mul3A_409 = arith.mulf %mul3A_408, %bitcast3A_403 : vector<16xf32>
        %add3A_410 = arith.addf %mul3A_405, %mul3A_409 : vector<16xf32>
        %get3A_411 = arith.index_cast %scan3A_383 : i32 to index
        %get3A_412 = arith.constant 16 : index
        %get3A_413 = tpu.vector_load %arg12[%get3A_411, %get3A_412] {strides = array<i32>} : memref<200x144xf32, #tpu.memory_space<vmem>>, vector<16xf32>,
        %bitcast3A_414 = vector.bitcast %get3A_413 : vector<16xf32> to vector<16xi32>
        %shift_left3A_415 = arith.constant 16 : i32
        %shift_left3A_416 = vector.broadcast %shift_left3A_415 : i32 to vector<16xi32>
        %shift_left3A_417 = arith.shli %bitcast3A_414, %shift_left3A_416 : vector<16xi32>
        %bitcast3A_418 = vector.bitcast %shift_left3A_417 : vector<16xi32> to vector<16xf32>
        %and3A_419 = arith.constant -65536 : i32
        %and3A_420 = vector.broadcast %and3A_419 : i32 to vector<16xi32>
        %and3A_421 = arith.andi %bitcast3A_414, %and3A_420 : vector<16xi32>
        %bitcast3A_422 = vector.bitcast %and3A_421 : vector<16xi32> to vector<16xf32>
        %slice3A_423 = vector.extract_strided_slice %gather3A {offsets = [2], sizes = [1], strides = [1]} : vector<16xf32> to vector<1xf32>
        %squeeze3A_424 = vector.extract %slice3A_423[0] : f32 from vector<1xf32>
        %mul3A_425 = vector.broadcast %squeeze3A_424 : f32 to vector<16xf32>
        %mul3A_426 = arith.mulf %mul3A_425, %bitcast3A_418 : vector<16xf32>
        %slice3A_427 = vector.extract_strided_slice %gather3A {offsets = [3], sizes = [1], strides = [1]} : vector<16xf32> to vector<1xf32>
        %squeeze3A_428 = vector.extract %slice3A_427[0] : f32 from vector<1xf32>
        %mul3A_429 = vector.broadcast %squeeze3A_428 : f32 to vector<16xf32>
        %mul3A_430 = arith.mulf %mul3A_429, %bitcast3A_422 : vector<16xf32>
        %add3A_431 = arith.addf %mul3A_426, %mul3A_430 : vector<16xf32>
        %get3A_432 = arith.index_cast %scan3A_383 : i32 to index
        %get3A_433 = arith.constant 32 : index
        %get3A_434 = tpu.vector_load %arg12[%get3A_432, %get3A_433] {strides = array<i32>} : memref<200x144xf32, #tpu.memory_space<vmem>>, vector<16xf32>,
        %bitcast3A_435 = vector.bitcast %get3A_434 : vector<16xf32> to vector<16xi32>
        %shift_left3A_436 = arith.constant 16 : i32
        %shift_left3A_437 = vector.broadcast %shift_left3A_436 : i32 to vector<16xi32>
        %shift_left3A_438 = arith.shli %bitcast3A_435, %shift_left3A_437 : vector<16xi32>
        %bitcast3A_439 = vector.bitcast %shift_left3A_438 : vector<16xi32> to vector<16xf32>
        %and3A_440 = arith.constant -65536 : i32
        %and3A_441 = vector.broadcast %and3A_440 : i32 to vector<16xi32>
        %and3A_442 = arith.andi %bitcast3A_435, %and3A_441 : vector<16xi32>
        %bitcast3A_443 = vector.bitcast %and3A_442 : vector<16xi32> to vector<16xf32>
        %slice3A_444 = vector.extract_strided_slice %gather3A {offsets = [4], sizes = [1], strides = [1]} : vector<16xf32> to vector<1xf32>
        %squeeze3A_445 = vector.extract %slice3A_444[0] : f32 from vector<1xf32>
        %mul3A_446 = vector.broadcast %squeeze3A_445 : f32 to vector<16xf32>
        %mul3A_447 = arith.mulf %mul3A_446, %bitcast3A_439 : vector<16xf32>
        %slice3A_448 = vector.extract_strided_slice %gather3A {offsets = [5], sizes = [1], strides = [1]} : vector<16xf32> to vector<1xf32>
        %squeeze3A_449 = vector.extract %slice3A_448[0] : f32 from vector<1xf32>
        %mul3A_450 = vector.broadcast %squeeze3A_449 : f32 to vector<16xf32>
        %mul3A_451 = arith.mulf %mul3A_450, %bitcast3A_443 : vector<16xf32>
        %add3A_452 = arith.addf %mul3A_447, %mul3A_451 : vector<16xf32>
        %get3A_453 = arith.index_cast %scan3A_383 : i32 to index
        %get3A_454 = arith.constant 48 : index
        %get3A_455 = tpu.vector_load %arg12[%get3A_453, %get3A_454] {strides = array<i32>} : memref<200x144xf32, #tpu.memory_space<vmem>>, vector<16xf32>,
        %bitcast3A_456 = vector.bitcast %get3A_455 : vector<16xf32> to vector<16xi32>
        %shift_left3A_457 = arith.constant 16 : i32
        %shift_left3A_458 = vector.broadcast %shift_left3A_457 : i32 to vector<16xi32>
        %shift_left3A_459 = arith.shli %bitcast3A_456, %shift_left3A_458 : vector<16xi32>
        %bitcast3A_460 = vector.bitcast %shift_left3A_459 : vector<16xi32> to vector<16xf32>
        %and3A_461 = arith.constant -65536 : i32
        %and3A_462 = vector.broadcast %and3A_461 : i32 to vector<16xi32>
        %and3A_463 = arith.andi %bitcast3A_456, %and3A_462 : vector<16xi32>
        %bitcast3A_464 = vector.bitcast %and3A_463 : vector<16xi32> to vector<16xf32>
        %slice3A_465 = vector.extract_strided_slice %gather3A {offsets = [6], sizes = [1], strides = [1]} : vector<16xf32> to vector<1xf32>
        %squeeze3A_466 = vector.extract %slice3A_465[0] : f32 from vector<1xf32>
        %mul3A_467 = vector.broadcast %squeeze3A_466 : f32 to vector<16xf32>
        %mul3A_468 = arith.mulf %mul3A_467, %bitcast3A_460 : vector<16xf32>
        %slice3A_469 = vector.extract_strided_slice %gather3A {offsets = [7], sizes = [1], strides = [1]} : vector<16xf32> to vector<1xf32>
        %squeeze3A_470 = vector.extract %slice3A_469[0] : f32 from vector<1xf32>
        %mul3A_471 = vector.broadcast %squeeze3A_470 : f32 to vector<16xf32>
        %mul3A_472 = arith.mulf %mul3A_471, %bitcast3A_464 : vector<16xf32>
        %add3A_473 = arith.addf %mul3A_468, %mul3A_472 : vector<16xf32>
        %get3A_474 = arith.index_cast %scan3A_383 : i32 to index
        %get3A_475 = arith.constant 64 : index
        %get3A_476 = tpu.vector_load %arg12[%get3A_474, %get3A_475] {strides = array<i32>} : memref<200x144xf32, #tpu.memory_space<vmem>>, vector<16xf32>,
        %bitcast3A_477 = vector.bitcast %get3A_476 : vector<16xf32> to vector<16xi32>
        %shift_left3A_478 = arith.constant 16 : i32
        %shift_left3A_479 = vector.broadcast %shift_left3A_478 : i32 to vector<16xi32>
        %shift_left3A_480 = arith.shli %bitcast3A_477, %shift_left3A_479 : vector<16xi32>
        %bitcast3A_481 = vector.bitcast %shift_left3A_480 : vector<16xi32> to vector<16xf32>
        %and3A_482 = arith.constant -65536 : i32
        %and3A_483 = vector.broadcast %and3A_482 : i32 to vector<16xi32>
        %and3A_484 = arith.andi %bitcast3A_477, %and3A_483 : vector<16xi32>
        %bitcast3A_485 = vector.bitcast %and3A_484 : vector<16xi32> to vector<16xf32>
        %slice3A_486 = vector.extract_strided_slice %gather3A {offsets = [8], sizes = [1], strides = [1]} : vector<16xf32> to vector<1xf32>
        %squeeze3A_487 = vector.extract %slice3A_486[0] : f32 from vector<1xf32>
        %mul3A_488 = vector.broadcast %squeeze3A_487 : f32 to vector<16xf32>
        %mul3A_489 = arith.mulf %mul3A_488, %bitcast3A_481 : vector<16xf32>
        %slice3A_490 = vector.extract_strided_slice %gather3A {offsets = [9], sizes = [1], strides = [1]} : vector<16xf32> to vector<1xf32>
        %squeeze3A_491 = vector.extract %slice3A_490[0] : f32 from vector<1xf32>
        %mul3A_492 = vector.broadcast %squeeze3A_491 : f32 to vector<16xf32>
        %mul3A_493 = arith.mulf %mul3A_492, %bitcast3A_485 : vector<16xf32>
        %add3A_494 = arith.addf %mul3A_489, %mul3A_493 : vector<16xf32>
        %get3A_495 = arith.index_cast %scan3A_383 : i32 to index
        %get3A_496 = arith.constant 80 : index
        %get3A_497 = tpu.vector_load %arg12[%get3A_495, %get3A_496] {strides = array<i32>} : memref<200x144xf32, #tpu.memory_space<vmem>>, vector<16xf32>,
        %bitcast3A_498 = vector.bitcast %get3A_497 : vector<16xf32> to vector<16xi32>
        %shift_left3A_499 = arith.constant 16 : i32
        %shift_left3A_500 = vector.broadcast %shift_left3A_499 : i32 to vector<16xi32>
        %shift_left3A_501 = arith.shli %bitcast3A_498, %shift_left3A_500 : vector<16xi32>
        %bitcast3A_502 = vector.bitcast %shift_left3A_501 : vector<16xi32> to vector<16xf32>
        %and3A_503 = arith.constant -65536 : i32
        %and3A_504 = vector.broadcast %and3A_503 : i32 to vector<16xi32>
        %and3A_505 = arith.andi %bitcast3A_498, %and3A_504 : vector<16xi32>
        %bitcast3A_506 = vector.bitcast %and3A_505 : vector<16xi32> to vector<16xf32>
        %slice3A_507 = vector.extract_strided_slice %gather3A {offsets = [10], sizes = [1], strides = [1]} : vector<16xf32> to vector<1xf32>
        %squeeze3A_508 = vector.extract %slice3A_507[0] : f32 from vector<1xf32>
        %mul3A_509 = vector.broadcast %squeeze3A_508 : f32 to vector<16xf32>
        %mul3A_510 = arith.mulf %mul3A_509, %bitcast3A_502 : vector<16xf32>
        %slice3A_511 = vector.extract_strided_slice %gather3A {offsets = [11], sizes = [1], strides = [1]} : vector<16xf32> to vector<1xf32>
        %squeeze3A_512 = vector.extract %slice3A_511[0] : f32 from vector<1xf32>
        %mul3A_513 = vector.broadcast %squeeze3A_512 : f32 to vector<16xf32>
        %mul3A_514 = arith.mulf %mul3A_513, %bitcast3A_506 : vector<16xf32>
        %add3A_515 = arith.addf %mul3A_510, %mul3A_514 : vector<16xf32>
        %get3A_516 = arith.index_cast %scan3A_383 : i32 to index
        %get3A_517 = arith.constant 96 : index
        %get3A_518 = tpu.vector_load %arg12[%get3A_516, %get3A_517] {strides = array<i32>} : memref<200x144xf32, #tpu.memory_space<vmem>>, vector<16xf32>,
        %bitcast3A_519 = vector.bitcast %get3A_518 : vector<16xf32> to vector<16xi32>
        %shift_left3A_520 = arith.constant 16 : i32
        %shift_left3A_521 = vector.broadcast %shift_left3A_520 : i32 to vector<16xi32>
        %shift_left3A_522 = arith.shli %bitcast3A_519, %shift_left3A_521 : vector<16xi32>
        %bitcast3A_523 = vector.bitcast %shift_left3A_522 : vector<16xi32> to vector<16xf32>
        %and3A_524 = arith.constant -65536 : i32
        %and3A_525 = vector.broadcast %and3A_524 : i32 to vector<16xi32>
        %and3A_526 = arith.andi %bitcast3A_519, %and3A_525 : vector<16xi32>
        %bitcast3A_527 = vector.bitcast %and3A_526 : vector<16xi32> to vector<16xf32>
        %slice3A_528 = vector.extract_strided_slice %gather3A {offsets = [12], sizes = [1], strides = [1]} : vector<16xf32> to vector<1xf32>
        %squeeze3A_529 = vector.extract %slice3A_528[0] : f32 from vector<1xf32>
        %mul3A_530 = vector.broadcast %squeeze3A_529 : f32 to vector<16xf32>
        %mul3A_531 = arith.mulf %mul3A_530, %bitcast3A_523 : vector<16xf32>
        %slice3A_532 = vector.extract_strided_slice %gather3A {offsets = [13], sizes = [1], strides = [1]} : vector<16xf32> to vector<1xf32>
        %squeeze3A_533 = vector.extract %slice3A_532[0] : f32 from vector<1xf32>
        %mul3A_534 = vector.broadcast %squeeze3A_533 : f32 to vector<16xf32>
        %mul3A_535 = arith.mulf %mul3A_534, %bitcast3A_527 : vector<16xf32>
        %add3A_536 = arith.addf %mul3A_531, %mul3A_535 : vector<16xf32>
        %get3A_537 = arith.index_cast %scan3A_383 : i32 to index
        %get3A_538 = arith.constant 112 : index
        %get3A_539 = tpu.vector_load %arg12[%get3A_537, %get3A_538] {strides = array<i32>} : memref<200x144xf32, #tpu.memory_space<vmem>>, vector<16xf32>,
        %bitcast3A_540 = vector.bitcast %get3A_539 : vector<16xf32> to vector<16xi32>
        %shift_left3A_541 = arith.constant 16 : i32
        %shift_left3A_542 = vector.broadcast %shift_left3A_541 : i32 to vector<16xi32>
        %shift_left3A_543 = arith.shli %bitcast3A_540, %shift_left3A_542 : vector<16xi32>
        %bitcast3A_544 = vector.bitcast %shift_left3A_543 : vector<16xi32> to vector<16xf32>
        %and3A_545 = arith.constant -65536 : i32
        %and3A_546 = vector.broadcast %and3A_545 : i32 to vector<16xi32>
        %and3A_547 = arith.andi %bitcast3A_540, %and3A_546 : vector<16xi32>
        %bitcast3A_548 = vector.bitcast %and3A_547 : vector<16xi32> to vector<16xf32>
        %slice3A_549 = vector.extract_strided_slice %gather3A {offsets = [14], sizes = [1], strides = [1]} : vector<16xf32> to vector<1xf32>
        %squeeze3A_550 = vector.extract %slice3A_549[0] : f32 from vector<1xf32>
        %mul3A_551 = vector.broadcast %squeeze3A_550 : f32 to vector<16xf32>
        %mul3A_552 = arith.mulf %mul3A_551, %bitcast3A_544 : vector<16xf32>
        %slice3A_553 = vector.extract_strided_slice %gather3A {offsets = [15], sizes = [1], strides = [1]} : vector<16xf32> to vector<1xf32>
        %squeeze3A_554 = vector.extract %slice3A_553[0] : f32 from vector<1xf32>
        %mul3A_555 = vector.broadcast %squeeze3A_554 : f32 to vector<16xf32>
        %mul3A_556 = arith.mulf %mul3A_555, %bitcast3A_548 : vector<16xf32>
        %add3A_557 = arith.addf %mul3A_552, %mul3A_556 : vector<16xf32>
        %add3A_558 = arith.addf %bitcast3A_388, %add3A_410 : vector<16xf32>
        %add3A_559 = arith.addf %add3A_431, %add3A_452 : vector<16xf32>
        %add3A_560 = arith.addf %add3A_473, %add3A_494 : vector<16xf32>
        %add3A_561 = arith.addf %add3A_515, %add3A_536 : vector<16xf32>
        %add3A_562 = arith.addf %add3A_558, %add3A_559 : vector<16xf32>
        %add3A_563 = arith.addf %add3A_560, %add3A_561 : vector<16xf32>
        %add3A_564 = arith.addf %add3A_562, %add3A_563 : vector<16xf32>
        %add3A_565 = arith.addf %add3A_564, %add3A_557 : vector<16xf32>
        %swap3A = arith.index_cast %scan3A_383 : i32 to index
        %swap3A_566 = arith.constant 0 : index
        %swap3A_567 = tpu.vector_load %arg15[%swap3A, %swap3A_566] {strides = array<i32>} : memref<200x16xf32, #tpu.memory_space<vmem>>, vector<16xf32>,
        tpu.vector_store %arg15[%swap3A, %swap3A_566], %add3A_565 {strides = array<i32>} : memref<200x16xf32, #tpu.memory_space<vmem>>, vector<16xf32>,
      }
      %scan3A_326 = arith.constant 200 : i32
      %mul3A_327 = arith.constant 200 : i32
      %mul3A_328 = arith.muli %add3A_313, %mul3A_327 : i32
      %dma_start3A_329 = tpu.memref_slice %arg7[%mul3A_328] : memref<5000xi32, #tpu.memory_space<vmem>> -> memref<200xi32, #tpu.memory_space<vmem>>
      %dma_start3A_330 = arith.constant 0 : i32
      %dma_start3A_331 = arith.constant 0 : i32
      %dma_start3A_332 = tpu.memref_slice %arg17[%dma_start3A_330, %dma_start3A_331] : memref<10240x16xf32, #tpu.memory_space<vmem_shared>> -> memref<10240x16xf32, #tpu.memory_space<vmem_shared>>
      tpu.enqueue_indirect_dma source(%arg15 : memref<200x16xf32, #tpu.memory_space<vmem>>) target(%dma_start3A_332 : memref<10240x16xf32, #tpu.memory_space<vmem_shared>>) offsets(%dma_start3A_329 : memref<200xi32, #tpu.memory_space<vmem>>) semaphore(%arg22 : memref<!tpu.dma_semaphore, #tpu.memory_space<semaphore_mem>>) {add = true}
      %dma_wait3A_333 = arith.constant 0 : i32
      %dma_wait3A_334 = arith.constant 0 : i32
      %dma_wait3A_335 = tpu.memref_slice %arg3[%dma_wait3A_333, %dma_wait3A_334] : memref<16x160000xf32, #tpu.memory_space<hbm>> -> memref<16x200xf32, #tpu.memory_space<hbm>>
      %dma_wait3A_336 = arith.constant 0 : i32
      %dma_wait3A_337 = arith.constant 0 : i32
      %dma_wait3A_338 = tpu.memref_slice %arg3[%dma_wait3A_336, %dma_wait3A_337] : memref<16x160000xf32, #tpu.memory_space<hbm>> -> memref<16x200xf32, #tpu.memory_space<hbm>>
      tpu.wait_dma2 semaphore(%arg20 : memref<!tpu.dma_semaphore, #tpu.memory_space<semaphore_mem>>) src(%dma_wait3A_338 : memref<16x200xf32, #tpu.memory_space<hbm>>) dst(%arg10 : memref<16x200xf32, #tpu.memory_space<vmem>>)
      %dma_wait3A_339 = arith.constant 0 : i32
      %dma_wait3A_340 = arith.constant 0 : i32
      %dma_wait3A_341 = tpu.memref_slice %arg2[%dma_wait3A_339, %dma_wait3A_340] : memref<10000x144xf32, #tpu.memory_space<hbm>> -> memref<200x144xf32, #tpu.memory_space<hbm>>
      %dma_wait3A_342 = arith.constant 0 : i32
      %dma_wait3A_343 = arith.constant 0 : i32
      %dma_wait3A_344 = tpu.memref_slice %arg2[%dma_wait3A_342, %dma_wait3A_343] : memref<10000x144xf32, #tpu.memory_space<hbm>> -> memref<200x144xf32, #tpu.memory_space<hbm>>
      tpu.wait_dma2 semaphore(%arg20 : memref<!tpu.dma_semaphore, #tpu.memory_space<semaphore_mem>>) src(%dma_wait3A_344 : memref<200x144xf32, #tpu.memory_space<hbm>>) dst(%arg13 : memref<200x144xf32, #tpu.memory_space<vmem>>)
      %add3A_345 = arith.constant 2 : i32
      %add3A_346 = arith.addi %mul3A_232, %add3A_345 : i32
      %add3A_347 = arith.constant 2 : i32
      %add3A_348 = arith.addi %add3A_346, %add3A_347 : i32
      %mul3A_349 = arith.constant 200 : i32
      %mul3A_350 = arith.muli %add3A_348, %mul3A_349 : i32
      %add3A_351 = arith.addi %mul3A_2, %mul3A_350 : i32
      %dma_start3A_352 = arith.constant 0 : i32
      %dma_start3A_353 = tpu.memref_slice %arg3[%dma_start3A_352, %add3A_351] : memref<16x160000xf32, #tpu.memory_space<hbm>> -> memref<16x200xf32, #tpu.memory_space<hbm>>
      %dma_start3A_354 = arith.constant 0 : i32
      %dma_start3A_355 = tpu.memref_slice %arg3[%dma_start3A_354, %add3A_351] : memref<16x160000xf32, #tpu.memory_space<hbm>> -> memref<16x200xf32, #tpu.memory_space<hbm>>
      tpu.enqueue_dma source(%dma_start3A_355 : memref<16x200xf32, #tpu.memory_space<hbm>>) target(%arg9 : memref<16x200xf32, #tpu.memory_space<vmem>>) target_semaphore(%arg19 : memref<!tpu.dma_semaphore, #tpu.memory_space<semaphore_mem>>)
      %mul3A_356 = arith.constant 200 : i32
      %mul3A_357 = arith.muli %add3A_348, %mul3A_356 : i32
      %dma_start3A_358 = tpu.memref_slice %arg6[%mul3A_357] : memref<5000xi32, #tpu.memory_space<vmem>> -> memref<200xi32, #tpu.memory_space<vmem>>
      %dma_start3A_359 = arith.constant 0 : i32
      %dma_start3A_360 = arith.constant 0 : i32
      %dma_start3A_361 = tpu.memref_slice %arg2[%dma_start3A_359, %dma_start3A_360] : memref<10000x144xf32, #tpu.memory_space<hbm>> -> memref<10000x144xf32, #tpu.memory_space<hbm>>
      tpu.enqueue_indirect_dma source(%dma_start3A_361 : memref<10000x144xf32, #tpu.memory_space<hbm>>) target(%arg12 : memref<200x144xf32, #tpu.memory_space<vmem>>) offsets(%dma_start3A_358 : memref<200xi32, #tpu.memory_space<vmem>>) semaphore(%arg19 : memref<!tpu.dma_semaphore, #tpu.memory_space<semaphore_mem>>)
      %add3A_362 = arith.constant 2 : i32
      %add3A_363 = arith.addi %mul3A_232, %add3A_362 : i32
      %dma_wait3A_364 = arith.constant 0 : i32
      %dma_wait3A_365 = arith.constant 0 : i32
      %dma_wait3A_366 = tpu.memref_slice %arg17[%dma_wait3A_364, %dma_wait3A_365] : memref<10240x16xf32, #tpu.memory_space<vmem_shared>> -> memref<200x16xf32, #tpu.memory_space<vmem_shared>>
      %dma_wait3A_367 = arith.constant 0 : i32
      %dma_wait3A_368 = arith.constant 0 : i32
      %dma_wait3A_369 = tpu.memref_slice %arg17[%dma_wait3A_367, %dma_wait3A_368] : memref<10240x16xf32, #tpu.memory_space<vmem_shared>> -> memref<200x16xf32, #tpu.memory_space<vmem_shared>>
      tpu.wait_dma2 semaphore(%arg23 : memref<!tpu.dma_semaphore, #tpu.memory_space<semaphore_mem>>) src(%arg16 : memref<200x16xf32, #tpu.memory_space<vmem>>) dst(%dma_wait3A_369 : memref<200x16xf32, #tpu.memory_space<vmem_shared>>)
      %iota3A_370 = tpu.iota {dimensions = array<i32: 0>} : vector<16xi32>
      %scan3A_371 = arith.constant 0 : i32
      %scan3A_372 = arith.constant 0 : i32
      %scan3A_373 = arith.constant 200 : i32
      %scan3A_374 = arith.addi %scan3A_372, %scan3A_373 : i32
      %scan3A_375 = arith.constant 1 : i32
      scf.for %scan3A_383 = %scan3A_372 to %scan3A_374 step %scan3A_375  : i32 {
        %broadcast_in_dim3A = vector.broadcast %scan3A_383 : i32 to vector<16xi32>
        %gather3A = tpu.vector_load_idx %arg10[%iota3A_370, %broadcast_in_dim3A] : memref<16x200xf32, #tpu.memory_space<vmem>>[vector<16xi32>, vector<16xi32>], vector<16xf32>,
        %get3A = arith.index_cast %scan3A_383 : i32 to index
        %get3A_384 = arith.constant 128 : index
        %get3A_385 = tpu.vector_load %arg13[%get3A, %get3A_384] {strides = array<i32>} : memref<200x144xf32, #tpu.memory_space<vmem>>, vector<16xf32>,
        %bitcast3A = vector.bitcast %get3A_385 : vector<16xf32> to vector<16xi32>
        %shift_left3A = arith.constant 16 : i32
        %shift_left3A_386 = vector.broadcast %shift_left3A : i32 to vector<16xi32>
        %shift_left3A_387 = arith.shli %bitcast3A, %shift_left3A_386 : vector<16xi32>
        %bitcast3A_388 = vector.bitcast %shift_left3A_387 : vector<16xi32> to vector<16xf32>
        %and3A = arith.constant -65536 : i32
        %and3A_389 = vector.broadcast %and3A : i32 to vector<16xi32>
        %and3A_390 = arith.andi %bitcast3A, %and3A_389 : vector<16xi32>
        %bitcast3A_391 = vector.bitcast %and3A_390 : vector<16xi32> to vector<16xf32>
        %get3A_392 = arith.index_cast %scan3A_383 : i32 to index
        %get3A_393 = arith.constant 0 : index
        %get3A_394 = tpu.vector_load %arg13[%get3A_392, %get3A_393] {strides = array<i32>} : memref<200x144xf32, #tpu.memory_space<vmem>>, vector<16xf32>,
        %bitcast3A_395 = vector.bitcast %get3A_394 : vector<16xf32> to vector<16xi32>
        %shift_left3A_396 = arith.constant 16 : i32
        %shift_left3A_397 = vector.broadcast %shift_left3A_396 : i32 to vector<16xi32>
        %shift_left3A_398 = arith.shli %bitcast3A_395, %shift_left3A_397 : vector<16xi32>
        %bitcast3A_399 = vector.bitcast %shift_left3A_398 : vector<16xi32> to vector<16xf32>
        %and3A_400 = arith.constant -65536 : i32
        %and3A_401 = vector.broadcast %and3A_400 : i32 to vector<16xi32>
        %and3A_402 = arith.andi %bitcast3A_395, %and3A_401 : vector<16xi32>
        %bitcast3A_403 = vector.bitcast %and3A_402 : vector<16xi32> to vector<16xf32>
        %slice3A = vector.extract_strided_slice %gather3A {offsets = [0], sizes = [1], strides = [1]} : vector<16xf32> to vector<1xf32>
        %squeeze3A = vector.extract %slice3A[0] : f32 from vector<1xf32>
        %mul3A_404 = vector.broadcast %squeeze3A : f32 to vector<16xf32>
        %mul3A_405 = arith.mulf %mul3A_404, %bitcast3A_399 : vector<16xf32>
        %slice3A_406 = vector.extract_strided_slice %gather3A {offsets = [1], sizes = [1], strides = [1]} : vector<16xf32> to vector<1xf32>
        %squeeze3A_407 = vector.extract %slice3A_406[0] : f32 from vector<1xf32>
        %mul3A_408 = vector.broadcast %squeeze3A_407 : f32 to vector<16xf32>
        %mul3A_409 = arith.mulf %mul3A_408, %bitcast3A_403 : vector<16xf32>
        %add3A_410 = arith.addf %mul3A_405, %mul3A_409 : vector<16xf32>
        %get3A_411 = arith.index_cast %scan3A_383 : i32 to index
        %get3A_412 = arith.constant 16 : index
        %get3A_413 = tpu.vector_load %arg13[%get3A_411, %get3A_412] {strides = array<i32>} : memref<200x144xf32, #tpu.memory_space<vmem>>, vector<16xf32>,
        %bitcast3A_414 = vector.bitcast %get3A_413 : vector<16xf32> to vector<16xi32>
        %shift_left3A_415 = arith.constant 16 : i32
        %shift_left3A_416 = vector.broadcast %shift_left3A_415 : i32 to vector<16xi32>
        %shift_left3A_417 = arith.shli %bitcast3A_414, %shift_left3A_416 : vector<16xi32>
        %bitcast3A_418 = vector.bitcast %shift_left3A_417 : vector<16xi32> to vector<16xf32>
        %and3A_419 = arith.constant -65536 : i32
        %and3A_420 = vector.broadcast %and3A_419 : i32 to vector<16xi32>
        %and3A_421 = arith.andi %bitcast3A_414, %and3A_420 : vector<16xi32>
        %bitcast3A_422 = vector.bitcast %and3A_421 : vector<16xi32> to vector<16xf32>
        %slice3A_423 = vector.extract_strided_slice %gather3A {offsets = [2], sizes = [1], strides = [1]} : vector<16xf32> to vector<1xf32>
        %squeeze3A_424 = vector.extract %slice3A_423[0] : f32 from vector<1xf32>
        %mul3A_425 = vector.broadcast %squeeze3A_424 : f32 to vector<16xf32>
        %mul3A_426 = arith.mulf %mul3A_425, %bitcast3A_418 : vector<16xf32>
        %slice3A_427 = vector.extract_strided_slice %gather3A {offsets = [3], sizes = [1], strides = [1]} : vector<16xf32> to vector<1xf32>
        %squeeze3A_428 = vector.extract %slice3A_427[0] : f32 from vector<1xf32>
        %mul3A_429 = vector.broadcast %squeeze3A_428 : f32 to vector<16xf32>
        %mul3A_430 = arith.mulf %mul3A_429, %bitcast3A_422 : vector<16xf32>
        %add3A_431 = arith.addf %mul3A_426, %mul3A_430 : vector<16xf32>
        %get3A_432 = arith.index_cast %scan3A_383 : i32 to index
        %get3A_433 = arith.constant 32 : index
        %get3A_434 = tpu.vector_load %arg13[%get3A_432, %get3A_433] {strides = array<i32>} : memref<200x144xf32, #tpu.memory_space<vmem>>, vector<16xf32>,
        %bitcast3A_435 = vector.bitcast %get3A_434 : vector<16xf32> to vector<16xi32>
        %shift_left3A_436 = arith.constant 16 : i32
        %shift_left3A_437 = vector.broadcast %shift_left3A_436 : i32 to vector<16xi32>
        %shift_left3A_438 = arith.shli %bitcast3A_435, %shift_left3A_437 : vector<16xi32>
        %bitcast3A_439 = vector.bitcast %shift_left3A_438 : vector<16xi32> to vector<16xf32>
        %and3A_440 = arith.constant -65536 : i32
        %and3A_441 = vector.broadcast %and3A_440 : i32 to vector<16xi32>
        %and3A_442 = arith.andi %bitcast3A_435, %and3A_441 : vector<16xi32>
        %bitcast3A_443 = vector.bitcast %and3A_442 : vector<16xi32> to vector<16xf32>
        %slice3A_444 = vector.extract_strided_slice %gather3A {offsets = [4], sizes = [1], strides = [1]} : vector<16xf32> to vector<1xf32>
        %squeeze3A_445 = vector.extract %slice3A_444[0] : f32 from vector<1xf32>
        %mul3A_446 = vector.broadcast %squeeze3A_445 : f32 to vector<16xf32>
        %mul3A_447 = arith.mulf %mul3A_446, %bitcast3A_439 : vector<16xf32>
        %slice3A_448 = vector.extract_strided_slice %gather3A {offsets = [5], sizes = [1], strides = [1]} : vector<16xf32> to vector<1xf32>
        %squeeze3A_449 = vector.extract %slice3A_448[0] : f32 from vector<1xf32>
        %mul3A_450 = vector.broadcast %squeeze3A_449 : f32 to vector<16xf32>
        %mul3A_451 = arith.mulf %mul3A_450, %bitcast3A_443 : vector<16xf32>
        %add3A_452 = arith.addf %mul3A_447, %mul3A_451 : vector<16xf32>
        %get3A_453 = arith.index_cast %scan3A_383 : i32 to index
        %get3A_454 = arith.constant 48 : index
        %get3A_455 = tpu.vector_load %arg13[%get3A_453, %get3A_454] {strides = array<i32>} : memref<200x144xf32, #tpu.memory_space<vmem>>, vector<16xf32>,
        %bitcast3A_456 = vector.bitcast %get3A_455 : vector<16xf32> to vector<16xi32>
        %shift_left3A_457 = arith.constant 16 : i32
        %shift_left3A_458 = vector.broadcast %shift_left3A_457 : i32 to vector<16xi32>
        %shift_left3A_459 = arith.shli %bitcast3A_456, %shift_left3A_458 : vector<16xi32>
        %bitcast3A_460 = vector.bitcast %shift_left3A_459 : vector<16xi32> to vector<16xf32>
        %and3A_461 = arith.constant -65536 : i32
        %and3A_462 = vector.broadcast %and3A_461 : i32 to vector<16xi32>
        %and3A_463 = arith.andi %bitcast3A_456, %and3A_462 : vector<16xi32>
        %bitcast3A_464 = vector.bitcast %and3A_463 : vector<16xi32> to vector<16xf32>
        %slice3A_465 = vector.extract_strided_slice %gather3A {offsets = [6], sizes = [1], strides = [1]} : vector<16xf32> to vector<1xf32>
        %squeeze3A_466 = vector.extract %slice3A_465[0] : f32 from vector<1xf32>
        %mul3A_467 = vector.broadcast %squeeze3A_466 : f32 to vector<16xf32>
        %mul3A_468 = arith.mulf %mul3A_467, %bitcast3A_460 : vector<16xf32>
        %slice3A_469 = vector.extract_strided_slice %gather3A {offsets = [7], sizes = [1], strides = [1]} : vector<16xf32> to vector<1xf32>
        %squeeze3A_470 = vector.extract %slice3A_469[0] : f32 from vector<1xf32>
        %mul3A_471 = vector.broadcast %squeeze3A_470 : f32 to vector<16xf32>
        %mul3A_472 = arith.mulf %mul3A_471, %bitcast3A_464 : vector<16xf32>
        %add3A_473 = arith.addf %mul3A_468, %mul3A_472 : vector<16xf32>
        %get3A_474 = arith.index_cast %scan3A_383 : i32 to index
        %get3A_475 = arith.constant 64 : index
        %get3A_476 = tpu.vector_load %arg13[%get3A_474, %get3A_475] {strides = array<i32>} : memref<200x144xf32, #tpu.memory_space<vmem>>, vector<16xf32>,
        %bitcast3A_477 = vector.bitcast %get3A_476 : vector<16xf32> to vector<16xi32>
        %shift_left3A_478 = arith.constant 16 : i32
        %shift_left3A_479 = vector.broadcast %shift_left3A_478 : i32 to vector<16xi32>
        %shift_left3A_480 = arith.shli %bitcast3A_477, %shift_left3A_479 : vector<16xi32>
        %bitcast3A_481 = vector.bitcast %shift_left3A_480 : vector<16xi32> to vector<16xf32>
        %and3A_482 = arith.constant -65536 : i32
        %and3A_483 = vector.broadcast %and3A_482 : i32 to vector<16xi32>
        %and3A_484 = arith.andi %bitcast3A_477, %and3A_483 : vector<16xi32>
        %bitcast3A_485 = vector.bitcast %and3A_484 : vector<16xi32> to vector<16xf32>
        %slice3A_486 = vector.extract_strided_slice %gather3A {offsets = [8], sizes = [1], strides = [1]} : vector<16xf32> to vector<1xf32>
        %squeeze3A_487 = vector.extract %slice3A_486[0] : f32 from vector<1xf32>
        %mul3A_488 = vector.broadcast %squeeze3A_487 : f32 to vector<16xf32>
        %mul3A_489 = arith.mulf %mul3A_488, %bitcast3A_481 : vector<16xf32>
        %slice3A_490 = vector.extract_strided_slice %gather3A {offsets = [9], sizes = [1], strides = [1]} : vector<16xf32> to vector<1xf32>
        %squeeze3A_491 = vector.extract %slice3A_490[0] : f32 from vector<1xf32>
        %mul3A_492 = vector.broadcast %squeeze3A_491 : f32 to vector<16xf32>
        %mul3A_493 = arith.mulf %mul3A_492, %bitcast3A_485 : vector<16xf32>
        %add3A_494 = arith.addf %mul3A_489, %mul3A_493 : vector<16xf32>
        %get3A_495 = arith.index_cast %scan3A_383 : i32 to index
        %get3A_496 = arith.constant 80 : index
        %get3A_497 = tpu.vector_load %arg13[%get3A_495, %get3A_496] {strides = array<i32>} : memref<200x144xf32, #tpu.memory_space<vmem>>, vector<16xf32>,
        %bitcast3A_498 = vector.bitcast %get3A_497 : vector<16xf32> to vector<16xi32>
        %shift_left3A_499 = arith.constant 16 : i32
        %shift_left3A_500 = vector.broadcast %shift_left3A_499 : i32 to vector<16xi32>
        %shift_left3A_501 = arith.shli %bitcast3A_498, %shift_left3A_500 : vector<16xi32>
        %bitcast3A_502 = vector.bitcast %shift_left3A_501 : vector<16xi32> to vector<16xf32>
        %and3A_503 = arith.constant -65536 : i32
        %and3A_504 = vector.broadcast %and3A_503 : i32 to vector<16xi32>
        %and3A_505 = arith.andi %bitcast3A_498, %and3A_504 : vector<16xi32>
        %bitcast3A_506 = vector.bitcast %and3A_505 : vector<16xi32> to vector<16xf32>
        %slice3A_507 = vector.extract_strided_slice %gather3A {offsets = [10], sizes = [1], strides = [1]} : vector<16xf32> to vector<1xf32>
        %squeeze3A_508 = vector.extract %slice3A_507[0] : f32 from vector<1xf32>
        %mul3A_509 = vector.broadcast %squeeze3A_508 : f32 to vector<16xf32>
        %mul3A_510 = arith.mulf %mul3A_509, %bitcast3A_502 : vector<16xf32>
        %slice3A_511 = vector.extract_strided_slice %gather3A {offsets = [11], sizes = [1], strides = [1]} : vector<16xf32> to vector<1xf32>
        %squeeze3A_512 = vector.extract %slice3A_511[0] : f32 from vector<1xf32>
        %mul3A_513 = vector.broadcast %squeeze3A_512 : f32 to vector<16xf32>
        %mul3A_514 = arith.mulf %mul3A_513, %bitcast3A_506 : vector<16xf32>
        %add3A_515 = arith.addf %mul3A_510, %mul3A_514 : vector<16xf32>
        %get3A_516 = arith.index_cast %scan3A_383 : i32 to index
        %get3A_517 = arith.constant 96 : index
        %get3A_518 = tpu.vector_load %arg13[%get3A_516, %get3A_517] {strides = array<i32>} : memref<200x144xf32, #tpu.memory_space<vmem>>, vector<16xf32>,
        %bitcast3A_519 = vector.bitcast %get3A_518 : vector<16xf32> to vector<16xi32>
        %shift_left3A_520 = arith.constant 16 : i32
        %shift_left3A_521 = vector.broadcast %shift_left3A_520 : i32 to vector<16xi32>
        %shift_left3A_522 = arith.shli %bitcast3A_519, %shift_left3A_521 : vector<16xi32>
        %bitcast3A_523 = vector.bitcast %shift_left3A_522 : vector<16xi32> to vector<16xf32>
        %and3A_524 = arith.constant -65536 : i32
        %and3A_525 = vector.broadcast %and3A_524 : i32 to vector<16xi32>
        %and3A_526 = arith.andi %bitcast3A_519, %and3A_525 : vector<16xi32>
        %bitcast3A_527 = vector.bitcast %and3A_526 : vector<16xi32> to vector<16xf32>
        %slice3A_528 = vector.extract_strided_slice %gather3A {offsets = [12], sizes = [1], strides = [1]} : vector<16xf32> to vector<1xf32>
        %squeeze3A_529 = vector.extract %slice3A_528[0] : f32 from vector<1xf32>
        %mul3A_530 = vector.broadcast %squeeze3A_529 : f32 to vector<16xf32>
        %mul3A_531 = arith.mulf %mul3A_530, %bitcast3A_523 : vector<16xf32>
        %slice3A_532 = vector.extract_strided_slice %gather3A {offsets = [13], sizes = [1], strides = [1]} : vector<16xf32> to vector<1xf32>
        %squeeze3A_533 = vector.extract %slice3A_532[0] : f32 from vector<1xf32>
        %mul3A_534 = vector.broadcast %squeeze3A_533 : f32 to vector<16xf32>
        %mul3A_535 = arith.mulf %mul3A_534, %bitcast3A_527 : vector<16xf32>
        %add3A_536 = arith.addf %mul3A_531, %mul3A_535 : vector<16xf32>
        %get3A_537 = arith.index_cast %scan3A_383 : i32 to index
        %get3A_538 = arith.constant 112 : index
        %get3A_539 = tpu.vector_load %arg13[%get3A_537, %get3A_538] {strides = array<i32>} : memref<200x144xf32, #tpu.memory_space<vmem>>, vector<16xf32>,
        %bitcast3A_540 = vector.bitcast %get3A_539 : vector<16xf32> to vector<16xi32>
        %shift_left3A_541 = arith.constant 16 : i32
        %shift_left3A_542 = vector.broadcast %shift_left3A_541 : i32 to vector<16xi32>
        %shift_left3A_543 = arith.shli %bitcast3A_540, %shift_left3A_542 : vector<16xi32>
        %bitcast3A_544 = vector.bitcast %shift_left3A_543 : vector<16xi32> to vector<16xf32>
        %and3A_545 = arith.constant -65536 : i32
        %and3A_546 = vector.broadcast %and3A_545 : i32 to vector<16xi32>
        %and3A_547 = arith.andi %bitcast3A_540, %and3A_546 : vector<16xi32>
        %bitcast3A_548 = vector.bitcast %and3A_547 : vector<16xi32> to vector<16xf32>
        %slice3A_549 = vector.extract_strided_slice %gather3A {offsets = [14], sizes = [1], strides = [1]} : vector<16xf32> to vector<1xf32>
        %squeeze3A_550 = vector.extract %slice3A_549[0] : f32 from vector<1xf32>
        %mul3A_551 = vector.broadcast %squeeze3A_550 : f32 to vector<16xf32>
        %mul3A_552 = arith.mulf %mul3A_551, %bitcast3A_544 : vector<16xf32>
        %slice3A_553 = vector.extract_strided_slice %gather3A {offsets = [15], sizes = [1], strides = [1]} : vector<16xf32> to vector<1xf32>
        %squeeze3A_554 = vector.extract %slice3A_553[0] : f32 from vector<1xf32>
        %mul3A_555 = vector.broadcast %squeeze3A_554 : f32 to vector<16xf32>
        %mul3A_556 = arith.mulf %mul3A_555, %bitcast3A_548 : vector<16xf32>
        %add3A_557 = arith.addf %mul3A_552, %mul3A_556 : vector<16xf32>
        %add3A_558 = arith.addf %bitcast3A_388, %add3A_410 : vector<16xf32>
        %add3A_559 = arith.addf %add3A_431, %add3A_452 : vector<16xf32>
        %add3A_560 = arith.addf %add3A_473, %add3A_494 : vector<16xf32>
        %add3A_561 = arith.addf %add3A_515, %add3A_536 : vector<16xf32>
        %add3A_562 = arith.addf %add3A_558, %add3A_559 : vector<16xf32>
        %add3A_563 = arith.addf %add3A_560, %add3A_561 : vector<16xf32>
        %add3A_564 = arith.addf %add3A_562, %add3A_563 : vector<16xf32>
        %add3A_565 = arith.addf %add3A_564, %add3A_557 : vector<16xf32>
        %swap3A = arith.index_cast %scan3A_383 : i32 to index
        %swap3A_566 = arith.constant 0 : index
        %swap3A_567 = tpu.vector_load %arg16[%swap3A, %swap3A_566] {strides = array<i32>} : memref<200x16xf32, #tpu.memory_space<vmem>>, vector<16xf32>,
        tpu.vector_store %arg16[%swap3A, %swap3A_566], %add3A_565 {strides = array<i32>} : memref<200x16xf32, #tpu.memory_space<vmem>>, vector<16xf32>,
      }
      %scan3A_376 = arith.constant 200 : i32
      %mul3A_377 = arith.constant 200 : i32
      %mul3A_378 = arith.muli %add3A_363, %mul3A_377 : i32
      %dma_start3A_379 = tpu.memref_slice %arg7[%mul3A_378] : memref<5000xi32, #tpu.memory_space<vmem>> -> memref<200xi32, #tpu.memory_space<vmem>>
      %dma_start3A_380 = arith.constant 0 : i32
      %dma_start3A_381 = arith.constant 0 : i32
      %dma_start3A_382 = tpu.memref_slice %arg17[%dma_start3A_380, %dma_start3A_381] : memref<10240x16xf32, #tpu.memory_space<vmem_shared>> -> memref<10240x16xf32, #tpu.memory_space<vmem_shared>>
      tpu.enqueue_indirect_dma source(%arg16 : memref<200x16xf32, #tpu.memory_space<vmem>>) target(%dma_start3A_382 : memref<10240x16xf32, #tpu.memory_space<vmem_shared>>) offsets(%dma_start3A_379 : memref<200xi32, #tpu.memory_space<vmem>>) semaphore(%arg23 : memref<!tpu.dma_semaphore, #tpu.memory_space<semaphore_mem>>) {add = true}
    }
    %scan3A_66 = arith.constant 7 : i32
    %dma_wait3A = arith.constant 0 : i32
    %dma_wait3A_67 = arith.constant 0 : i32
    %dma_wait3A_68 = tpu.memref_slice %arg3[%dma_wait3A, %dma_wait3A_67] : memref<16x160000xf32, #tpu.memory_space<hbm>> -> memref<16x200xf32, #tpu.memory_space<hbm>>
    %dma_wait3A_69 = arith.constant 0 : i32
    %dma_wait3A_70 = arith.constant 0 : i32
    %dma_wait3A_71 = tpu.memref_slice %arg3[%dma_wait3A_69, %dma_wait3A_70] : memref<16x160000xf32, #tpu.memory_space<hbm>> -> memref<16x200xf32, #tpu.memory_space<hbm>>
    tpu.wait_dma2 semaphore(%arg18 : memref<!tpu.dma_semaphore, #tpu.memory_space<semaphore_mem>>) src(%dma_wait3A_71 : memref<16x200xf32, #tpu.memory_space<hbm>>) dst(%arg8 : memref<16x200xf32, #tpu.memory_space<vmem>>)
    %dma_wait3A_72 = arith.constant 0 : i32
    %dma_wait3A_73 = arith.constant 0 : i32
    %dma_wait3A_74 = tpu.memref_slice %arg2[%dma_wait3A_72, %dma_wait3A_73] : memref<10000x144xf32, #tpu.memory_space<hbm>> -> memref<200x144xf32, #tpu.memory_space<hbm>>
    %dma_wait3A_75 = arith.constant 0 : i32
    %dma_wait3A_76 = arith.constant 0 : i32
    %dma_wait3A_77 = tpu.memref_slice %arg2[%dma_wait3A_75, %dma_wait3A_76] : memref<10000x144xf32, #tpu.memory_space<hbm>> -> memref<200x144xf32, #tpu.memory_space<hbm>>
    tpu.wait_dma2 semaphore(%arg18 : memref<!tpu.dma_semaphore, #tpu.memory_space<semaphore_mem>>) src(%dma_wait3A_77 : memref<200x144xf32, #tpu.memory_space<hbm>>) dst(%arg11 : memref<200x144xf32, #tpu.memory_space<vmem>>)
    %add3A_78 = arith.constant 4600 : i32
    %add3A_79 = arith.addi %mul3A_2, %add3A_78 : i32
    %dma_start3A_80 = arith.constant 0 : i32
    %dma_start3A_81 = tpu.memref_slice %arg3[%dma_start3A_80, %add3A_79] : memref<16x160000xf32, #tpu.memory_space<hbm>> -> memref<16x200xf32, #tpu.memory_space<hbm>>
    %dma_start3A_82 = arith.constant 0 : i32
    %dma_start3A_83 = tpu.memref_slice %arg3[%dma_start3A_82, %add3A_79] : memref<16x160000xf32, #tpu.memory_space<hbm>> -> memref<16x200xf32, #tpu.memory_space<hbm>>
    tpu.enqueue_dma source(%dma_start3A_83 : memref<16x200xf32, #tpu.memory_space<hbm>>) target(%arg10 : memref<16x200xf32, #tpu.memory_space<vmem>>) target_semaphore(%arg20 : memref<!tpu.dma_semaphore, #tpu.memory_space<semaphore_mem>>)
    %dma_start3A_84 = arith.constant 4600 : i32
    %dma_start3A_85 = tpu.memref_slice %arg6[%dma_start3A_84] : memref<5000xi32, #tpu.memory_space<vmem>> -> memref<200xi32, #tpu.memory_space<vmem>>
    %dma_start3A_86 = arith.constant 0 : i32
    %dma_start3A_87 = arith.constant 0 : i32
    %dma_start3A_88 = tpu.memref_slice %arg2[%dma_start3A_86, %dma_start3A_87] : memref<10000x144xf32, #tpu.memory_space<hbm>> -> memref<10000x144xf32, #tpu.memory_space<hbm>>
    tpu.enqueue_indirect_dma source(%dma_start3A_88 : memref<10000x144xf32, #tpu.memory_space<hbm>>) target(%arg13 : memref<200x144xf32, #tpu.memory_space<vmem>>) offsets(%dma_start3A_85 : memref<200xi32, #tpu.memory_space<vmem>>) semaphore(%arg20 : memref<!tpu.dma_semaphore, #tpu.memory_space<semaphore_mem>>)
    %dma_wait3A_89 = arith.constant 0 : i32
    %dma_wait3A_90 = arith.constant 0 : i32
    %dma_wait3A_91 = tpu.memref_slice %arg17[%dma_wait3A_89, %dma_wait3A_90] : memref<10240x16xf32, #tpu.memory_space<vmem_shared>> -> memref<200x16xf32, #tpu.memory_space<vmem_shared>>
    %dma_wait3A_92 = arith.constant 0 : i32
    %dma_wait3A_93 = arith.constant 0 : i32
    %dma_wait3A_94 = tpu.memref_slice %arg17[%dma_wait3A_92, %dma_wait3A_93] : memref<10240x16xf32, #tpu.memory_space<vmem_shared>> -> memref<200x16xf32, #tpu.memory_space<vmem_shared>>
    tpu.wait_dma2 semaphore(%arg21 : memref<!tpu.dma_semaphore, #tpu.memory_space<semaphore_mem>>) src(%arg14 : memref<200x16xf32, #tpu.memory_space<vmem>>) dst(%dma_wait3A_94 : memref<200x16xf32, #tpu.memory_space<vmem_shared>>)
    %iota3A = tpu.iota {dimensions = array<i32: 0>} : vector<16xi32>
    %scan3A_95 = arith.constant 0 : i32
    %scan3A_96 = arith.constant 0 : i32
    %scan3A_97 = arith.constant 200 : i32
    %scan3A_98 = arith.addi %scan3A_96, %scan3A_97 : i32
    %scan3A_99 = arith.constant 1 : i32
    scf.for %scan3A_230 = %scan3A_96 to %scan3A_98 step %scan3A_99  : i32 {
      %broadcast_in_dim3A = vector.broadcast %scan3A_230 : i32 to vector<16xi32>
      %gather3A = tpu.vector_load_idx %arg8[%iota3A, %broadcast_in_dim3A] : memref<16x200xf32, #tpu.memory_space<vmem>>[vector<16xi32>, vector<16xi32>], vector<16xf32>,
      %get3A = arith.index_cast %scan3A_230 : i32 to index
      %get3A_231 = arith.constant 128 : index
      %get3A_232 = tpu.vector_load %arg11[%get3A, %get3A_231] {strides = array<i32>} : memref<200x144xf32, #tpu.memory_space<vmem>>, vector<16xf32>,
      %bitcast3A = vector.bitcast %get3A_232 : vector<16xf32> to vector<16xi32>
      %shift_left3A = arith.constant 16 : i32
      %shift_left3A_233 = vector.broadcast %shift_left3A : i32 to vector<16xi32>
      %shift_left3A_234 = arith.shli %bitcast3A, %shift_left3A_233 : vector<16xi32>
      %bitcast3A_235 = vector.bitcast %shift_left3A_234 : vector<16xi32> to vector<16xf32>
      %and3A = arith.constant -65536 : i32
      %and3A_236 = vector.broadcast %and3A : i32 to vector<16xi32>
      %and3A_237 = arith.andi %bitcast3A, %and3A_236 : vector<16xi32>
      %bitcast3A_238 = vector.bitcast %and3A_237 : vector<16xi32> to vector<16xf32>
      %get3A_239 = arith.index_cast %scan3A_230 : i32 to index
      %get3A_240 = arith.constant 0 : index
      %get3A_241 = tpu.vector_load %arg11[%get3A_239, %get3A_240] {strides = array<i32>} : memref<200x144xf32, #tpu.memory_space<vmem>>, vector<16xf32>,
      %bitcast3A_242 = vector.bitcast %get3A_241 : vector<16xf32> to vector<16xi32>
      %shift_left3A_243 = arith.constant 16 : i32
      %shift_left3A_244 = vector.broadcast %shift_left3A_243 : i32 to vector<16xi32>
      %shift_left3A_245 = arith.shli %bitcast3A_242, %shift_left3A_244 : vector<16xi32>
      %bitcast3A_246 = vector.bitcast %shift_left3A_245 : vector<16xi32> to vector<16xf32>
      %and3A_247 = arith.constant -65536 : i32
      %and3A_248 = vector.broadcast %and3A_247 : i32 to vector<16xi32>
      %and3A_249 = arith.andi %bitcast3A_242, %and3A_248 : vector<16xi32>
      %bitcast3A_250 = vector.bitcast %and3A_249 : vector<16xi32> to vector<16xf32>
      %slice3A = vector.extract_strided_slice %gather3A {offsets = [0], sizes = [1], strides = [1]} : vector<16xf32> to vector<1xf32>
      %squeeze3A = vector.extract %slice3A[0] : f32 from vector<1xf32>
      %mul3A_251 = vector.broadcast %squeeze3A : f32 to vector<16xf32>
      %mul3A_252 = arith.mulf %mul3A_251, %bitcast3A_246 : vector<16xf32>
      %slice3A_253 = vector.extract_strided_slice %gather3A {offsets = [1], sizes = [1], strides = [1]} : vector<16xf32> to vector<1xf32>
      %squeeze3A_254 = vector.extract %slice3A_253[0] : f32 from vector<1xf32>
      %mul3A_255 = vector.broadcast %squeeze3A_254 : f32 to vector<16xf32>
      %mul3A_256 = arith.mulf %mul3A_255, %bitcast3A_250 : vector<16xf32>
      %add3A_257 = arith.addf %mul3A_252, %mul3A_256 : vector<16xf32>
      %get3A_258 = arith.index_cast %scan3A_230 : i32 to index
      %get3A_259 = arith.constant 16 : index
      %get3A_260 = tpu.vector_load %arg11[%get3A_258, %get3A_259] {strides = array<i32>} : memref<200x144xf32, #tpu.memory_space<vmem>>, vector<16xf32>,
      %bitcast3A_261 = vector.bitcast %get3A_260 : vector<16xf32> to vector<16xi32>
      %shift_left3A_262 = arith.constant 16 : i32
      %shift_left3A_263 = vector.broadcast %shift_left3A_262 : i32 to vector<16xi32>
      %shift_left3A_264 = arith.shli %bitcast3A_261, %shift_left3A_263 : vector<16xi32>
      %bitcast3A_265 = vector.bitcast %shift_left3A_264 : vector<16xi32> to vector<16xf32>
      %and3A_266 = arith.constant -65536 : i32
      %and3A_267 = vector.broadcast %and3A_266 : i32 to vector<16xi32>
      %and3A_268 = arith.andi %bitcast3A_261, %and3A_267 : vector<16xi32>
      %bitcast3A_269 = vector.bitcast %and3A_268 : vector<16xi32> to vector<16xf32>
      %slice3A_270 = vector.extract_strided_slice %gather3A {offsets = [2], sizes = [1], strides = [1]} : vector<16xf32> to vector<1xf32>
      %squeeze3A_271 = vector.extract %slice3A_270[0] : f32 from vector<1xf32>
      %mul3A_272 = vector.broadcast %squeeze3A_271 : f32 to vector<16xf32>
      %mul3A_273 = arith.mulf %mul3A_272, %bitcast3A_265 : vector<16xf32>
      %slice3A_274 = vector.extract_strided_slice %gather3A {offsets = [3], sizes = [1], strides = [1]} : vector<16xf32> to vector<1xf32>
      %squeeze3A_275 = vector.extract %slice3A_274[0] : f32 from vector<1xf32>
      %mul3A_276 = vector.broadcast %squeeze3A_275 : f32 to vector<16xf32>
      %mul3A_277 = arith.mulf %mul3A_276, %bitcast3A_269 : vector<16xf32>
      %add3A_278 = arith.addf %mul3A_273, %mul3A_277 : vector<16xf32>
      %get3A_279 = arith.index_cast %scan3A_230 : i32 to index
      %get3A_280 = arith.constant 32 : index
      %get3A_281 = tpu.vector_load %arg11[%get3A_279, %get3A_280] {strides = array<i32>} : memref<200x144xf32, #tpu.memory_space<vmem>>, vector<16xf32>,
      %bitcast3A_282 = vector.bitcast %get3A_281 : vector<16xf32> to vector<16xi32>
      %shift_left3A_283 = arith.constant 16 : i32
      %shift_left3A_284 = vector.broadcast %shift_left3A_283 : i32 to vector<16xi32>
      %shift_left3A_285 = arith.shli %bitcast3A_282, %shift_left3A_284 : vector<16xi32>
      %bitcast3A_286 = vector.bitcast %shift_left3A_285 : vector<16xi32> to vector<16xf32>
      %and3A_287 = arith.constant -65536 : i32
      %and3A_288 = vector.broadcast %and3A_287 : i32 to vector<16xi32>
      %and3A_289 = arith.andi %bitcast3A_282, %and3A_288 : vector<16xi32>
      %bitcast3A_290 = vector.bitcast %and3A_289 : vector<16xi32> to vector<16xf32>
      %slice3A_291 = vector.extract_strided_slice %gather3A {offsets = [4], sizes = [1], strides = [1]} : vector<16xf32> to vector<1xf32>
      %squeeze3A_292 = vector.extract %slice3A_291[0] : f32 from vector<1xf32>
      %mul3A_293 = vector.broadcast %squeeze3A_292 : f32 to vector<16xf32>
      %mul3A_294 = arith.mulf %mul3A_293, %bitcast3A_286 : vector<16xf32>
      %slice3A_295 = vector.extract_strided_slice %gather3A {offsets = [5], sizes = [1], strides = [1]} : vector<16xf32> to vector<1xf32>
      %squeeze3A_296 = vector.extract %slice3A_295[0] : f32 from vector<1xf32>
      %mul3A_297 = vector.broadcast %squeeze3A_296 : f32 to vector<16xf32>
      %mul3A_298 = arith.mulf %mul3A_297, %bitcast3A_290 : vector<16xf32>
      %add3A_299 = arith.addf %mul3A_294, %mul3A_298 : vector<16xf32>
      %get3A_300 = arith.index_cast %scan3A_230 : i32 to index
      %get3A_301 = arith.constant 48 : index
      %get3A_302 = tpu.vector_load %arg11[%get3A_300, %get3A_301] {strides = array<i32>} : memref<200x144xf32, #tpu.memory_space<vmem>>, vector<16xf32>,
      %bitcast3A_303 = vector.bitcast %get3A_302 : vector<16xf32> to vector<16xi32>
      %shift_left3A_304 = arith.constant 16 : i32
      %shift_left3A_305 = vector.broadcast %shift_left3A_304 : i32 to vector<16xi32>
      %shift_left3A_306 = arith.shli %bitcast3A_303, %shift_left3A_305 : vector<16xi32>
      %bitcast3A_307 = vector.bitcast %shift_left3A_306 : vector<16xi32> to vector<16xf32>
      %and3A_308 = arith.constant -65536 : i32
      %and3A_309 = vector.broadcast %and3A_308 : i32 to vector<16xi32>
      %and3A_310 = arith.andi %bitcast3A_303, %and3A_309 : vector<16xi32>
      %bitcast3A_311 = vector.bitcast %and3A_310 : vector<16xi32> to vector<16xf32>
      %slice3A_312 = vector.extract_strided_slice %gather3A {offsets = [6], sizes = [1], strides = [1]} : vector<16xf32> to vector<1xf32>
      %squeeze3A_313 = vector.extract %slice3A_312[0] : f32 from vector<1xf32>
      %mul3A_314 = vector.broadcast %squeeze3A_313 : f32 to vector<16xf32>
      %mul3A_315 = arith.mulf %mul3A_314, %bitcast3A_307 : vector<16xf32>
      %slice3A_316 = vector.extract_strided_slice %gather3A {offsets = [7], sizes = [1], strides = [1]} : vector<16xf32> to vector<1xf32>
      %squeeze3A_317 = vector.extract %slice3A_316[0] : f32 from vector<1xf32>
      %mul3A_318 = vector.broadcast %squeeze3A_317 : f32 to vector<16xf32>
      %mul3A_319 = arith.mulf %mul3A_318, %bitcast3A_311 : vector<16xf32>
      %add3A_320 = arith.addf %mul3A_315, %mul3A_319 : vector<16xf32>
      %get3A_321 = arith.index_cast %scan3A_230 : i32 to index
      %get3A_322 = arith.constant 64 : index
      %get3A_323 = tpu.vector_load %arg11[%get3A_321, %get3A_322] {strides = array<i32>} : memref<200x144xf32, #tpu.memory_space<vmem>>, vector<16xf32>,
      %bitcast3A_324 = vector.bitcast %get3A_323 : vector<16xf32> to vector<16xi32>
      %shift_left3A_325 = arith.constant 16 : i32
      %shift_left3A_326 = vector.broadcast %shift_left3A_325 : i32 to vector<16xi32>
      %shift_left3A_327 = arith.shli %bitcast3A_324, %shift_left3A_326 : vector<16xi32>
      %bitcast3A_328 = vector.bitcast %shift_left3A_327 : vector<16xi32> to vector<16xf32>
      %and3A_329 = arith.constant -65536 : i32
      %and3A_330 = vector.broadcast %and3A_329 : i32 to vector<16xi32>
      %and3A_331 = arith.andi %bitcast3A_324, %and3A_330 : vector<16xi32>
      %bitcast3A_332 = vector.bitcast %and3A_331 : vector<16xi32> to vector<16xf32>
      %slice3A_333 = vector.extract_strided_slice %gather3A {offsets = [8], sizes = [1], strides = [1]} : vector<16xf32> to vector<1xf32>
      %squeeze3A_334 = vector.extract %slice3A_333[0] : f32 from vector<1xf32>
      %mul3A_335 = vector.broadcast %squeeze3A_334 : f32 to vector<16xf32>
      %mul3A_336 = arith.mulf %mul3A_335, %bitcast3A_328 : vector<16xf32>
      %slice3A_337 = vector.extract_strided_slice %gather3A {offsets = [9], sizes = [1], strides = [1]} : vector<16xf32> to vector<1xf32>
      %squeeze3A_338 = vector.extract %slice3A_337[0] : f32 from vector<1xf32>
      %mul3A_339 = vector.broadcast %squeeze3A_338 : f32 to vector<16xf32>
      %mul3A_340 = arith.mulf %mul3A_339, %bitcast3A_332 : vector<16xf32>
      %add3A_341 = arith.addf %mul3A_336, %mul3A_340 : vector<16xf32>
      %get3A_342 = arith.index_cast %scan3A_230 : i32 to index
      %get3A_343 = arith.constant 80 : index
      %get3A_344 = tpu.vector_load %arg11[%get3A_342, %get3A_343] {strides = array<i32>} : memref<200x144xf32, #tpu.memory_space<vmem>>, vector<16xf32>,
      %bitcast3A_345 = vector.bitcast %get3A_344 : vector<16xf32> to vector<16xi32>
      %shift_left3A_346 = arith.constant 16 : i32
      %shift_left3A_347 = vector.broadcast %shift_left3A_346 : i32 to vector<16xi32>
      %shift_left3A_348 = arith.shli %bitcast3A_345, %shift_left3A_347 : vector<16xi32>
      %bitcast3A_349 = vector.bitcast %shift_left3A_348 : vector<16xi32> to vector<16xf32>
      %and3A_350 = arith.constant -65536 : i32
      %and3A_351 = vector.broadcast %and3A_350 : i32 to vector<16xi32>
      %and3A_352 = arith.andi %bitcast3A_345, %and3A_351 : vector<16xi32>
      %bitcast3A_353 = vector.bitcast %and3A_352 : vector<16xi32> to vector<16xf32>
      %slice3A_354 = vector.extract_strided_slice %gather3A {offsets = [10], sizes = [1], strides = [1]} : vector<16xf32> to vector<1xf32>
      %squeeze3A_355 = vector.extract %slice3A_354[0] : f32 from vector<1xf32>
      %mul3A_356 = vector.broadcast %squeeze3A_355 : f32 to vector<16xf32>
      %mul3A_357 = arith.mulf %mul3A_356, %bitcast3A_349 : vector<16xf32>
      %slice3A_358 = vector.extract_strided_slice %gather3A {offsets = [11], sizes = [1], strides = [1]} : vector<16xf32> to vector<1xf32>
      %squeeze3A_359 = vector.extract %slice3A_358[0] : f32 from vector<1xf32>
      %mul3A_360 = vector.broadcast %squeeze3A_359 : f32 to vector<16xf32>
      %mul3A_361 = arith.mulf %mul3A_360, %bitcast3A_353 : vector<16xf32>
      %add3A_362 = arith.addf %mul3A_357, %mul3A_361 : vector<16xf32>
      %get3A_363 = arith.index_cast %scan3A_230 : i32 to index
      %get3A_364 = arith.constant 96 : index
      %get3A_365 = tpu.vector_load %arg11[%get3A_363, %get3A_364] {strides = array<i32>} : memref<200x144xf32, #tpu.memory_space<vmem>>, vector<16xf32>,
      %bitcast3A_366 = vector.bitcast %get3A_365 : vector<16xf32> to vector<16xi32>
      %shift_left3A_367 = arith.constant 16 : i32
      %shift_left3A_368 = vector.broadcast %shift_left3A_367 : i32 to vector<16xi32>
      %shift_left3A_369 = arith.shli %bitcast3A_366, %shift_left3A_368 : vector<16xi32>
      %bitcast3A_370 = vector.bitcast %shift_left3A_369 : vector<16xi32> to vector<16xf32>
      %and3A_371 = arith.constant -65536 : i32
      %and3A_372 = vector.broadcast %and3A_371 : i32 to vector<16xi32>
      %and3A_373 = arith.andi %bitcast3A_366, %and3A_372 : vector<16xi32>
      %bitcast3A_374 = vector.bitcast %and3A_373 : vector<16xi32> to vector<16xf32>
      %slice3A_375 = vector.extract_strided_slice %gather3A {offsets = [12], sizes = [1], strides = [1]} : vector<16xf32> to vector<1xf32>
      %squeeze3A_376 = vector.extract %slice3A_375[0] : f32 from vector<1xf32>
      %mul3A_377 = vector.broadcast %squeeze3A_376 : f32 to vector<16xf32>
      %mul3A_378 = arith.mulf %mul3A_377, %bitcast3A_370 : vector<16xf32>
      %slice3A_379 = vector.extract_strided_slice %gather3A {offsets = [13], sizes = [1], strides = [1]} : vector<16xf32> to vector<1xf32>
      %squeeze3A_380 = vector.extract %slice3A_379[0] : f32 from vector<1xf32>
      %mul3A_381 = vector.broadcast %squeeze3A_380 : f32 to vector<16xf32>
      %mul3A_382 = arith.mulf %mul3A_381, %bitcast3A_374 : vector<16xf32>
      %add3A_383 = arith.addf %mul3A_378, %mul3A_382 : vector<16xf32>
      %get3A_384 = arith.index_cast %scan3A_230 : i32 to index
      %get3A_385 = arith.constant 112 : index
      %get3A_386 = tpu.vector_load %arg11[%get3A_384, %get3A_385] {strides = array<i32>} : memref<200x144xf32, #tpu.memory_space<vmem>>, vector<16xf32>,
      %bitcast3A_387 = vector.bitcast %get3A_386 : vector<16xf32> to vector<16xi32>
      %shift_left3A_388 = arith.constant 16 : i32
      %shift_left3A_389 = vector.broadcast %shift_left3A_388 : i32 to vector<16xi32>
      %shift_left3A_390 = arith.shli %bitcast3A_387, %shift_left3A_389 : vector<16xi32>
      %bitcast3A_391 = vector.bitcast %shift_left3A_390 : vector<16xi32> to vector<16xf32>
      %and3A_392 = arith.constant -65536 : i32
      %and3A_393 = vector.broadcast %and3A_392 : i32 to vector<16xi32>
      %and3A_394 = arith.andi %bitcast3A_387, %and3A_393 : vector<16xi32>
      %bitcast3A_395 = vector.bitcast %and3A_394 : vector<16xi32> to vector<16xf32>
      %slice3A_396 = vector.extract_strided_slice %gather3A {offsets = [14], sizes = [1], strides = [1]} : vector<16xf32> to vector<1xf32>
      %squeeze3A_397 = vector.extract %slice3A_396[0] : f32 from vector<1xf32>
      %mul3A_398 = vector.broadcast %squeeze3A_397 : f32 to vector<16xf32>
      %mul3A_399 = arith.mulf %mul3A_398, %bitcast3A_391 : vector<16xf32>
      %slice3A_400 = vector.extract_strided_slice %gather3A {offsets = [15], sizes = [1], strides = [1]} : vector<16xf32> to vector<1xf32>
      %squeeze3A_401 = vector.extract %slice3A_400[0] : f32 from vector<1xf32>
      %mul3A_402 = vector.broadcast %squeeze3A_401 : f32 to vector<16xf32>
      %mul3A_403 = arith.mulf %mul3A_402, %bitcast3A_395 : vector<16xf32>
      %add3A_404 = arith.addf %mul3A_399, %mul3A_403 : vector<16xf32>
      %add3A_405 = arith.addf %bitcast3A_235, %add3A_257 : vector<16xf32>
      %add3A_406 = arith.addf %add3A_278, %add3A_299 : vector<16xf32>
      %add3A_407 = arith.addf %add3A_320, %add3A_341 : vector<16xf32>
      %add3A_408 = arith.addf %add3A_362, %add3A_383 : vector<16xf32>
      %add3A_409 = arith.addf %add3A_405, %add3A_406 : vector<16xf32>
      %add3A_410 = arith.addf %add3A_407, %add3A_408 : vector<16xf32>
      %add3A_411 = arith.addf %add3A_409, %add3A_410 : vector<16xf32>
      %add3A_412 = arith.addf %add3A_411, %add3A_404 : vector<16xf32>
      %swap3A = arith.index_cast %scan3A_230 : i32 to index
      %swap3A_413 = arith.constant 0 : index
      %swap3A_414 = tpu.vector_load %arg14[%swap3A, %swap3A_413] {strides = array<i32>} : memref<200x16xf32, #tpu.memory_space<vmem>>, vector<16xf32>,
      tpu.vector_store %arg14[%swap3A, %swap3A_413], %add3A_412 {strides = array<i32>} : memref<200x16xf32, #tpu.memory_space<vmem>>, vector<16xf32>,
    }
    %scan3A_100 = arith.constant 200 : i32
    %dma_start3A_101 = arith.constant 4200 : i32
    %dma_start3A_102 = tpu.memref_slice %arg7[%dma_start3A_101] : memref<5000xi32, #tpu.memory_space<vmem>> -> memref<200xi32, #tpu.memory_space<vmem>>
    %dma_start3A_103 = arith.constant 0 : i32
    %dma_start3A_104 = arith.constant 0 : i32
    %dma_start3A_105 = tpu.memref_slice %arg17[%dma_start3A_103, %dma_start3A_104] : memref<10240x16xf32, #tpu.memory_space<vmem_shared>> -> memref<10240x16xf32, #tpu.memory_space<vmem_shared>>
    tpu.enqueue_indirect_dma source(%arg14 : memref<200x16xf32, #tpu.memory_space<vmem>>) target(%dma_start3A_105 : memref<10240x16xf32, #tpu.memory_space<vmem_shared>>) offsets(%dma_start3A_102 : memref<200xi32, #tpu.memory_space<vmem>>) semaphore(%arg21 : memref<!tpu.dma_semaphore, #tpu.memory_space<semaphore_mem>>) {add = true}
    %dma_wait3A_106 = arith.constant 0 : i32
    %dma_wait3A_107 = arith.constant 0 : i32
    %dma_wait3A_108 = tpu.memref_slice %arg3[%dma_wait3A_106, %dma_wait3A_107] : memref<16x160000xf32, #tpu.memory_space<hbm>> -> memref<16x200xf32, #tpu.memory_space<hbm>>
    %dma_wait3A_109 = arith.constant 0 : i32
    %dma_wait3A_110 = arith.constant 0 : i32
    %dma_wait3A_111 = tpu.memref_slice %arg3[%dma_wait3A_109, %dma_wait3A_110] : memref<16x160000xf32, #tpu.memory_space<hbm>> -> memref<16x200xf32, #tpu.memory_space<hbm>>
    tpu.wait_dma2 semaphore(%arg19 : memref<!tpu.dma_semaphore, #tpu.memory_space<semaphore_mem>>) src(%dma_wait3A_111 : memref<16x200xf32, #tpu.memory_space<hbm>>) dst(%arg9 : memref<16x200xf32, #tpu.memory_space<vmem>>)
    %dma_wait3A_112 = arith.constant 0 : i32
    %dma_wait3A_113 = arith.constant 0 : i32
    %dma_wait3A_114 = tpu.memref_slice %arg2[%dma_wait3A_112, %dma_wait3A_113] : memref<10000x144xf32, #tpu.memory_space<hbm>> -> memref<200x144xf32, #tpu.memory_space<hbm>>
    %dma_wait3A_115 = arith.constant 0 : i32
    %dma_wait3A_116 = arith.constant 0 : i32
    %dma_wait3A_117 = tpu.memref_slice %arg2[%dma_wait3A_115, %dma_wait3A_116] : memref<10000x144xf32, #tpu.memory_space<hbm>> -> memref<200x144xf32, #tpu.memory_space<hbm>>
    tpu.wait_dma2 semaphore(%arg19 : memref<!tpu.dma_semaphore, #tpu.memory_space<semaphore_mem>>) src(%dma_wait3A_117 : memref<200x144xf32, #tpu.memory_space<hbm>>) dst(%arg12 : memref<200x144xf32, #tpu.memory_space<vmem>>)
    %add3A_118 = arith.constant 4800 : i32
    %add3A_119 = arith.addi %mul3A_2, %add3A_118 : i32
    %dma_start3A_120 = arith.constant 0 : i32
    %dma_start3A_121 = tpu.memref_slice %arg3[%dma_start3A_120, %add3A_119] : memref<16x160000xf32, #tpu.memory_space<hbm>> -> memref<16x200xf32, #tpu.memory_space<hbm>>
    %dma_start3A_122 = arith.constant 0 : i32
    %dma_start3A_123 = tpu.memref_slice %arg3[%dma_start3A_122, %add3A_119] : memref<16x160000xf32, #tpu.memory_space<hbm>> -> memref<16x200xf32, #tpu.memory_space<hbm>>
    tpu.enqueue_dma source(%dma_start3A_123 : memref<16x200xf32, #tpu.memory_space<hbm>>) target(%arg8 : memref<16x200xf32, #tpu.memory_space<vmem>>) target_semaphore(%arg18 : memref<!tpu.dma_semaphore, #tpu.memory_space<semaphore_mem>>)
    %dma_start3A_124 = arith.constant 4800 : i32
    %dma_start3A_125 = tpu.memref_slice %arg6[%dma_start3A_124] : memref<5000xi32, #tpu.memory_space<vmem>> -> memref<200xi32, #tpu.memory_space<vmem>>
    %dma_start3A_126 = arith.constant 0 : i32
    %dma_start3A_127 = arith.constant 0 : i32
    %dma_start3A_128 = tpu.memref_slice %arg2[%dma_start3A_126, %dma_start3A_127] : memref<10000x144xf32, #tpu.memory_space<hbm>> -> memref<10000x144xf32, #tpu.memory_space<hbm>>
    tpu.enqueue_indirect_dma source(%dma_start3A_128 : memref<10000x144xf32, #tpu.memory_space<hbm>>) target(%arg11 : memref<200x144xf32, #tpu.memory_space<vmem>>) offsets(%dma_start3A_125 : memref<200xi32, #tpu.memory_space<vmem>>) semaphore(%arg18 : memref<!tpu.dma_semaphore, #tpu.memory_space<semaphore_mem>>)
    %dma_wait3A_129 = arith.constant 0 : i32
    %dma_wait3A_130 = arith.constant 0 : i32
    %dma_wait3A_131 = tpu.memref_slice %arg17[%dma_wait3A_129, %dma_wait3A_130] : memref<10240x16xf32, #tpu.memory_space<vmem_shared>> -> memref<200x16xf32, #tpu.memory_space<vmem_shared>>
    %dma_wait3A_132 = arith.constant 0 : i32
    %dma_wait3A_133 = arith.constant 0 : i32
    %dma_wait3A_134 = tpu.memref_slice %arg17[%dma_wait3A_132, %dma_wait3A_133] : memref<10240x16xf32, #tpu.memory_space<vmem_shared>> -> memref<200x16xf32, #tpu.memory_space<vmem_shared>>
    tpu.wait_dma2 semaphore(%arg22 : memref<!tpu.dma_semaphore, #tpu.memory_space<semaphore_mem>>) src(%arg15 : memref<200x16xf32, #tpu.memory_space<vmem>>) dst(%dma_wait3A_134 : memref<200x16xf32, #tpu.memory_space<vmem_shared>>)
    %iota3A_135 = tpu.iota {dimensions = array<i32: 0>} : vector<16xi32>
    %scan3A_136 = arith.constant 0 : i32
    %scan3A_137 = arith.constant 0 : i32
    %scan3A_138 = arith.constant 200 : i32
    %scan3A_139 = arith.addi %scan3A_137, %scan3A_138 : i32
    %scan3A_140 = arith.constant 1 : i32
    scf.for %scan3A_230 = %scan3A_137 to %scan3A_139 step %scan3A_140  : i32 {
      %broadcast_in_dim3A = vector.broadcast %scan3A_230 : i32 to vector<16xi32>
      %gather3A = tpu.vector_load_idx %arg9[%iota3A_135, %broadcast_in_dim3A] : memref<16x200xf32, #tpu.memory_space<vmem>>[vector<16xi32>, vector<16xi32>], vector<16xf32>,
      %get3A = arith.index_cast %scan3A_230 : i32 to index
      %get3A_231 = arith.constant 128 : index
      %get3A_232 = tpu.vector_load %arg12[%get3A, %get3A_231] {strides = array<i32>} : memref<200x144xf32, #tpu.memory_space<vmem>>, vector<16xf32>,
      %bitcast3A = vector.bitcast %get3A_232 : vector<16xf32> to vector<16xi32>
      %shift_left3A = arith.constant 16 : i32
      %shift_left3A_233 = vector.broadcast %shift_left3A : i32 to vector<16xi32>
      %shift_left3A_234 = arith.shli %bitcast3A, %shift_left3A_233 : vector<16xi32>
      %bitcast3A_235 = vector.bitcast %shift_left3A_234 : vector<16xi32> to vector<16xf32>
      %and3A = arith.constant -65536 : i32
      %and3A_236 = vector.broadcast %and3A : i32 to vector<16xi32>
      %and3A_237 = arith.andi %bitcast3A, %and3A_236 : vector<16xi32>
      %bitcast3A_238 = vector.bitcast %and3A_237 : vector<16xi32> to vector<16xf32>
      %get3A_239 = arith.index_cast %scan3A_230 : i32 to index
      %get3A_240 = arith.constant 0 : index
      %get3A_241 = tpu.vector_load %arg12[%get3A_239, %get3A_240] {strides = array<i32>} : memref<200x144xf32, #tpu.memory_space<vmem>>, vector<16xf32>,
      %bitcast3A_242 = vector.bitcast %get3A_241 : vector<16xf32> to vector<16xi32>
      %shift_left3A_243 = arith.constant 16 : i32
      %shift_left3A_244 = vector.broadcast %shift_left3A_243 : i32 to vector<16xi32>
      %shift_left3A_245 = arith.shli %bitcast3A_242, %shift_left3A_244 : vector<16xi32>
      %bitcast3A_246 = vector.bitcast %shift_left3A_245 : vector<16xi32> to vector<16xf32>
      %and3A_247 = arith.constant -65536 : i32
      %and3A_248 = vector.broadcast %and3A_247 : i32 to vector<16xi32>
      %and3A_249 = arith.andi %bitcast3A_242, %and3A_248 : vector<16xi32>
      %bitcast3A_250 = vector.bitcast %and3A_249 : vector<16xi32> to vector<16xf32>
      %slice3A = vector.extract_strided_slice %gather3A {offsets = [0], sizes = [1], strides = [1]} : vector<16xf32> to vector<1xf32>
      %squeeze3A = vector.extract %slice3A[0] : f32 from vector<1xf32>
      %mul3A_251 = vector.broadcast %squeeze3A : f32 to vector<16xf32>
      %mul3A_252 = arith.mulf %mul3A_251, %bitcast3A_246 : vector<16xf32>
      %slice3A_253 = vector.extract_strided_slice %gather3A {offsets = [1], sizes = [1], strides = [1]} : vector<16xf32> to vector<1xf32>
      %squeeze3A_254 = vector.extract %slice3A_253[0] : f32 from vector<1xf32>
      %mul3A_255 = vector.broadcast %squeeze3A_254 : f32 to vector<16xf32>
      %mul3A_256 = arith.mulf %mul3A_255, %bitcast3A_250 : vector<16xf32>
      %add3A_257 = arith.addf %mul3A_252, %mul3A_256 : vector<16xf32>
      %get3A_258 = arith.index_cast %scan3A_230 : i32 to index
      %get3A_259 = arith.constant 16 : index
      %get3A_260 = tpu.vector_load %arg12[%get3A_258, %get3A_259] {strides = array<i32>} : memref<200x144xf32, #tpu.memory_space<vmem>>, vector<16xf32>,
      %bitcast3A_261 = vector.bitcast %get3A_260 : vector<16xf32> to vector<16xi32>
      %shift_left3A_262 = arith.constant 16 : i32
      %shift_left3A_263 = vector.broadcast %shift_left3A_262 : i32 to vector<16xi32>
      %shift_left3A_264 = arith.shli %bitcast3A_261, %shift_left3A_263 : vector<16xi32>
      %bitcast3A_265 = vector.bitcast %shift_left3A_264 : vector<16xi32> to vector<16xf32>
      %and3A_266 = arith.constant -65536 : i32
      %and3A_267 = vector.broadcast %and3A_266 : i32 to vector<16xi32>
      %and3A_268 = arith.andi %bitcast3A_261, %and3A_267 : vector<16xi32>
      %bitcast3A_269 = vector.bitcast %and3A_268 : vector<16xi32> to vector<16xf32>
      %slice3A_270 = vector.extract_strided_slice %gather3A {offsets = [2], sizes = [1], strides = [1]} : vector<16xf32> to vector<1xf32>
      %squeeze3A_271 = vector.extract %slice3A_270[0] : f32 from vector<1xf32>
      %mul3A_272 = vector.broadcast %squeeze3A_271 : f32 to vector<16xf32>
      %mul3A_273 = arith.mulf %mul3A_272, %bitcast3A_265 : vector<16xf32>
      %slice3A_274 = vector.extract_strided_slice %gather3A {offsets = [3], sizes = [1], strides = [1]} : vector<16xf32> to vector<1xf32>
      %squeeze3A_275 = vector.extract %slice3A_274[0] : f32 from vector<1xf32>
      %mul3A_276 = vector.broadcast %squeeze3A_275 : f32 to vector<16xf32>
      %mul3A_277 = arith.mulf %mul3A_276, %bitcast3A_269 : vector<16xf32>
      %add3A_278 = arith.addf %mul3A_273, %mul3A_277 : vector<16xf32>
      %get3A_279 = arith.index_cast %scan3A_230 : i32 to index
      %get3A_280 = arith.constant 32 : index
      %get3A_281 = tpu.vector_load %arg12[%get3A_279, %get3A_280] {strides = array<i32>} : memref<200x144xf32, #tpu.memory_space<vmem>>, vector<16xf32>,
      %bitcast3A_282 = vector.bitcast %get3A_281 : vector<16xf32> to vector<16xi32>
      %shift_left3A_283 = arith.constant 16 : i32
      %shift_left3A_284 = vector.broadcast %shift_left3A_283 : i32 to vector<16xi32>
      %shift_left3A_285 = arith.shli %bitcast3A_282, %shift_left3A_284 : vector<16xi32>
      %bitcast3A_286 = vector.bitcast %shift_left3A_285 : vector<16xi32> to vector<16xf32>
      %and3A_287 = arith.constant -65536 : i32
      %and3A_288 = vector.broadcast %and3A_287 : i32 to vector<16xi32>
      %and3A_289 = arith.andi %bitcast3A_282, %and3A_288 : vector<16xi32>
      %bitcast3A_290 = vector.bitcast %and3A_289 : vector<16xi32> to vector<16xf32>
      %slice3A_291 = vector.extract_strided_slice %gather3A {offsets = [4], sizes = [1], strides = [1]} : vector<16xf32> to vector<1xf32>
      %squeeze3A_292 = vector.extract %slice3A_291[0] : f32 from vector<1xf32>
      %mul3A_293 = vector.broadcast %squeeze3A_292 : f32 to vector<16xf32>
      %mul3A_294 = arith.mulf %mul3A_293, %bitcast3A_286 : vector<16xf32>
      %slice3A_295 = vector.extract_strided_slice %gather3A {offsets = [5], sizes = [1], strides = [1]} : vector<16xf32> to vector<1xf32>
      %squeeze3A_296 = vector.extract %slice3A_295[0] : f32 from vector<1xf32>
      %mul3A_297 = vector.broadcast %squeeze3A_296 : f32 to vector<16xf32>
      %mul3A_298 = arith.mulf %mul3A_297, %bitcast3A_290 : vector<16xf32>
      %add3A_299 = arith.addf %mul3A_294, %mul3A_298 : vector<16xf32>
      %get3A_300 = arith.index_cast %scan3A_230 : i32 to index
      %get3A_301 = arith.constant 48 : index
      %get3A_302 = tpu.vector_load %arg12[%get3A_300, %get3A_301] {strides = array<i32>} : memref<200x144xf32, #tpu.memory_space<vmem>>, vector<16xf32>,
      %bitcast3A_303 = vector.bitcast %get3A_302 : vector<16xf32> to vector<16xi32>
      %shift_left3A_304 = arith.constant 16 : i32
      %shift_left3A_305 = vector.broadcast %shift_left3A_304 : i32 to vector<16xi32>
      %shift_left3A_306 = arith.shli %bitcast3A_303, %shift_left3A_305 : vector<16xi32>
      %bitcast3A_307 = vector.bitcast %shift_left3A_306 : vector<16xi32> to vector<16xf32>
      %and3A_308 = arith.constant -65536 : i32
      %and3A_309 = vector.broadcast %and3A_308 : i32 to vector<16xi32>
      %and3A_310 = arith.andi %bitcast3A_303, %and3A_309 : vector<16xi32>
      %bitcast3A_311 = vector.bitcast %and3A_310 : vector<16xi32> to vector<16xf32>
      %slice3A_312 = vector.extract_strided_slice %gather3A {offsets = [6], sizes = [1], strides = [1]} : vector<16xf32> to vector<1xf32>
      %squeeze3A_313 = vector.extract %slice3A_312[0] : f32 from vector<1xf32>
      %mul3A_314 = vector.broadcast %squeeze3A_313 : f32 to vector<16xf32>
      %mul3A_315 = arith.mulf %mul3A_314, %bitcast3A_307 : vector<16xf32>
      %slice3A_316 = vector.extract_strided_slice %gather3A {offsets = [7], sizes = [1], strides = [1]} : vector<16xf32> to vector<1xf32>
      %squeeze3A_317 = vector.extract %slice3A_316[0] : f32 from vector<1xf32>
      %mul3A_318 = vector.broadcast %squeeze3A_317 : f32 to vector<16xf32>
      %mul3A_319 = arith.mulf %mul3A_318, %bitcast3A_311 : vector<16xf32>
      %add3A_320 = arith.addf %mul3A_315, %mul3A_319 : vector<16xf32>
      %get3A_321 = arith.index_cast %scan3A_230 : i32 to index
      %get3A_322 = arith.constant 64 : index
      %get3A_323 = tpu.vector_load %arg12[%get3A_321, %get3A_322] {strides = array<i32>} : memref<200x144xf32, #tpu.memory_space<vmem>>, vector<16xf32>,
      %bitcast3A_324 = vector.bitcast %get3A_323 : vector<16xf32> to vector<16xi32>
      %shift_left3A_325 = arith.constant 16 : i32
      %shift_left3A_326 = vector.broadcast %shift_left3A_325 : i32 to vector<16xi32>
      %shift_left3A_327 = arith.shli %bitcast3A_324, %shift_left3A_326 : vector<16xi32>
      %bitcast3A_328 = vector.bitcast %shift_left3A_327 : vector<16xi32> to vector<16xf32>
      %and3A_329 = arith.constant -65536 : i32
      %and3A_330 = vector.broadcast %and3A_329 : i32 to vector<16xi32>
      %and3A_331 = arith.andi %bitcast3A_324, %and3A_330 : vector<16xi32>
      %bitcast3A_332 = vector.bitcast %and3A_331 : vector<16xi32> to vector<16xf32>
      %slice3A_333 = vector.extract_strided_slice %gather3A {offsets = [8], sizes = [1], strides = [1]} : vector<16xf32> to vector<1xf32>
      %squeeze3A_334 = vector.extract %slice3A_333[0] : f32 from vector<1xf32>
      %mul3A_335 = vector.broadcast %squeeze3A_334 : f32 to vector<16xf32>
      %mul3A_336 = arith.mulf %mul3A_335, %bitcast3A_328 : vector<16xf32>
      %slice3A_337 = vector.extract_strided_slice %gather3A {offsets = [9], sizes = [1], strides = [1]} : vector<16xf32> to vector<1xf32>
      %squeeze3A_338 = vector.extract %slice3A_337[0] : f32 from vector<1xf32>
      %mul3A_339 = vector.broadcast %squeeze3A_338 : f32 to vector<16xf32>
      %mul3A_340 = arith.mulf %mul3A_339, %bitcast3A_332 : vector<16xf32>
      %add3A_341 = arith.addf %mul3A_336, %mul3A_340 : vector<16xf32>
      %get3A_342 = arith.index_cast %scan3A_230 : i32 to index
      %get3A_343 = arith.constant 80 : index
      %get3A_344 = tpu.vector_load %arg12[%get3A_342, %get3A_343] {strides = array<i32>} : memref<200x144xf32, #tpu.memory_space<vmem>>, vector<16xf32>,
      %bitcast3A_345 = vector.bitcast %get3A_344 : vector<16xf32> to vector<16xi32>
      %shift_left3A_346 = arith.constant 16 : i32
      %shift_left3A_347 = vector.broadcast %shift_left3A_346 : i32 to vector<16xi32>
      %shift_left3A_348 = arith.shli %bitcast3A_345, %shift_left3A_347 : vector<16xi32>
      %bitcast3A_349 = vector.bitcast %shift_left3A_348 : vector<16xi32> to vector<16xf32>
      %and3A_350 = arith.constant -65536 : i32
      %and3A_351 = vector.broadcast %and3A_350 : i32 to vector<16xi32>
      %and3A_352 = arith.andi %bitcast3A_345, %and3A_351 : vector<16xi32>
      %bitcast3A_353 = vector.bitcast %and3A_352 : vector<16xi32> to vector<16xf32>
      %slice3A_354 = vector.extract_strided_slice %gather3A {offsets = [10], sizes = [1], strides = [1]} : vector<16xf32> to vector<1xf32>
      %squeeze3A_355 = vector.extract %slice3A_354[0] : f32 from vector<1xf32>
      %mul3A_356 = vector.broadcast %squeeze3A_355 : f32 to vector<16xf32>
      %mul3A_357 = arith.mulf %mul3A_356, %bitcast3A_349 : vector<16xf32>
      %slice3A_358 = vector.extract_strided_slice %gather3A {offsets = [11], sizes = [1], strides = [1]} : vector<16xf32> to vector<1xf32>
      %squeeze3A_359 = vector.extract %slice3A_358[0] : f32 from vector<1xf32>
      %mul3A_360 = vector.broadcast %squeeze3A_359 : f32 to vector<16xf32>
      %mul3A_361 = arith.mulf %mul3A_360, %bitcast3A_353 : vector<16xf32>
      %add3A_362 = arith.addf %mul3A_357, %mul3A_361 : vector<16xf32>
      %get3A_363 = arith.index_cast %scan3A_230 : i32 to index
      %get3A_364 = arith.constant 96 : index
      %get3A_365 = tpu.vector_load %arg12[%get3A_363, %get3A_364] {strides = array<i32>} : memref<200x144xf32, #tpu.memory_space<vmem>>, vector<16xf32>,
      %bitcast3A_366 = vector.bitcast %get3A_365 : vector<16xf32> to vector<16xi32>
      %shift_left3A_367 = arith.constant 16 : i32
      %shift_left3A_368 = vector.broadcast %shift_left3A_367 : i32 to vector<16xi32>
      %shift_left3A_369 = arith.shli %bitcast3A_366, %shift_left3A_368 : vector<16xi32>
      %bitcast3A_370 = vector.bitcast %shift_left3A_369 : vector<16xi32> to vector<16xf32>
      %and3A_371 = arith.constant -65536 : i32
      %and3A_372 = vector.broadcast %and3A_371 : i32 to vector<16xi32>
      %and3A_373 = arith.andi %bitcast3A_366, %and3A_372 : vector<16xi32>
      %bitcast3A_374 = vector.bitcast %and3A_373 : vector<16xi32> to vector<16xf32>
      %slice3A_375 = vector.extract_strided_slice %gather3A {offsets = [12], sizes = [1], strides = [1]} : vector<16xf32> to vector<1xf32>
      %squeeze3A_376 = vector.extract %slice3A_375[0] : f32 from vector<1xf32>
      %mul3A_377 = vector.broadcast %squeeze3A_376 : f32 to vector<16xf32>
      %mul3A_378 = arith.mulf %mul3A_377, %bitcast3A_370 : vector<16xf32>
      %slice3A_379 = vector.extract_strided_slice %gather3A {offsets = [13], sizes = [1], strides = [1]} : vector<16xf32> to vector<1xf32>
      %squeeze3A_380 = vector.extract %slice3A_379[0] : f32 from vector<1xf32>
      %mul3A_381 = vector.broadcast %squeeze3A_380 : f32 to vector<16xf32>
      %mul3A_382 = arith.mulf %mul3A_381, %bitcast3A_374 : vector<16xf32>
      %add3A_383 = arith.addf %mul3A_378, %mul3A_382 : vector<16xf32>
      %get3A_384 = arith.index_cast %scan3A_230 : i32 to index
      %get3A_385 = arith.constant 112 : index
      %get3A_386 = tpu.vector_load %arg12[%get3A_384, %get3A_385] {strides = array<i32>} : memref<200x144xf32, #tpu.memory_space<vmem>>, vector<16xf32>,
      %bitcast3A_387 = vector.bitcast %get3A_386 : vector<16xf32> to vector<16xi32>
      %shift_left3A_388 = arith.constant 16 : i32
      %shift_left3A_389 = vector.broadcast %shift_left3A_388 : i32 to vector<16xi32>
      %shift_left3A_390 = arith.shli %bitcast3A_387, %shift_left3A_389 : vector<16xi32>
      %bitcast3A_391 = vector.bitcast %shift_left3A_390 : vector<16xi32> to vector<16xf32>
      %and3A_392 = arith.constant -65536 : i32
      %and3A_393 = vector.broadcast %and3A_392 : i32 to vector<16xi32>
      %and3A_394 = arith.andi %bitcast3A_387, %and3A_393 : vector<16xi32>
      %bitcast3A_395 = vector.bitcast %and3A_394 : vector<16xi32> to vector<16xf32>
      %slice3A_396 = vector.extract_strided_slice %gather3A {offsets = [14], sizes = [1], strides = [1]} : vector<16xf32> to vector<1xf32>
      %squeeze3A_397 = vector.extract %slice3A_396[0] : f32 from vector<1xf32>
      %mul3A_398 = vector.broadcast %squeeze3A_397 : f32 to vector<16xf32>
      %mul3A_399 = arith.mulf %mul3A_398, %bitcast3A_391 : vector<16xf32>
      %slice3A_400 = vector.extract_strided_slice %gather3A {offsets = [15], sizes = [1], strides = [1]} : vector<16xf32> to vector<1xf32>
      %squeeze3A_401 = vector.extract %slice3A_400[0] : f32 from vector<1xf32>
      %mul3A_402 = vector.broadcast %squeeze3A_401 : f32 to vector<16xf32>
      %mul3A_403 = arith.mulf %mul3A_402, %bitcast3A_395 : vector<16xf32>
      %add3A_404 = arith.addf %mul3A_399, %mul3A_403 : vector<16xf32>
      %add3A_405 = arith.addf %bitcast3A_235, %add3A_257 : vector<16xf32>
      %add3A_406 = arith.addf %add3A_278, %add3A_299 : vector<16xf32>
      %add3A_407 = arith.addf %add3A_320, %add3A_341 : vector<16xf32>
      %add3A_408 = arith.addf %add3A_362, %add3A_383 : vector<16xf32>
      %add3A_409 = arith.addf %add3A_405, %add3A_406 : vector<16xf32>
      %add3A_410 = arith.addf %add3A_407, %add3A_408 : vector<16xf32>
      %add3A_411 = arith.addf %add3A_409, %add3A_410 : vector<16xf32>
      %add3A_412 = arith.addf %add3A_411, %add3A_404 : vector<16xf32>
      %swap3A = arith.index_cast %scan3A_230 : i32 to index
      %swap3A_413 = arith.constant 0 : index
      %swap3A_414 = tpu.vector_load %arg15[%swap3A, %swap3A_413] {strides = array<i32>} : memref<200x16xf32, #tpu.memory_space<vmem>>, vector<16xf32>,
      tpu.vector_store %arg15[%swap3A, %swap3A_413], %add3A_412 {strides = array<i32>} : memref<200x16xf32, #tpu.memory_space<vmem>>, vector<16xf32>,
    }
    %scan3A_141 = arith.constant 200 : i32
    %dma_start3A_142 = arith.constant 4400 : i32
    %dma_start3A_143 = tpu.memref_slice %arg7[%dma_start3A_142] : memref<5000xi32, #tpu.memory_space<vmem>> -> memref<200xi32, #tpu.memory_space<vmem>>
    %dma_start3A_144 = arith.constant 0 : i32
    %dma_start3A_145 = arith.constant 0 : i32
    %dma_start3A_146 = tpu.memref_slice %arg17[%dma_start3A_144, %dma_start3A_145] : memref<10240x16xf32, #tpu.memory_space<vmem_shared>> -> memref<10240x16xf32, #tpu.memory_space<vmem_shared>>
    tpu.enqueue_indirect_dma source(%arg15 : memref<200x16xf32, #tpu.memory_space<vmem>>) target(%dma_start3A_146 : memref<10240x16xf32, #tpu.memory_space<vmem_shared>>) offsets(%dma_start3A_143 : memref<200xi32, #tpu.memory_space<vmem>>) semaphore(%arg22 : memref<!tpu.dma_semaphore, #tpu.memory_space<semaphore_mem>>) {add = true}
    %dma_wait3A_147 = arith.constant 0 : i32
    %dma_wait3A_148 = arith.constant 0 : i32
    %dma_wait3A_149 = tpu.memref_slice %arg3[%dma_wait3A_147, %dma_wait3A_148] : memref<16x160000xf32, #tpu.memory_space<hbm>> -> memref<16x200xf32, #tpu.memory_space<hbm>>
    %dma_wait3A_150 = arith.constant 0 : i32
    %dma_wait3A_151 = arith.constant 0 : i32
    %dma_wait3A_152 = tpu.memref_slice %arg3[%dma_wait3A_150, %dma_wait3A_151] : memref<16x160000xf32, #tpu.memory_space<hbm>> -> memref<16x200xf32, #tpu.memory_space<hbm>>
    tpu.wait_dma2 semaphore(%arg20 : memref<!tpu.dma_semaphore, #tpu.memory_space<semaphore_mem>>) src(%dma_wait3A_152 : memref<16x200xf32, #tpu.memory_space<hbm>>) dst(%arg10 : memref<16x200xf32, #tpu.memory_space<vmem>>)
    %dma_wait3A_153 = arith.constant 0 : i32
    %dma_wait3A_154 = arith.constant 0 : i32
    %dma_wait3A_155 = tpu.memref_slice %arg2[%dma_wait3A_153, %dma_wait3A_154] : memref<10000x144xf32, #tpu.memory_space<hbm>> -> memref<200x144xf32, #tpu.memory_space<hbm>>
    %dma_wait3A_156 = arith.constant 0 : i32
    %dma_wait3A_157 = arith.constant 0 : i32
    %dma_wait3A_158 = tpu.memref_slice %arg2[%dma_wait3A_156, %dma_wait3A_157] : memref<10000x144xf32, #tpu.memory_space<hbm>> -> memref<200x144xf32, #tpu.memory_space<hbm>>
    tpu.wait_dma2 semaphore(%arg20 : memref<!tpu.dma_semaphore, #tpu.memory_space<semaphore_mem>>) src(%dma_wait3A_158 : memref<200x144xf32, #tpu.memory_space<hbm>>) dst(%arg13 : memref<200x144xf32, #tpu.memory_space<vmem>>)
    %dma_wait3A_159 = arith.constant 0 : i32
    %dma_wait3A_160 = arith.constant 0 : i32
    %dma_wait3A_161 = tpu.memref_slice %arg17[%dma_wait3A_159, %dma_wait3A_160] : memref<10240x16xf32, #tpu.memory_space<vmem_shared>> -> memref<200x16xf32, #tpu.memory_space<vmem_shared>>
    %dma_wait3A_162 = arith.constant 0 : i32
    %dma_wait3A_163 = arith.constant 0 : i32
    %dma_wait3A_164 = tpu.memref_slice %arg17[%dma_wait3A_162, %dma_wait3A_163] : memref<10240x16xf32, #tpu.memory_space<vmem_shared>> -> memref<200x16xf32, #tpu.memory_space<vmem_shared>>
    tpu.wait_dma2 semaphore(%arg23 : memref<!tpu.dma_semaphore, #tpu.memory_space<semaphore_mem>>) src(%arg16 : memref<200x16xf32, #tpu.memory_space<vmem>>) dst(%dma_wait3A_164 : memref<200x16xf32, #tpu.memory_space<vmem_shared>>)
    %iota3A_165 = tpu.iota {dimensions = array<i32: 0>} : vector<16xi32>
    %scan3A_166 = arith.constant 0 : i32
    %scan3A_167 = arith.constant 0 : i32
    %scan3A_168 = arith.constant 200 : i32
    %scan3A_169 = arith.addi %scan3A_167, %scan3A_168 : i32
    %scan3A_170 = arith.constant 1 : i32
    scf.for %scan3A_230 = %scan3A_167 to %scan3A_169 step %scan3A_170  : i32 {
      %broadcast_in_dim3A = vector.broadcast %scan3A_230 : i32 to vector<16xi32>
      %gather3A = tpu.vector_load_idx %arg10[%iota3A_165, %broadcast_in_dim3A] : memref<16x200xf32, #tpu.memory_space<vmem>>[vector<16xi32>, vector<16xi32>], vector<16xf32>,
      %get3A = arith.index_cast %scan3A_230 : i32 to index
      %get3A_231 = arith.constant 128 : index
      %get3A_232 = tpu.vector_load %arg13[%get3A, %get3A_231] {strides = array<i32>} : memref<200x144xf32, #tpu.memory_space<vmem>>, vector<16xf32>,
      %bitcast3A = vector.bitcast %get3A_232 : vector<16xf32> to vector<16xi32>
      %shift_left3A = arith.constant 16 : i32
      %shift_left3A_233 = vector.broadcast %shift_left3A : i32 to vector<16xi32>
      %shift_left3A_234 = arith.shli %bitcast3A, %shift_left3A_233 : vector<16xi32>
      %bitcast3A_235 = vector.bitcast %shift_left3A_234 : vector<16xi32> to vector<16xf32>
      %and3A = arith.constant -65536 : i32
      %and3A_236 = vector.broadcast %and3A : i32 to vector<16xi32>
      %and3A_237 = arith.andi %bitcast3A, %and3A_236 : vector<16xi32>
      %bitcast3A_238 = vector.bitcast %and3A_237 : vector<16xi32> to vector<16xf32>
      %get3A_239 = arith.index_cast %scan3A_230 : i32 to index
      %get3A_240 = arith.constant 0 : index
      %get3A_241 = tpu.vector_load %arg13[%get3A_239, %get3A_240] {strides = array<i32>} : memref<200x144xf32, #tpu.memory_space<vmem>>, vector<16xf32>,
      %bitcast3A_242 = vector.bitcast %get3A_241 : vector<16xf32> to vector<16xi32>
      %shift_left3A_243 = arith.constant 16 : i32
      %shift_left3A_244 = vector.broadcast %shift_left3A_243 : i32 to vector<16xi32>
      %shift_left3A_245 = arith.shli %bitcast3A_242, %shift_left3A_244 : vector<16xi32>
      %bitcast3A_246 = vector.bitcast %shift_left3A_245 : vector<16xi32> to vector<16xf32>
      %and3A_247 = arith.constant -65536 : i32
      %and3A_248 = vector.broadcast %and3A_247 : i32 to vector<16xi32>
      %and3A_249 = arith.andi %bitcast3A_242, %and3A_248 : vector<16xi32>
      %bitcast3A_250 = vector.bitcast %and3A_249 : vector<16xi32> to vector<16xf32>
      %slice3A = vector.extract_strided_slice %gather3A {offsets = [0], sizes = [1], strides = [1]} : vector<16xf32> to vector<1xf32>
      %squeeze3A = vector.extract %slice3A[0] : f32 from vector<1xf32>
      %mul3A_251 = vector.broadcast %squeeze3A : f32 to vector<16xf32>
      %mul3A_252 = arith.mulf %mul3A_251, %bitcast3A_246 : vector<16xf32>
      %slice3A_253 = vector.extract_strided_slice %gather3A {offsets = [1], sizes = [1], strides = [1]} : vector<16xf32> to vector<1xf32>
      %squeeze3A_254 = vector.extract %slice3A_253[0] : f32 from vector<1xf32>
      %mul3A_255 = vector.broadcast %squeeze3A_254 : f32 to vector<16xf32>
      %mul3A_256 = arith.mulf %mul3A_255, %bitcast3A_250 : vector<16xf32>
      %add3A_257 = arith.addf %mul3A_252, %mul3A_256 : vector<16xf32>
      %get3A_258 = arith.index_cast %scan3A_230 : i32 to index
      %get3A_259 = arith.constant 16 : index
      %get3A_260 = tpu.vector_load %arg13[%get3A_258, %get3A_259] {strides = array<i32>} : memref<200x144xf32, #tpu.memory_space<vmem>>, vector<16xf32>,
      %bitcast3A_261 = vector.bitcast %get3A_260 : vector<16xf32> to vector<16xi32>
      %shift_left3A_262 = arith.constant 16 : i32
      %shift_left3A_263 = vector.broadcast %shift_left3A_262 : i32 to vector<16xi32>
      %shift_left3A_264 = arith.shli %bitcast3A_261, %shift_left3A_263 : vector<16xi32>
      %bitcast3A_265 = vector.bitcast %shift_left3A_264 : vector<16xi32> to vector<16xf32>
      %and3A_266 = arith.constant -65536 : i32
      %and3A_267 = vector.broadcast %and3A_266 : i32 to vector<16xi32>
      %and3A_268 = arith.andi %bitcast3A_261, %and3A_267 : vector<16xi32>
      %bitcast3A_269 = vector.bitcast %and3A_268 : vector<16xi32> to vector<16xf32>
      %slice3A_270 = vector.extract_strided_slice %gather3A {offsets = [2], sizes = [1], strides = [1]} : vector<16xf32> to vector<1xf32>
      %squeeze3A_271 = vector.extract %slice3A_270[0] : f32 from vector<1xf32>
      %mul3A_272 = vector.broadcast %squeeze3A_271 : f32 to vector<16xf32>
      %mul3A_273 = arith.mulf %mul3A_272, %bitcast3A_265 : vector<16xf32>
      %slice3A_274 = vector.extract_strided_slice %gather3A {offsets = [3], sizes = [1], strides = [1]} : vector<16xf32> to vector<1xf32>
      %squeeze3A_275 = vector.extract %slice3A_274[0] : f32 from vector<1xf32>
      %mul3A_276 = vector.broadcast %squeeze3A_275 : f32 to vector<16xf32>
      %mul3A_277 = arith.mulf %mul3A_276, %bitcast3A_269 : vector<16xf32>
      %add3A_278 = arith.addf %mul3A_273, %mul3A_277 : vector<16xf32>
      %get3A_279 = arith.index_cast %scan3A_230 : i32 to index
      %get3A_280 = arith.constant 32 : index
      %get3A_281 = tpu.vector_load %arg13[%get3A_279, %get3A_280] {strides = array<i32>} : memref<200x144xf32, #tpu.memory_space<vmem>>, vector<16xf32>,
      %bitcast3A_282 = vector.bitcast %get3A_281 : vector<16xf32> to vector<16xi32>
      %shift_left3A_283 = arith.constant 16 : i32
      %shift_left3A_284 = vector.broadcast %shift_left3A_283 : i32 to vector<16xi32>
      %shift_left3A_285 = arith.shli %bitcast3A_282, %shift_left3A_284 : vector<16xi32>
      %bitcast3A_286 = vector.bitcast %shift_left3A_285 : vector<16xi32> to vector<16xf32>
      %and3A_287 = arith.constant -65536 : i32
      %and3A_288 = vector.broadcast %and3A_287 : i32 to vector<16xi32>
      %and3A_289 = arith.andi %bitcast3A_282, %and3A_288 : vector<16xi32>
      %bitcast3A_290 = vector.bitcast %and3A_289 : vector<16xi32> to vector<16xf32>
      %slice3A_291 = vector.extract_strided_slice %gather3A {offsets = [4], sizes = [1], strides = [1]} : vector<16xf32> to vector<1xf32>
      %squeeze3A_292 = vector.extract %slice3A_291[0] : f32 from vector<1xf32>
      %mul3A_293 = vector.broadcast %squeeze3A_292 : f32 to vector<16xf32>
      %mul3A_294 = arith.mulf %mul3A_293, %bitcast3A_286 : vector<16xf32>
      %slice3A_295 = vector.extract_strided_slice %gather3A {offsets = [5], sizes = [1], strides = [1]} : vector<16xf32> to vector<1xf32>
      %squeeze3A_296 = vector.extract %slice3A_295[0] : f32 from vector<1xf32>
      %mul3A_297 = vector.broadcast %squeeze3A_296 : f32 to vector<16xf32>
      %mul3A_298 = arith.mulf %mul3A_297, %bitcast3A_290 : vector<16xf32>
      %add3A_299 = arith.addf %mul3A_294, %mul3A_298 : vector<16xf32>
      %get3A_300 = arith.index_cast %scan3A_230 : i32 to index
      %get3A_301 = arith.constant 48 : index
      %get3A_302 = tpu.vector_load %arg13[%get3A_300, %get3A_301] {strides = array<i32>} : memref<200x144xf32, #tpu.memory_space<vmem>>, vector<16xf32>,
      %bitcast3A_303 = vector.bitcast %get3A_302 : vector<16xf32> to vector<16xi32>
      %shift_left3A_304 = arith.constant 16 : i32
      %shift_left3A_305 = vector.broadcast %shift_left3A_304 : i32 to vector<16xi32>
      %shift_left3A_306 = arith.shli %bitcast3A_303, %shift_left3A_305 : vector<16xi32>
      %bitcast3A_307 = vector.bitcast %shift_left3A_306 : vector<16xi32> to vector<16xf32>
      %and3A_308 = arith.constant -65536 : i32
      %and3A_309 = vector.broadcast %and3A_308 : i32 to vector<16xi32>
      %and3A_310 = arith.andi %bitcast3A_303, %and3A_309 : vector<16xi32>
      %bitcast3A_311 = vector.bitcast %and3A_310 : vector<16xi32> to vector<16xf32>
      %slice3A_312 = vector.extract_strided_slice %gather3A {offsets = [6], sizes = [1], strides = [1]} : vector<16xf32> to vector<1xf32>
      %squeeze3A_313 = vector.extract %slice3A_312[0] : f32 from vector<1xf32>
      %mul3A_314 = vector.broadcast %squeeze3A_313 : f32 to vector<16xf32>
      %mul3A_315 = arith.mulf %mul3A_314, %bitcast3A_307 : vector<16xf32>
      %slice3A_316 = vector.extract_strided_slice %gather3A {offsets = [7], sizes = [1], strides = [1]} : vector<16xf32> to vector<1xf32>
      %squeeze3A_317 = vector.extract %slice3A_316[0] : f32 from vector<1xf32>
      %mul3A_318 = vector.broadcast %squeeze3A_317 : f32 to vector<16xf32>
      %mul3A_319 = arith.mulf %mul3A_318, %bitcast3A_311 : vector<16xf32>
      %add3A_320 = arith.addf %mul3A_315, %mul3A_319 : vector<16xf32>
      %get3A_321 = arith.index_cast %scan3A_230 : i32 to index
      %get3A_322 = arith.constant 64 : index
      %get3A_323 = tpu.vector_load %arg13[%get3A_321, %get3A_322] {strides = array<i32>} : memref<200x144xf32, #tpu.memory_space<vmem>>, vector<16xf32>,
      %bitcast3A_324 = vector.bitcast %get3A_323 : vector<16xf32> to vector<16xi32>
      %shift_left3A_325 = arith.constant 16 : i32
      %shift_left3A_326 = vector.broadcast %shift_left3A_325 : i32 to vector<16xi32>
      %shift_left3A_327 = arith.shli %bitcast3A_324, %shift_left3A_326 : vector<16xi32>
      %bitcast3A_328 = vector.bitcast %shift_left3A_327 : vector<16xi32> to vector<16xf32>
      %and3A_329 = arith.constant -65536 : i32
      %and3A_330 = vector.broadcast %and3A_329 : i32 to vector<16xi32>
      %and3A_331 = arith.andi %bitcast3A_324, %and3A_330 : vector<16xi32>
      %bitcast3A_332 = vector.bitcast %and3A_331 : vector<16xi32> to vector<16xf32>
      %slice3A_333 = vector.extract_strided_slice %gather3A {offsets = [8], sizes = [1], strides = [1]} : vector<16xf32> to vector<1xf32>
      %squeeze3A_334 = vector.extract %slice3A_333[0] : f32 from vector<1xf32>
      %mul3A_335 = vector.broadcast %squeeze3A_334 : f32 to vector<16xf32>
      %mul3A_336 = arith.mulf %mul3A_335, %bitcast3A_328 : vector<16xf32>
      %slice3A_337 = vector.extract_strided_slice %gather3A {offsets = [9], sizes = [1], strides = [1]} : vector<16xf32> to vector<1xf32>
      %squeeze3A_338 = vector.extract %slice3A_337[0] : f32 from vector<1xf32>
      %mul3A_339 = vector.broadcast %squeeze3A_338 : f32 to vector<16xf32>
      %mul3A_340 = arith.mulf %mul3A_339, %bitcast3A_332 : vector<16xf32>
      %add3A_341 = arith.addf %mul3A_336, %mul3A_340 : vector<16xf32>
      %get3A_342 = arith.index_cast %scan3A_230 : i32 to index
      %get3A_343 = arith.constant 80 : index
      %get3A_344 = tpu.vector_load %arg13[%get3A_342, %get3A_343] {strides = array<i32>} : memref<200x144xf32, #tpu.memory_space<vmem>>, vector<16xf32>,
      %bitcast3A_345 = vector.bitcast %get3A_344 : vector<16xf32> to vector<16xi32>
      %shift_left3A_346 = arith.constant 16 : i32
      %shift_left3A_347 = vector.broadcast %shift_left3A_346 : i32 to vector<16xi32>
      %shift_left3A_348 = arith.shli %bitcast3A_345, %shift_left3A_347 : vector<16xi32>
      %bitcast3A_349 = vector.bitcast %shift_left3A_348 : vector<16xi32> to vector<16xf32>
      %and3A_350 = arith.constant -65536 : i32
      %and3A_351 = vector.broadcast %and3A_350 : i32 to vector<16xi32>
      %and3A_352 = arith.andi %bitcast3A_345, %and3A_351 : vector<16xi32>
      %bitcast3A_353 = vector.bitcast %and3A_352 : vector<16xi32> to vector<16xf32>
      %slice3A_354 = vector.extract_strided_slice %gather3A {offsets = [10], sizes = [1], strides = [1]} : vector<16xf32> to vector<1xf32>
      %squeeze3A_355 = vector.extract %slice3A_354[0] : f32 from vector<1xf32>
      %mul3A_356 = vector.broadcast %squeeze3A_355 : f32 to vector<16xf32>
      %mul3A_357 = arith.mulf %mul3A_356, %bitcast3A_349 : vector<16xf32>
      %slice3A_358 = vector.extract_strided_slice %gather3A {offsets = [11], sizes = [1], strides = [1]} : vector<16xf32> to vector<1xf32>
      %squeeze3A_359 = vector.extract %slice3A_358[0] : f32 from vector<1xf32>
      %mul3A_360 = vector.broadcast %squeeze3A_359 : f32 to vector<16xf32>
      %mul3A_361 = arith.mulf %mul3A_360, %bitcast3A_353 : vector<16xf32>
      %add3A_362 = arith.addf %mul3A_357, %mul3A_361 : vector<16xf32>
      %get3A_363 = arith.index_cast %scan3A_230 : i32 to index
      %get3A_364 = arith.constant 96 : index
      %get3A_365 = tpu.vector_load %arg13[%get3A_363, %get3A_364] {strides = array<i32>} : memref<200x144xf32, #tpu.memory_space<vmem>>, vector<16xf32>,
      %bitcast3A_366 = vector.bitcast %get3A_365 : vector<16xf32> to vector<16xi32>
      %shift_left3A_367 = arith.constant 16 : i32
      %shift_left3A_368 = vector.broadcast %shift_left3A_367 : i32 to vector<16xi32>
      %shift_left3A_369 = arith.shli %bitcast3A_366, %shift_left3A_368 : vector<16xi32>
      %bitcast3A_370 = vector.bitcast %shift_left3A_369 : vector<16xi32> to vector<16xf32>
      %and3A_371 = arith.constant -65536 : i32
      %and3A_372 = vector.broadcast %and3A_371 : i32 to vector<16xi32>
      %and3A_373 = arith.andi %bitcast3A_366, %and3A_372 : vector<16xi32>
      %bitcast3A_374 = vector.bitcast %and3A_373 : vector<16xi32> to vector<16xf32>
      %slice3A_375 = vector.extract_strided_slice %gather3A {offsets = [12], sizes = [1], strides = [1]} : vector<16xf32> to vector<1xf32>
      %squeeze3A_376 = vector.extract %slice3A_375[0] : f32 from vector<1xf32>
      %mul3A_377 = vector.broadcast %squeeze3A_376 : f32 to vector<16xf32>
      %mul3A_378 = arith.mulf %mul3A_377, %bitcast3A_370 : vector<16xf32>
      %slice3A_379 = vector.extract_strided_slice %gather3A {offsets = [13], sizes = [1], strides = [1]} : vector<16xf32> to vector<1xf32>
      %squeeze3A_380 = vector.extract %slice3A_379[0] : f32 from vector<1xf32>
      %mul3A_381 = vector.broadcast %squeeze3A_380 : f32 to vector<16xf32>
      %mul3A_382 = arith.mulf %mul3A_381, %bitcast3A_374 : vector<16xf32>
      %add3A_383 = arith.addf %mul3A_378, %mul3A_382 : vector<16xf32>
      %get3A_384 = arith.index_cast %scan3A_230 : i32 to index
      %get3A_385 = arith.constant 112 : index
      %get3A_386 = tpu.vector_load %arg13[%get3A_384, %get3A_385] {strides = array<i32>} : memref<200x144xf32, #tpu.memory_space<vmem>>, vector<16xf32>,
      %bitcast3A_387 = vector.bitcast %get3A_386 : vector<16xf32> to vector<16xi32>
      %shift_left3A_388 = arith.constant 16 : i32
      %shift_left3A_389 = vector.broadcast %shift_left3A_388 : i32 to vector<16xi32>
      %shift_left3A_390 = arith.shli %bitcast3A_387, %shift_left3A_389 : vector<16xi32>
      %bitcast3A_391 = vector.bitcast %shift_left3A_390 : vector<16xi32> to vector<16xf32>
      %and3A_392 = arith.constant -65536 : i32
      %and3A_393 = vector.broadcast %and3A_392 : i32 to vector<16xi32>
      %and3A_394 = arith.andi %bitcast3A_387, %and3A_393 : vector<16xi32>
      %bitcast3A_395 = vector.bitcast %and3A_394 : vector<16xi32> to vector<16xf32>
      %slice3A_396 = vector.extract_strided_slice %gather3A {offsets = [14], sizes = [1], strides = [1]} : vector<16xf32> to vector<1xf32>
      %squeeze3A_397 = vector.extract %slice3A_396[0] : f32 from vector<1xf32>
      %mul3A_398 = vector.broadcast %squeeze3A_397 : f32 to vector<16xf32>
      %mul3A_399 = arith.mulf %mul3A_398, %bitcast3A_391 : vector<16xf32>
      %slice3A_400 = vector.extract_strided_slice %gather3A {offsets = [15], sizes = [1], strides = [1]} : vector<16xf32> to vector<1xf32>
      %squeeze3A_401 = vector.extract %slice3A_400[0] : f32 from vector<1xf32>
      %mul3A_402 = vector.broadcast %squeeze3A_401 : f32 to vector<16xf32>
      %mul3A_403 = arith.mulf %mul3A_402, %bitcast3A_395 : vector<16xf32>
      %add3A_404 = arith.addf %mul3A_399, %mul3A_403 : vector<16xf32>
      %add3A_405 = arith.addf %bitcast3A_235, %add3A_257 : vector<16xf32>
      %add3A_406 = arith.addf %add3A_278, %add3A_299 : vector<16xf32>
      %add3A_407 = arith.addf %add3A_320, %add3A_341 : vector<16xf32>
      %add3A_408 = arith.addf %add3A_362, %add3A_383 : vector<16xf32>
      %add3A_409 = arith.addf %add3A_405, %add3A_406 : vector<16xf32>
      %add3A_410 = arith.addf %add3A_407, %add3A_408 : vector<16xf32>
      %add3A_411 = arith.addf %add3A_409, %add3A_410 : vector<16xf32>
      %add3A_412 = arith.addf %add3A_411, %add3A_404 : vector<16xf32>
      %swap3A = arith.index_cast %scan3A_230 : i32 to index
      %swap3A_413 = arith.constant 0 : index
      %swap3A_414 = tpu.vector_load %arg16[%swap3A, %swap3A_413] {strides = array<i32>} : memref<200x16xf32, #tpu.memory_space<vmem>>, vector<16xf32>,
      tpu.vector_store %arg16[%swap3A, %swap3A_413], %add3A_412 {strides = array<i32>} : memref<200x16xf32, #tpu.memory_space<vmem>>, vector<16xf32>,
    }
    %scan3A_171 = arith.constant 200 : i32
    %dma_start3A_172 = arith.constant 4600 : i32
    %dma_start3A_173 = tpu.memref_slice %arg7[%dma_start3A_172] : memref<5000xi32, #tpu.memory_space<vmem>> -> memref<200xi32, #tpu.memory_space<vmem>>
    %dma_start3A_174 = arith.constant 0 : i32
    %dma_start3A_175 = arith.constant 0 : i32
    %dma_start3A_176 = tpu.memref_slice %arg17[%dma_start3A_174, %dma_start3A_175] : memref<10240x16xf32, #tpu.memory_space<vmem_shared>> -> memref<10240x16xf32, #tpu.memory_space<vmem_shared>>
    tpu.enqueue_indirect_dma source(%arg16 : memref<200x16xf32, #tpu.memory_space<vmem>>) target(%dma_start3A_176 : memref<10240x16xf32, #tpu.memory_space<vmem_shared>>) offsets(%dma_start3A_173 : memref<200xi32, #tpu.memory_space<vmem>>) semaphore(%arg23 : memref<!tpu.dma_semaphore, #tpu.memory_space<semaphore_mem>>) {add = true}
    %dma_wait3A_177 = arith.constant 0 : i32
    %dma_wait3A_178 = arith.constant 0 : i32
    %dma_wait3A_179 = tpu.memref_slice %arg3[%dma_wait3A_177, %dma_wait3A_178] : memref<16x160000xf32, #tpu.memory_space<hbm>> -> memref<16x200xf32, #tpu.memory_space<hbm>>
    %dma_wait3A_180 = arith.constant 0 : i32
    %dma_wait3A_181 = arith.constant 0 : i32
    %dma_wait3A_182 = tpu.memref_slice %arg3[%dma_wait3A_180, %dma_wait3A_181] : memref<16x160000xf32, #tpu.memory_space<hbm>> -> memref<16x200xf32, #tpu.memory_space<hbm>>
    tpu.wait_dma2 semaphore(%arg18 : memref<!tpu.dma_semaphore, #tpu.memory_space<semaphore_mem>>) src(%dma_wait3A_182 : memref<16x200xf32, #tpu.memory_space<hbm>>) dst(%arg8 : memref<16x200xf32, #tpu.memory_space<vmem>>)
    %dma_wait3A_183 = arith.constant 0 : i32
    %dma_wait3A_184 = arith.constant 0 : i32
    %dma_wait3A_185 = tpu.memref_slice %arg2[%dma_wait3A_183, %dma_wait3A_184] : memref<10000x144xf32, #tpu.memory_space<hbm>> -> memref<200x144xf32, #tpu.memory_space<hbm>>
    %dma_wait3A_186 = arith.constant 0 : i32
    %dma_wait3A_187 = arith.constant 0 : i32
    %dma_wait3A_188 = tpu.memref_slice %arg2[%dma_wait3A_186, %dma_wait3A_187] : memref<10000x144xf32, #tpu.memory_space<hbm>> -> memref<200x144xf32, #tpu.memory_space<hbm>>
    tpu.wait_dma2 semaphore(%arg18 : memref<!tpu.dma_semaphore, #tpu.memory_space<semaphore_mem>>) src(%dma_wait3A_188 : memref<200x144xf32, #tpu.memory_space<hbm>>) dst(%arg11 : memref<200x144xf32, #tpu.memory_space<vmem>>)
    %dma_wait3A_189 = arith.constant 0 : i32
    %dma_wait3A_190 = arith.constant 0 : i32
    %dma_wait3A_191 = tpu.memref_slice %arg17[%dma_wait3A_189, %dma_wait3A_190] : memref<10240x16xf32, #tpu.memory_space<vmem_shared>> -> memref<200x16xf32, #tpu.memory_space<vmem_shared>>
    %dma_wait3A_192 = arith.constant 0 : i32
    %dma_wait3A_193 = arith.constant 0 : i32
    %dma_wait3A_194 = tpu.memref_slice %arg17[%dma_wait3A_192, %dma_wait3A_193] : memref<10240x16xf32, #tpu.memory_space<vmem_shared>> -> memref<200x16xf32, #tpu.memory_space<vmem_shared>>
    tpu.wait_dma2 semaphore(%arg21 : memref<!tpu.dma_semaphore, #tpu.memory_space<semaphore_mem>>) src(%arg14 : memref<200x16xf32, #tpu.memory_space<vmem>>) dst(%dma_wait3A_194 : memref<200x16xf32, #tpu.memory_space<vmem_shared>>)
    %iota3A_195 = tpu.iota {dimensions = array<i32: 0>} : vector<16xi32>
    %scan3A_196 = arith.constant 0 : i32
    %scan3A_197 = arith.constant 0 : i32
    %scan3A_198 = arith.constant 200 : i32
    %scan3A_199 = arith.addi %scan3A_197, %scan3A_198 : i32
    %scan3A_200 = arith.constant 1 : i32
    scf.for %scan3A_230 = %scan3A_197 to %scan3A_199 step %scan3A_200  : i32 {
      %broadcast_in_dim3A = vector.broadcast %scan3A_230 : i32 to vector<16xi32>
      %gather3A = tpu.vector_load_idx %arg8[%iota3A_195, %broadcast_in_dim3A] : memref<16x200xf32, #tpu.memory_space<vmem>>[vector<16xi32>, vector<16xi32>], vector<16xf32>,
      %get3A = arith.index_cast %scan3A_230 : i32 to index
      %get3A_231 = arith.constant 128 : index
      %get3A_232 = tpu.vector_load %arg11[%get3A, %get3A_231] {strides = array<i32>} : memref<200x144xf32, #tpu.memory_space<vmem>>, vector<16xf32>,
      %bitcast3A = vector.bitcast %get3A_232 : vector<16xf32> to vector<16xi32>
      %shift_left3A = arith.constant 16 : i32
      %shift_left3A_233 = vector.broadcast %shift_left3A : i32 to vector<16xi32>
      %shift_left3A_234 = arith.shli %bitcast3A, %shift_left3A_233 : vector<16xi32>
      %bitcast3A_235 = vector.bitcast %shift_left3A_234 : vector<16xi32> to vector<16xf32>
      %and3A = arith.constant -65536 : i32
      %and3A_236 = vector.broadcast %and3A : i32 to vector<16xi32>
      %and3A_237 = arith.andi %bitcast3A, %and3A_236 : vector<16xi32>
      %bitcast3A_238 = vector.bitcast %and3A_237 : vector<16xi32> to vector<16xf32>
      %get3A_239 = arith.index_cast %scan3A_230 : i32 to index
      %get3A_240 = arith.constant 0 : index
      %get3A_241 = tpu.vector_load %arg11[%get3A_239, %get3A_240] {strides = array<i32>} : memref<200x144xf32, #tpu.memory_space<vmem>>, vector<16xf32>,
      %bitcast3A_242 = vector.bitcast %get3A_241 : vector<16xf32> to vector<16xi32>
      %shift_left3A_243 = arith.constant 16 : i32
      %shift_left3A_244 = vector.broadcast %shift_left3A_243 : i32 to vector<16xi32>
      %shift_left3A_245 = arith.shli %bitcast3A_242, %shift_left3A_244 : vector<16xi32>
      %bitcast3A_246 = vector.bitcast %shift_left3A_245 : vector<16xi32> to vector<16xf32>
      %and3A_247 = arith.constant -65536 : i32
      %and3A_248 = vector.broadcast %and3A_247 : i32 to vector<16xi32>
      %and3A_249 = arith.andi %bitcast3A_242, %and3A_248 : vector<16xi32>
      %bitcast3A_250 = vector.bitcast %and3A_249 : vector<16xi32> to vector<16xf32>
      %slice3A = vector.extract_strided_slice %gather3A {offsets = [0], sizes = [1], strides = [1]} : vector<16xf32> to vector<1xf32>
      %squeeze3A = vector.extract %slice3A[0] : f32 from vector<1xf32>
      %mul3A_251 = vector.broadcast %squeeze3A : f32 to vector<16xf32>
      %mul3A_252 = arith.mulf %mul3A_251, %bitcast3A_246 : vector<16xf32>
      %slice3A_253 = vector.extract_strided_slice %gather3A {offsets = [1], sizes = [1], strides = [1]} : vector<16xf32> to vector<1xf32>
      %squeeze3A_254 = vector.extract %slice3A_253[0] : f32 from vector<1xf32>
      %mul3A_255 = vector.broadcast %squeeze3A_254 : f32 to vector<16xf32>
      %mul3A_256 = arith.mulf %mul3A_255, %bitcast3A_250 : vector<16xf32>
      %add3A_257 = arith.addf %mul3A_252, %mul3A_256 : vector<16xf32>
      %get3A_258 = arith.index_cast %scan3A_230 : i32 to index
      %get3A_259 = arith.constant 16 : index
      %get3A_260 = tpu.vector_load %arg11[%get3A_258, %get3A_259] {strides = array<i32>} : memref<200x144xf32, #tpu.memory_space<vmem>>, vector<16xf32>,
      %bitcast3A_261 = vector.bitcast %get3A_260 : vector<16xf32> to vector<16xi32>
      %shift_left3A_262 = arith.constant 16 : i32
      %shift_left3A_263 = vector.broadcast %shift_left3A_262 : i32 to vector<16xi32>
      %shift_left3A_264 = arith.shli %bitcast3A_261, %shift_left3A_263 : vector<16xi32>
      %bitcast3A_265 = vector.bitcast %shift_left3A_264 : vector<16xi32> to vector<16xf32>
      %and3A_266 = arith.constant -65536 : i32
      %and3A_267 = vector.broadcast %and3A_266 : i32 to vector<16xi32>
      %and3A_268 = arith.andi %bitcast3A_261, %and3A_267 : vector<16xi32>
      %bitcast3A_269 = vector.bitcast %and3A_268 : vector<16xi32> to vector<16xf32>
      %slice3A_270 = vector.extract_strided_slice %gather3A {offsets = [2], sizes = [1], strides = [1]} : vector<16xf32> to vector<1xf32>
      %squeeze3A_271 = vector.extract %slice3A_270[0] : f32 from vector<1xf32>
      %mul3A_272 = vector.broadcast %squeeze3A_271 : f32 to vector<16xf32>
      %mul3A_273 = arith.mulf %mul3A_272, %bitcast3A_265 : vector<16xf32>
      %slice3A_274 = vector.extract_strided_slice %gather3A {offsets = [3], sizes = [1], strides = [1]} : vector<16xf32> to vector<1xf32>
      %squeeze3A_275 = vector.extract %slice3A_274[0] : f32 from vector<1xf32>
      %mul3A_276 = vector.broadcast %squeeze3A_275 : f32 to vector<16xf32>
      %mul3A_277 = arith.mulf %mul3A_276, %bitcast3A_269 : vector<16xf32>
      %add3A_278 = arith.addf %mul3A_273, %mul3A_277 : vector<16xf32>
      %get3A_279 = arith.index_cast %scan3A_230 : i32 to index
      %get3A_280 = arith.constant 32 : index
      %get3A_281 = tpu.vector_load %arg11[%get3A_279, %get3A_280] {strides = array<i32>} : memref<200x144xf32, #tpu.memory_space<vmem>>, vector<16xf32>,
      %bitcast3A_282 = vector.bitcast %get3A_281 : vector<16xf32> to vector<16xi32>
      %shift_left3A_283 = arith.constant 16 : i32
      %shift_left3A_284 = vector.broadcast %shift_left3A_283 : i32 to vector<16xi32>
      %shift_left3A_285 = arith.shli %bitcast3A_282, %shift_left3A_284 : vector<16xi32>
      %bitcast3A_286 = vector.bitcast %shift_left3A_285 : vector<16xi32> to vector<16xf32>
      %and3A_287 = arith.constant -65536 : i32
      %and3A_288 = vector.broadcast %and3A_287 : i32 to vector<16xi32>
      %and3A_289 = arith.andi %bitcast3A_282, %and3A_288 : vector<16xi32>
      %bitcast3A_290 = vector.bitcast %and3A_289 : vector<16xi32> to vector<16xf32>
      %slice3A_291 = vector.extract_strided_slice %gather3A {offsets = [4], sizes = [1], strides = [1]} : vector<16xf32> to vector<1xf32>
      %squeeze3A_292 = vector.extract %slice3A_291[0] : f32 from vector<1xf32>
      %mul3A_293 = vector.broadcast %squeeze3A_292 : f32 to vector<16xf32>
      %mul3A_294 = arith.mulf %mul3A_293, %bitcast3A_286 : vector<16xf32>
      %slice3A_295 = vector.extract_strided_slice %gather3A {offsets = [5], sizes = [1], strides = [1]} : vector<16xf32> to vector<1xf32>
      %squeeze3A_296 = vector.extract %slice3A_295[0] : f32 from vector<1xf32>
      %mul3A_297 = vector.broadcast %squeeze3A_296 : f32 to vector<16xf32>
      %mul3A_298 = arith.mulf %mul3A_297, %bitcast3A_290 : vector<16xf32>
      %add3A_299 = arith.addf %mul3A_294, %mul3A_298 : vector<16xf32>
      %get3A_300 = arith.index_cast %scan3A_230 : i32 to index
      %get3A_301 = arith.constant 48 : index
      %get3A_302 = tpu.vector_load %arg11[%get3A_300, %get3A_301] {strides = array<i32>} : memref<200x144xf32, #tpu.memory_space<vmem>>, vector<16xf32>,
      %bitcast3A_303 = vector.bitcast %get3A_302 : vector<16xf32> to vector<16xi32>
      %shift_left3A_304 = arith.constant 16 : i32
      %shift_left3A_305 = vector.broadcast %shift_left3A_304 : i32 to vector<16xi32>
      %shift_left3A_306 = arith.shli %bitcast3A_303, %shift_left3A_305 : vector<16xi32>
      %bitcast3A_307 = vector.bitcast %shift_left3A_306 : vector<16xi32> to vector<16xf32>
      %and3A_308 = arith.constant -65536 : i32
      %and3A_309 = vector.broadcast %and3A_308 : i32 to vector<16xi32>
      %and3A_310 = arith.andi %bitcast3A_303, %and3A_309 : vector<16xi32>
      %bitcast3A_311 = vector.bitcast %and3A_310 : vector<16xi32> to vector<16xf32>
      %slice3A_312 = vector.extract_strided_slice %gather3A {offsets = [6], sizes = [1], strides = [1]} : vector<16xf32> to vector<1xf32>
      %squeeze3A_313 = vector.extract %slice3A_312[0] : f32 from vector<1xf32>
      %mul3A_314 = vector.broadcast %squeeze3A_313 : f32 to vector<16xf32>
      %mul3A_315 = arith.mulf %mul3A_314, %bitcast3A_307 : vector<16xf32>
      %slice3A_316 = vector.extract_strided_slice %gather3A {offsets = [7], sizes = [1], strides = [1]} : vector<16xf32> to vector<1xf32>
      %squeeze3A_317 = vector.extract %slice3A_316[0] : f32 from vector<1xf32>
      %mul3A_318 = vector.broadcast %squeeze3A_317 : f32 to vector<16xf32>
      %mul3A_319 = arith.mulf %mul3A_318, %bitcast3A_311 : vector<16xf32>
      %add3A_320 = arith.addf %mul3A_315, %mul3A_319 : vector<16xf32>
      %get3A_321 = arith.index_cast %scan3A_230 : i32 to index
      %get3A_322 = arith.constant 64 : index
      %get3A_323 = tpu.vector_load %arg11[%get3A_321, %get3A_322] {strides = array<i32>} : memref<200x144xf32, #tpu.memory_space<vmem>>, vector<16xf32>,
      %bitcast3A_324 = vector.bitcast %get3A_323 : vector<16xf32> to vector<16xi32>
      %shift_left3A_325 = arith.constant 16 : i32
      %shift_left3A_326 = vector.broadcast %shift_left3A_325 : i32 to vector<16xi32>
      %shift_left3A_327 = arith.shli %bitcast3A_324, %shift_left3A_326 : vector<16xi32>
      %bitcast3A_328 = vector.bitcast %shift_left3A_327 : vector<16xi32> to vector<16xf32>
      %and3A_329 = arith.constant -65536 : i32
      %and3A_330 = vector.broadcast %and3A_329 : i32 to vector<16xi32>
      %and3A_331 = arith.andi %bitcast3A_324, %and3A_330 : vector<16xi32>
      %bitcast3A_332 = vector.bitcast %and3A_331 : vector<16xi32> to vector<16xf32>
      %slice3A_333 = vector.extract_strided_slice %gather3A {offsets = [8], sizes = [1], strides = [1]} : vector<16xf32> to vector<1xf32>
      %squeeze3A_334 = vector.extract %slice3A_333[0] : f32 from vector<1xf32>
      %mul3A_335 = vector.broadcast %squeeze3A_334 : f32 to vector<16xf32>
      %mul3A_336 = arith.mulf %mul3A_335, %bitcast3A_328 : vector<16xf32>
      %slice3A_337 = vector.extract_strided_slice %gather3A {offsets = [9], sizes = [1], strides = [1]} : vector<16xf32> to vector<1xf32>
      %squeeze3A_338 = vector.extract %slice3A_337[0] : f32 from vector<1xf32>
      %mul3A_339 = vector.broadcast %squeeze3A_338 : f32 to vector<16xf32>
      %mul3A_340 = arith.mulf %mul3A_339, %bitcast3A_332 : vector<16xf32>
      %add3A_341 = arith.addf %mul3A_336, %mul3A_340 : vector<16xf32>
      %get3A_342 = arith.index_cast %scan3A_230 : i32 to index
      %get3A_343 = arith.constant 80 : index
      %get3A_344 = tpu.vector_load %arg11[%get3A_342, %get3A_343] {strides = array<i32>} : memref<200x144xf32, #tpu.memory_space<vmem>>, vector<16xf32>,
      %bitcast3A_345 = vector.bitcast %get3A_344 : vector<16xf32> to vector<16xi32>
      %shift_left3A_346 = arith.constant 16 : i32
      %shift_left3A_347 = vector.broadcast %shift_left3A_346 : i32 to vector<16xi32>
      %shift_left3A_348 = arith.shli %bitcast3A_345, %shift_left3A_347 : vector<16xi32>
      %bitcast3A_349 = vector.bitcast %shift_left3A_348 : vector<16xi32> to vector<16xf32>
      %and3A_350 = arith.constant -65536 : i32
      %and3A_351 = vector.broadcast %and3A_350 : i32 to vector<16xi32>
      %and3A_352 = arith.andi %bitcast3A_345, %and3A_351 : vector<16xi32>
      %bitcast3A_353 = vector.bitcast %and3A_352 : vector<16xi32> to vector<16xf32>
      %slice3A_354 = vector.extract_strided_slice %gather3A {offsets = [10], sizes = [1], strides = [1]} : vector<16xf32> to vector<1xf32>
      %squeeze3A_355 = vector.extract %slice3A_354[0] : f32 from vector<1xf32>
      %mul3A_356 = vector.broadcast %squeeze3A_355 : f32 to vector<16xf32>
      %mul3A_357 = arith.mulf %mul3A_356, %bitcast3A_349 : vector<16xf32>
      %slice3A_358 = vector.extract_strided_slice %gather3A {offsets = [11], sizes = [1], strides = [1]} : vector<16xf32> to vector<1xf32>
      %squeeze3A_359 = vector.extract %slice3A_358[0] : f32 from vector<1xf32>
      %mul3A_360 = vector.broadcast %squeeze3A_359 : f32 to vector<16xf32>
      %mul3A_361 = arith.mulf %mul3A_360, %bitcast3A_353 : vector<16xf32>
      %add3A_362 = arith.addf %mul3A_357, %mul3A_361 : vector<16xf32>
      %get3A_363 = arith.index_cast %scan3A_230 : i32 to index
      %get3A_364 = arith.constant 96 : index
      %get3A_365 = tpu.vector_load %arg11[%get3A_363, %get3A_364] {strides = array<i32>} : memref<200x144xf32, #tpu.memory_space<vmem>>, vector<16xf32>,
      %bitcast3A_366 = vector.bitcast %get3A_365 : vector<16xf32> to vector<16xi32>
      %shift_left3A_367 = arith.constant 16 : i32
      %shift_left3A_368 = vector.broadcast %shift_left3A_367 : i32 to vector<16xi32>
      %shift_left3A_369 = arith.shli %bitcast3A_366, %shift_left3A_368 : vector<16xi32>
      %bitcast3A_370 = vector.bitcast %shift_left3A_369 : vector<16xi32> to vector<16xf32>
      %and3A_371 = arith.constant -65536 : i32
      %and3A_372 = vector.broadcast %and3A_371 : i32 to vector<16xi32>
      %and3A_373 = arith.andi %bitcast3A_366, %and3A_372 : vector<16xi32>
      %bitcast3A_374 = vector.bitcast %and3A_373 : vector<16xi32> to vector<16xf32>
      %slice3A_375 = vector.extract_strided_slice %gather3A {offsets = [12], sizes = [1], strides = [1]} : vector<16xf32> to vector<1xf32>
      %squeeze3A_376 = vector.extract %slice3A_375[0] : f32 from vector<1xf32>
      %mul3A_377 = vector.broadcast %squeeze3A_376 : f32 to vector<16xf32>
      %mul3A_378 = arith.mulf %mul3A_377, %bitcast3A_370 : vector<16xf32>
      %slice3A_379 = vector.extract_strided_slice %gather3A {offsets = [13], sizes = [1], strides = [1]} : vector<16xf32> to vector<1xf32>
      %squeeze3A_380 = vector.extract %slice3A_379[0] : f32 from vector<1xf32>
      %mul3A_381 = vector.broadcast %squeeze3A_380 : f32 to vector<16xf32>
      %mul3A_382 = arith.mulf %mul3A_381, %bitcast3A_374 : vector<16xf32>
      %add3A_383 = arith.addf %mul3A_378, %mul3A_382 : vector<16xf32>
      %get3A_384 = arith.index_cast %scan3A_230 : i32 to index
      %get3A_385 = arith.constant 112 : index
      %get3A_386 = tpu.vector_load %arg11[%get3A_384, %get3A_385] {strides = array<i32>} : memref<200x144xf32, #tpu.memory_space<vmem>>, vector<16xf32>,
      %bitcast3A_387 = vector.bitcast %get3A_386 : vector<16xf32> to vector<16xi32>
      %shift_left3A_388 = arith.constant 16 : i32
      %shift_left3A_389 = vector.broadcast %shift_left3A_388 : i32 to vector<16xi32>
      %shift_left3A_390 = arith.shli %bitcast3A_387, %shift_left3A_389 : vector<16xi32>
      %bitcast3A_391 = vector.bitcast %shift_left3A_390 : vector<16xi32> to vector<16xf32>
      %and3A_392 = arith.constant -65536 : i32
      %and3A_393 = vector.broadcast %and3A_392 : i32 to vector<16xi32>
      %and3A_394 = arith.andi %bitcast3A_387, %and3A_393 : vector<16xi32>
      %bitcast3A_395 = vector.bitcast %and3A_394 : vector<16xi32> to vector<16xf32>
      %slice3A_396 = vector.extract_strided_slice %gather3A {offsets = [14], sizes = [1], strides = [1]} : vector<16xf32> to vector<1xf32>
      %squeeze3A_397 = vector.extract %slice3A_396[0] : f32 from vector<1xf32>
      %mul3A_398 = vector.broadcast %squeeze3A_397 : f32 to vector<16xf32>
      %mul3A_399 = arith.mulf %mul3A_398, %bitcast3A_391 : vector<16xf32>
      %slice3A_400 = vector.extract_strided_slice %gather3A {offsets = [15], sizes = [1], strides = [1]} : vector<16xf32> to vector<1xf32>
      %squeeze3A_401 = vector.extract %slice3A_400[0] : f32 from vector<1xf32>
      %mul3A_402 = vector.broadcast %squeeze3A_401 : f32 to vector<16xf32>
      %mul3A_403 = arith.mulf %mul3A_402, %bitcast3A_395 : vector<16xf32>
      %add3A_404 = arith.addf %mul3A_399, %mul3A_403 : vector<16xf32>
      %add3A_405 = arith.addf %bitcast3A_235, %add3A_257 : vector<16xf32>
      %add3A_406 = arith.addf %add3A_278, %add3A_299 : vector<16xf32>
      %add3A_407 = arith.addf %add3A_320, %add3A_341 : vector<16xf32>
      %add3A_408 = arith.addf %add3A_362, %add3A_383 : vector<16xf32>
      %add3A_409 = arith.addf %add3A_405, %add3A_406 : vector<16xf32>
      %add3A_410 = arith.addf %add3A_407, %add3A_408 : vector<16xf32>
      %add3A_411 = arith.addf %add3A_409, %add3A_410 : vector<16xf32>
      %add3A_412 = arith.addf %add3A_411, %add3A_404 : vector<16xf32>
      %swap3A = arith.index_cast %scan3A_230 : i32 to index
      %swap3A_413 = arith.constant 0 : index
      %swap3A_414 = tpu.vector_load %arg14[%swap3A, %swap3A_413] {strides = array<i32>} : memref<200x16xf32, #tpu.memory_space<vmem>>, vector<16xf32>,
      tpu.vector_store %arg14[%swap3A, %swap3A_413], %add3A_412 {strides = array<i32>} : memref<200x16xf32, #tpu.memory_space<vmem>>, vector<16xf32>,
    }
    %scan3A_201 = arith.constant 200 : i32
    %dma_start3A_202 = arith.constant 4800 : i32
    %dma_start3A_203 = tpu.memref_slice %arg7[%dma_start3A_202] : memref<5000xi32, #tpu.memory_space<vmem>> -> memref<200xi32, #tpu.memory_space<vmem>>
    %dma_start3A_204 = arith.constant 0 : i32
    %dma_start3A_205 = arith.constant 0 : i32
    %dma_start3A_206 = tpu.memref_slice %arg17[%dma_start3A_204, %dma_start3A_205] : memref<10240x16xf32, #tpu.memory_space<vmem_shared>> -> memref<10240x16xf32, #tpu.memory_space<vmem_shared>>
    tpu.enqueue_indirect_dma source(%arg14 : memref<200x16xf32, #tpu.memory_space<vmem>>) target(%dma_start3A_206 : memref<10240x16xf32, #tpu.memory_space<vmem_shared>>) offsets(%dma_start3A_203 : memref<200xi32, #tpu.memory_space<vmem>>) semaphore(%arg21 : memref<!tpu.dma_semaphore, #tpu.memory_space<semaphore_mem>>) {add = true}
    %dma_wait3A_207 = arith.constant 0 : i32
    %dma_wait3A_208 = arith.constant 0 : i32
    %dma_wait3A_209 = tpu.memref_slice %arg17[%dma_wait3A_207, %dma_wait3A_208] : memref<10240x16xf32, #tpu.memory_space<vmem_shared>> -> memref<200x16xf32, #tpu.memory_space<vmem_shared>>
    %dma_wait3A_210 = arith.constant 0 : i32
    %dma_wait3A_211 = arith.constant 0 : i32
    %dma_wait3A_212 = tpu.memref_slice %arg17[%dma_wait3A_210, %dma_wait3A_211] : memref<10240x16xf32, #tpu.memory_space<vmem_shared>> -> memref<200x16xf32, #tpu.memory_space<vmem_shared>>
    tpu.wait_dma2 semaphore(%arg21 : memref<!tpu.dma_semaphore, #tpu.memory_space<semaphore_mem>>) src(%arg14 : memref<200x16xf32, #tpu.memory_space<vmem>>) dst(%dma_wait3A_212 : memref<200x16xf32, #tpu.memory_space<vmem_shared>>)
    %dma_wait3A_213 = arith.constant 0 : i32
    %dma_wait3A_214 = arith.constant 0 : i32
    %dma_wait3A_215 = tpu.memref_slice %arg17[%dma_wait3A_213, %dma_wait3A_214] : memref<10240x16xf32, #tpu.memory_space<vmem_shared>> -> memref<200x16xf32, #tpu.memory_space<vmem_shared>>
    %dma_wait3A_216 = arith.constant 0 : i32
    %dma_wait3A_217 = arith.constant 0 : i32
    %dma_wait3A_218 = tpu.memref_slice %arg17[%dma_wait3A_216, %dma_wait3A_217] : memref<10240x16xf32, #tpu.memory_space<vmem_shared>> -> memref<200x16xf32, #tpu.memory_space<vmem_shared>>
    tpu.wait_dma2 semaphore(%arg22 : memref<!tpu.dma_semaphore, #tpu.memory_space<semaphore_mem>>) src(%arg15 : memref<200x16xf32, #tpu.memory_space<vmem>>) dst(%dma_wait3A_218 : memref<200x16xf32, #tpu.memory_space<vmem_shared>>)
    %dma_wait3A_219 = arith.constant 0 : i32
    %dma_wait3A_220 = arith.constant 0 : i32
    %dma_wait3A_221 = tpu.memref_slice %arg17[%dma_wait3A_219, %dma_wait3A_220] : memref<10240x16xf32, #tpu.memory_space<vmem_shared>> -> memref<200x16xf32, #tpu.memory_space<vmem_shared>>
    %dma_wait3A_222 = arith.constant 0 : i32
    %dma_wait3A_223 = arith.constant 0 : i32
    %dma_wait3A_224 = tpu.memref_slice %arg17[%dma_wait3A_222, %dma_wait3A_223] : memref<10240x16xf32, #tpu.memory_space<vmem_shared>> -> memref<200x16xf32, #tpu.memory_space<vmem_shared>>
    tpu.wait_dma2 semaphore(%arg23 : memref<!tpu.dma_semaphore, #tpu.memory_space<semaphore_mem>>) src(%arg16 : memref<200x16xf32, #tpu.memory_space<vmem>>) dst(%dma_wait3A_224 : memref<200x16xf32, #tpu.memory_space<vmem_shared>>)
    %barrier3A_225 = arith.constant 0 : index
    tpu.barrier barrier_id(%barrier3A_225)
    %mul3A_226 = arith.constant 640 : i32
    %mul3A_227 = arith.muli %arg1, %mul3A_226 : i32
    %mul3A_228 = arith.constant 640 : i32
    %mul3A_229 = arith.muli %arg1, %mul3A_228 : i32
    "tpu.region"() ({
      %run_scoped3A_230 = tpu.sem_alloc : memref<!tpu.dma_semaphore, #tpu.memory_space<semaphore_mem>>
      %dma_start3A_231 = arith.constant 0 : i32
      %dma_start3A_232 = tpu.memref_slice %arg5[%arg0, %mul3A_229, %dma_start3A_231] : memref<2x10240x16xf32, #tpu.memory_space<hbm>> -> memref<1x640x16xf32, #tpu.memory_space<hbm>>
      %dma_start3A_233 = tpu.memref_squeeze %dma_start3A_232 : memref<1x640x16xf32, #tpu.memory_space<hbm>> -> memref<640x16xf32, #tpu.memory_space<hbm>>
      %dma_start3A_234 = arith.constant 0 : i32
      %dma_start3A_235 = tpu.memref_slice %arg17[%mul3A_227, %dma_start3A_234] : memref<10240x16xf32, #tpu.memory_space<vmem_shared>> -> memref<640x16xf32, #tpu.memory_space<vmem_shared>>
      tpu.enqueue_dma source(%dma_start3A_235 : memref<640x16xf32, #tpu.memory_space<vmem_shared>>) target(%dma_start3A_233 : memref<640x16xf32, #tpu.memory_space<hbm>>) target_semaphore(%run_scoped3A_230 : memref<!tpu.dma_semaphore, #tpu.memory_space<semaphore_mem>>)
      %dma_wait3A_236 = arith.constant 0 : i32
      %dma_wait3A_237 = tpu.memref_slice %arg5[%arg0, %mul3A_229, %dma_wait3A_236] : memref<2x10240x16xf32, #tpu.memory_space<hbm>> -> memref<1x640x16xf32, #tpu.memory_space<hbm>>
      %dma_wait3A_238 = tpu.memref_squeeze %dma_wait3A_237 : memref<1x640x16xf32, #tpu.memory_space<hbm>> -> memref<640x16xf32, #tpu.memory_space<hbm>>
      %dma_wait3A_239 = arith.constant 0 : i32
      %dma_wait3A_240 = tpu.memref_slice %arg17[%mul3A_227, %dma_wait3A_239] : memref<10240x16xf32, #tpu.memory_space<vmem_shared>> -> memref<640x16xf32, #tpu.memory_space<vmem_shared>>
      tpu.wait_dma2 semaphore(%run_scoped3A_230 : memref<!tpu.dma_semaphore, #tpu.memory_space<semaphore_mem>>) src(%dma_wait3A_240 : memref<640x16xf32, #tpu.memory_space<vmem_shared>>) dst(%dma_wait3A_238 : memref<640x16xf32, #tpu.memory_space<hbm>>)
      tpu.yield
    }) : () -> ()
    return
  }
}

module attributes {stable_mosaic.version = 14 : i64} {
  func.func @_matmul_body(%arg0: i32, %arg1: memref<2000x16xf32, #tpu.memory_space<vmem>>, %arg2: memref<16x144xf32, #tpu.memory_space<vmem>>, %arg3: memref<16x144xf32, #tpu.memory_space<vmem>>, %arg4: memref<2000x144xf32, #tpu.memory_space<vmem>>) attributes {dimension_semantics = [#tpu.dimension_semantics<arbitrary>], iteration_bounds = array<i64: 5>, scalar_prefetch = 0 : i64, scratch_operands = 0 : i64, tpu.core_type = #tpu.core_type<tc>, window_params = [{transform_indices = @transform_0, window_bounds = array<i64: 2000, 16>}, {pipeline_mode = #tpu.pipeline_mode<synchronous>, transform_indices = @transform_1, window_bounds = array<i64: 16, 144>}, {pipeline_mode = #tpu.pipeline_mode<synchronous>, transform_indices = @transform_2, window_bounds = array<i64: 16, 144>}, {transform_indices = @transform_3, window_bounds = array<i64: 2000, 144>}]} {
    %get3A = arith.constant 0 : index
    %get3A_0 = arith.constant 0 : index
    %get3A_1 = vector.load %arg1[%get3A, %get3A_0] : memref<2000x16xf32, #tpu.memory_space<vmem>>, vector<2000x16xf32>
    %get3A_2 = arith.constant 0 : index
    %get3A_3 = arith.constant 0 : index
    %get3A_4 = vector.load %arg2[%get3A_2, %get3A_3] : memref<16x144xf32, #tpu.memory_space<vmem>>, vector<16x144xf32>
    %dot_general3A = arith.constant dense<0.000000e+00> : vector<2000x144xf32>
    %dot_general3A_5 = tpu.matmul %get3A_1, %get3A_4, %dot_general3A {dimension_numbers = #tpu.dot_dimension_numbers<[1], [0], [0], [1], [0, 0, 1, 1], [], []>, transpose_lhs_hint = false} : vector<2000x16xf32>, vector<16x144xf32>, vector<2000x144xf32> -> vector<2000x144xf32>
    %get3A_6 = arith.constant 0 : index
    %get3A_7 = arith.constant 0 : index
    %get3A_8 = vector.load %arg1[%get3A_6, %get3A_7] : memref<2000x16xf32, #tpu.memory_space<vmem>>, vector<2000x16xf32>
    %get3A_9 = arith.constant 0 : index
    %get3A_10 = arith.constant 0 : index
    %get3A_11 = vector.load %arg3[%get3A_9, %get3A_10] : memref<16x144xf32, #tpu.memory_space<vmem>>, vector<16x144xf32>
    %dot_general3A_12 = arith.constant dense<0.000000e+00> : vector<2000x144xf32>
    %dot_general3A_13 = tpu.matmul %get3A_8, %get3A_11, %dot_general3A_12 {dimension_numbers = #tpu.dot_dimension_numbers<[1], [0], [0], [1], [0, 0, 1, 1], [], []>, transpose_lhs_hint = false} : vector<2000x16xf32>, vector<16x144xf32>, vector<2000x144xf32> -> vector<2000x144xf32>
    %bitcast_convert_type3A = tpu.bitcast %dot_general3A_13 : vector<2000x144xf32> -> vector<2000x144xi32>
    %add3A = arith.constant 32767 : i32
    %add3A_14 = vector.broadcast %add3A : i32 to vector<2000x144xi32>
    %add3A_15 = arith.addi %bitcast_convert_type3A, %add3A_14 : vector<2000x144xi32>
    %shift_right_logical3A = arith.constant 16 : i32
    %shift_right_logical3A_16 = vector.broadcast %shift_right_logical3A : i32 to vector<2000x144xi32>
    %shift_right_logical3A_17 = arith.shrui %bitcast_convert_type3A, %shift_right_logical3A_16 : vector<2000x144xi32>
    %and3A = arith.constant 1 : i32
    %and3A_18 = vector.broadcast %and3A : i32 to vector<2000x144xi32>
    %and3A_19 = arith.andi %shift_right_logical3A_17, %and3A_18 : vector<2000x144xi32>
    %add3A_20 = arith.addi %add3A_15, %and3A_19 : vector<2000x144xi32>
    %shift_right_logical3A_21 = arith.constant 16 : i32
    %shift_right_logical3A_22 = vector.broadcast %shift_right_logical3A_21 : i32 to vector<2000x144xi32>
    %shift_right_logical3A_23 = arith.shrui %add3A_20, %shift_right_logical3A_22 : vector<2000x144xi32>
    %shift_left3A = arith.constant 16 : i32
    %shift_left3A_24 = vector.broadcast %shift_left3A : i32 to vector<2000x144xi32>
    %shift_left3A_25 = arith.shli %shift_right_logical3A_23, %shift_left3A_24 : vector<2000x144xi32>
    %bitcast_convert_type3A_26 = tpu.bitcast %dot_general3A_5 : vector<2000x144xf32> -> vector<2000x144xi32>
    %add3A_27 = arith.constant 32767 : i32
    %add3A_28 = vector.broadcast %add3A_27 : i32 to vector<2000x144xi32>
    %add3A_29 = arith.addi %bitcast_convert_type3A_26, %add3A_28 : vector<2000x144xi32>
    %shift_right_logical3A_30 = arith.constant 16 : i32
    %shift_right_logical3A_31 = vector.broadcast %shift_right_logical3A_30 : i32 to vector<2000x144xi32>
    %shift_right_logical3A_32 = arith.shrui %bitcast_convert_type3A_26, %shift_right_logical3A_31 : vector<2000x144xi32>
    %and3A_33 = arith.constant 1 : i32
    %and3A_34 = vector.broadcast %and3A_33 : i32 to vector<2000x144xi32>
    %and3A_35 = arith.andi %shift_right_logical3A_32, %and3A_34 : vector<2000x144xi32>
    %add3A_36 = arith.addi %add3A_29, %and3A_35 : vector<2000x144xi32>
    %shift_right_logical3A_37 = arith.constant 16 : i32
    %shift_right_logical3A_38 = vector.broadcast %shift_right_logical3A_37 : i32 to vector<2000x144xi32>
    %shift_right_logical3A_39 = arith.shrui %add3A_36, %shift_right_logical3A_38 : vector<2000x144xi32>
    %or3A = arith.ori %shift_left3A_25, %shift_right_logical3A_39 : vector<2000x144xi32>
    %bitcast_convert_type3A_40 = tpu.bitcast %or3A : vector<2000x144xi32> -> vector<2000x144xf32>
    %swap3A = arith.constant 0 : index
    %swap3A_41 = arith.constant 0 : index
    %swap3A_42 = vector.load %arg4[%swap3A, %swap3A_41] : memref<2000x144xf32, #tpu.memory_space<vmem>>, vector<2000x144xf32>
    tpu.vector_store %arg4[%swap3A, %swap3A_41], %bitcast_convert_type3A_40 {strides = array<i32>} : memref<2000x144xf32, #tpu.memory_space<vmem>>, vector<2000x144xf32>,
    return
  }
  func.func @transform_0(%arg0: i32) -> (i32, i32) {
    %c0_i32 = arith.constant 0 : i32
    %c0_i32_0 = arith.constant 0 : i32
    return %arg0, %c0_i32 : i32, i32
  }
  func.func @transform_1(%arg0: i32) -> (i32, i32) {
    %c0_i32 = arith.constant 0 : i32
    %c0_i32_0 = arith.constant 0 : i32
    %c0_i32_1 = arith.constant 0 : i32
    return %c0_i32, %c0_i32_0 : i32, i32
  }
  func.func @transform_2(%arg0: i32) -> (i32, i32) {
    %c0_i32 = arith.constant 0 : i32
    %c0_i32_0 = arith.constant 0 : i32
    %c0_i32_1 = arith.constant 0 : i32
    return %c0_i32, %c0_i32_0 : i32, i32
  }
  func.func @transform_3(%arg0: i32) -> (i32, i32) {
    %c0_i32 = arith.constant 0 : i32
    %c0_i32_0 = arith.constant 0 : i32
    return %arg0, %c0_i32 : i32, i32
  }
}

module attributes {stable_mosaic.version = 14 : i64} {
  func.func @_combine_body(%arg0: memref<2x10240x16xf32, #tpu.memory_space<vmem>>, %arg1: memref<10000x16xf32, #tpu.memory_space<vmem>>, %arg2: memref<1x16xf32, #tpu.memory_space<vmem>>, %arg3: memref<10000x16xf32, #tpu.memory_space<vmem>>) attributes {dimension_semantics = [], scalar_prefetch = 0 : i64, scratch_operands = 0 : i64, tpu.core_type = #tpu.core_type<tc>} {
    %get3A = arith.constant 0 : index
    %get3A_0 = arith.constant 0 : index
    %get3A_1 = arith.constant 0 : index
    %get3A_2 = vector.load %arg0[%get3A, %get3A_0, %get3A_1] : memref<2x10240x16xf32, #tpu.memory_space<vmem>>, vector<1x10000x16xf32>
    %get3A_3 = vector.shape_cast %get3A_2 : vector<1x10000x16xf32> to vector<10000x16xf32>
    %get3A_4 = arith.constant 1 : index
    %get3A_5 = arith.constant 0 : index
    %get3A_6 = arith.constant 0 : index
    %get3A_7 = vector.load %arg0[%get3A_4, %get3A_5, %get3A_6] : memref<2x10240x16xf32, #tpu.memory_space<vmem>>, vector<1x10000x16xf32>
    %get3A_8 = vector.shape_cast %get3A_7 : vector<1x10000x16xf32> to vector<10000x16xf32>
    %add3A = arith.addf %get3A_3, %get3A_8 : vector<10000x16xf32>
    %get3A_9 = arith.constant 0 : index
    %get3A_10 = arith.constant 0 : index
    %get3A_11 = vector.load %arg1[%get3A_9, %get3A_10] : memref<10000x16xf32, #tpu.memory_space<vmem>>, vector<10000x16xf32>
    %add3A_12 = arith.addf %add3A, %get3A_11 : vector<10000x16xf32>
    %get3A_13 = arith.constant 0 : index
    %get3A_14 = arith.constant 0 : index
    %get3A_15 = vector.load %arg2[%get3A_13, %get3A_14] : memref<1x16xf32, #tpu.memory_space<vmem>>, vector<1x16xf32>
    %add3A_16 = vector.broadcast %get3A_15 : vector<1x16xf32> to vector<10000x16xf32>
    %add3A_17 = arith.addf %add3A_12, %add3A_16 : vector<10000x16xf32>
    %swap3A = arith.constant 0 : index
    %swap3A_18 = arith.constant 0 : index
    %swap3A_19 = vector.load %arg3[%swap3A, %swap3A_18] : memref<10000x16xf32, #tpu.memory_space<vmem>>, vector<10000x16xf32>
    tpu.vector_store %arg3[%swap3A, %swap3A_18], %add3A_17 {strides = array<i32>} : memref<10000x16xf32, #tpu.memory_space<vmem>>, vector<10000x16xf32>,
    return
  }
}

</mosaic_0001>

<sc_bundles>
// kernel: kernel.5.cloned.1.call-start
scs
__scs_entry_jumppad:
0x0: {  	(pc) =	sbr.rel $0x88, $3  }
0x1: {  	(tag) =	ssettag $0x0;
	lr =	simm.s32 $0x1  }
0x2: {  	[smem:$0x3F9B] =	sst lr;
	_ =	strace $0xD0000000  }
0x3: {  	_ = 	snop  }
0x4: {  	_ = 	snop  }
0x5: {  	_ = 	snop  }
0x6: {  	_ = 	snop  }
0x7: {  	_ = 	snop  }
__scs_overlays_trampoline_lowered:
0x8: {  	[smem:$0x3FAA] =	sst s0  }
0x9: {  	[smem:$0x3FAB] =	sst s1  }
0xa: {  	[smem:$0x3FAC] =	sst s2  }
0xb: {  	[smem:$0x3FAD] =	sst s3  }
0xc: {  	[smem:$0x3FAE] =	sst s4  }
0xd: {  	[smem:$0x3FAF] =	sst s5  }
0xe: {  	[smem:$0x3FB0] =	sst s6  }
0xf: {  	[smem:$0x3FB1] =	sst s7  }
0x10: {  	[smem:$0x3FB2] =	sst s8  }
0x11: {  	[smem:$0x3FB3] =	sst s9;
	s0 =	simm.s32 @!p0 $0x0  }
0x12: {  	s1 =	sld [smem:$0x3F99];
	s0 =	simm.s32 @p0 $0x1  }
0x13: {  	[smem:$0x3FB4] =	sst s0;
	s0 =	simm.s32 @!p1 $0x0  }
0x14: {  	s2 =	sld [smem:$0x3F98];
	s0 =	simm.s32 @p1 $0x1  }
0x15: {  	[smem:$0x3FB5] =	sst s0;
	s0 =	simm.s32 @!p2 $0x0  }
0x16: {  	s3 =	sld [smem:$0x3FDB];
	s0 =	simm.s32 @p2 $0x1  }
0x17: {  	s4 =	simm.s32 $0x1BF5;
	[smem:$0x3FB7] =	sst s0  }
0x18: {  	s0 =	sld [smem:$0x3F9A];
	_ =	swait.ge [sflag:s4], $0x0  }
0x19: {  	s7 =	sld [smem:$0x3F9B]  }
0x1a: {  	s8 =	sadd.s32 $0xFFFFE003, lr  }
0x1b: {  	s9 =	sadd.s32 $0xFFFFFEF7, lr;
	s5 =	simm.s32 $0xFFFFFFFF;
	p2 =	slt.u32 s8, $0xFFFFF086  }
0x1c: {  	p1 =	slt.u32 s9, $0xF7A;
	s5 =	simm.s32 @!p2 $0x0  }
0x1d: {  	s5 =	simm.s32 @p1 $0x1;
	p0 =	seq.s32 s7, s2  }
0x1e: {  	s7 =	smul.u32 @!p0 $0xF7A, s2;
	p2 =	seq.s32 @!p0 s5, $0x0  }
0x1f: {  	s9 =	smul.u32 $0xF7A, s1;
	s8 =	simm.s32 @!p0 $0x1BF5;
	p2 =	por !p2, p0  }
0x20: {  	[sflag:s8] =	ssyncset.s32 @!p0 $0xFFFFF086;
	s6 =	sadd.s32 @!p0 s3, s7;
	s7 =	simm.s32 @!p0 $0x108  }
0x21: {  	s3 =	sadd.s32 s3, s9;
	s6 =	sadd.s32 @!p0 $0x88, s6;
	s7 =	simm.s32 @p2 $0x1082  }
0x22: {  	[simem:s7], [sflag:s8] =	dma.local @!p0 [hbm:s6], $0xF7A  }
0x23: {  	s9 =	sor.u32 $0xD0000000, s2;
	s6 =	simm.s32 $0x108;
	_ =	swait.ge @!p0 [sflag:s8], $0x0  }
0x24: {  	s3 =	sadd.s32 $0x88, s3;
	s6 =	simm.s32 @!p1 $0x1082;
	[sflag:s4] =	ssyncset.s32 $0xFFFFF086  }
0x25: {  	[simem:s6], [sflag:s4] =	dma.local [hbm:s3], $0xF7A  }
0x26: {  	[smem:$0x3F9B] =	sst s1;
	(tag) =	ssettag s2;
	_ =	strace s9  }
0x27: {  	s1 =	sld [smem:$0x3FAB]  }
0x28: {  	s2 =	sld [smem:$0x3FAC]  }
0x29: {  	s4 =	sld [smem:$0x3FAE]  }
0x2a: {  	p0 =	seq.s32 s5, $0x0;
	s5 =	sld [smem:$0x3FAF]  }
0x2b: {  	s6 =	sld [smem:$0x3FB0]  }
0x2c: {  	s7 =	sld [smem:$0x3FB1]  }
0x2d: {  	s3 =	simm.s32 $0x108;
	s8 =	sld [smem:$0x3FB2]  }
0x2e: {  	s3 =	simm.s32 @!p0 $0x1082;
	s9 =	sld [smem:$0x3FB3]  }
0x2f: {  	lr =	sadd.s32 s0, s3;
	s0 =	sld [smem:$0x3FAA]  }
0x30: {  	s3 =	sld [smem:$0x3FAD]  }
0x31: {  	[smem:$0x3FB6] =	sst s10  }
0x32: {  	s10 =	sld [smem:$0x3FB4];
	_ =	sdelay $0x3  }
0x33: {  	p0 =	seq.s32 s10, $0x1;
	s10 =	sld [smem:$0x3FB6];
	_ =	sdelay $0x3  }
0x34: {  	[smem:$0x3FB6] =	sst s10  }
0x35: {  	s10 =	sld [smem:$0x3FB5];
	_ =	sdelay $0x3  }
0x36: {  	p1 =	seq.s32 s10, $0x1;
	s10 =	sld [smem:$0x3FB6];
	_ =	sdelay $0x3  }
0x37: {  	[smem:$0x3FB6] =	sst s10  }
0x38: {  	s10 =	sld [smem:$0x3FB7]  }
0x39: {  	_ = 	snop;
	(pc) =	sbr.ind lr, $3  }
0x3a: {  	_ = 	snop  }
0x3b: {  	_ = 	snop  }
0x3c: {  	p2 =	seq.s32 s10, $0x1;
	s10 =	sld [smem:$0x3FB6]  }
0x3d: {  	_ =	shalt  }
0x3e: {  	_ =	shalt  }
0x3f: {  	_ =	shalt  }
0x40: {  	_ =	shalt  }
0x41: {  	_ =	shalt  }
0x42: {  	_ =	shalt  }
0x43: {  	_ =	shalt  }
0x44: {  	_ =	shalt  }
0x45: {  	_ =	shalt  }
0x46: {  	_ =	shalt  }
0x47: {  	_ =	shalt  }
0x48: {  	_ =	shalt  }
0x49: {  	_ =	shalt  }
0x4a: {  	_ =	shalt  }
0x4b: {  	_ =	shalt  }
0x4c: {  	_ =	shalt  }
0x4d: {  	_ =	shalt  }
0x4e: {  	_ =	shalt  }
0x4f: {  	_ =	shalt  }
0x50: {  	_ =	shalt  }
0x51: {  	_ =	shalt  }
0x52: {  	_ =	shalt  }
0x53: {  	_ =	shalt  }
0x54: {  	_ =	shalt  }
0x55: {  	_ =	shalt  }
0x56: {  	_ =	shalt  }
0x57: {  	_ =	shalt  }
0x58: {  	_ =	shalt  }
0x59: {  	_ =	shalt  }
0x5a: {  	_ =	shalt  }
0x5b: {  	_ =	shalt  }
0x5c: {  	_ =	shalt  }
0x5d: {  	_ =	shalt  }
0x5e: {  	_ =	shalt  }
0x5f: {  	_ =	shalt  }
0x60: {  	_ =	shalt  }
0x61: {  	_ =	shalt  }
0x62: {  	_ =	shalt  }
0x63: {  	_ =	shalt  }
0x64: {  	_ =	shalt  }
0x65: {  	_ =	shalt  }
0x66: {  	_ =	shalt  }
0x67: {  	_ =	shalt  }
0x68: {  	_ =	shalt  }
0x69: {  	_ =	shalt  }
0x6a: {  	_ =	shalt  }
0x6b: {  	_ =	shalt  }
0x6c: {  	_ =	shalt  }
0x6d: {  	_ =	shalt  }
0x6e: {  	_ =	shalt  }
0x6f: {  	_ =	shalt  }
0x70: {  	_ =	shalt  }
0x71: {  	_ =	shalt  }
0x72: {  	_ =	shalt  }
0x73: {  	_ =	shalt  }
0x74: {  	_ =	shalt  }
0x75: {  	_ =	shalt  }
0x76: {  	_ =	shalt  }
0x77: {  	_ =	shalt  }
0x78: {  	_ =	shalt  }
0x79: {  	_ =	shalt  }
0x7a: {  	_ =	shalt  }
0x7b: {  	_ =	shalt  }
0x7c: {  	_ =	shalt  }
0x7d: {  	_ =	shalt  }
0x7e: {  	_ =	shalt  }
0x7f: {  	_ =	shalt  }
0x80: {  	_ =	shalt  }
0x81: {  	_ =	shalt  }
0x82: {  	_ =	shalt  }
0x83: {  	_ =	shalt  }
0x84: {  	_ =	shalt  }
0x85: {  	_ =	shalt  }
0x86: {  	_ =	shalt  }
0x87: {  	_ =	shalt  }
.Lfunc_end0:
.L_simem_size_0:
called_computation_lowered:
.L_overlay_start_0:
0x88: {  	s2 =	sld [smem:$0x3FD9]  }
0x89: {  	s3 =	sld [smem:$0x3FFE];
	_ =	sdelay $0x1  }
0x8a: {  	s1 =	srdreg.scid  }
0x8b: {  	s0 =	sand.u32 $0x1, s1  }
0x8c: {  	s16 =	sshll.u32 s0, $0xA;
	s2 =	sadd.s32 s3, s2  }
0x8d: {  	s2 =	sadd.s32 s2, s16  }
0x8e: {  	[smem:$0x3FC2] =	sst s2  }
0x8f: {  	_ = 	snop  }
0x90: {  	(tm) =	ssettm $0x1  }
0x91: {  	s17 =	sld [smem:$0x3FFB];
	_ =	sdelay $0x3  }
0x92: {  	_ =	strace s17  }
0x93: {  	s2 =	sld [smem:$0x3FFC];
	_ =	sdelay $0x3  }
0x94: {  	_ =	strace s2  }
0x95: {  	s2 =	sld [smem:$0x3FFD];
	_ =	sdelay $0x3  }
0x96: {  	_ =	strace s2  }
0x97: {  	_ =	strace $0x8FFFFFFF  }
0x98: {  	s18 =	sld [smem:$0x3FDB];
	_ =	sdelay $0x1  }
0x99: {  	s19 =	simm.s32 $_scs_section_size  }
0x9a: {  	s4 =	simm.s32 $_size__tile_overlayer_lowered;
	s5 =	simm.s32 $_tile_overlayer_lowered  }
0x9b: {  	s22 =	simm.s32 $0x1BFF;
	s21 =	sshll.u32 s5, $0x1;
	s2 =	sadd.s32 s19, s18  }
0x9c: {  	s6 =	simm.s32 $0x0;
	s20 =	sshll.u32 s4, $0x1;
	s4 =	sadd.s32 s21, s2  }
0x9d: {  	[timem:s6], [sflag:s22] =	dma.local [hbm:s4], s20  }
0x9e: {  	_ =	swait.ge [sflag:s22], s20  }
0x9f: {  	s3 =	ssub.s32 $0x0, s20;
	[sflag:s22] =	ssyncset.done $0x0  }
0xa0: {  	[sflag:s22] =	ssyncadd.s32 s3;
	_ =	sdelay $0x1  }
0xa1: {  	s23 =	simm.s32 $0x1B8B  }
0xa2: {  	_ =	swait.ge [sflag:s23], $0x1  }
0xa3: {  	[sflag:s23] =	ssyncset.done $0x0  }
0xa4: {  	s25 =	simm.s32 $0x1B8E;
	s24 =	sld [smem:$0x3FFE];
	[sflag:s23] =	ssyncadd.s32 $0xFFFFFFFF  }
0xa5: {  	s26 =	simm.s32 $execute0_lowered;
	[smem:$0x3FD2] =	sst s25  }
0xa6: {  	s4 =	sshll.u32 s26, $0x1;
	_ =	strace $0x80000046;
	[dreg:$0x1] =	wrdreg $0xFFFFFFFF  }
0xa7: {  	s28 =	simm.s32 $_size_execute0_lowered;
	s2 =	sadd.s32 s2, s4;
	[dreg:$0x0] =	wrdreg $0x0  }
0xa8: {  	s4 =	sshll.u32 s28, $0x1;
	[dreg:$0x2] =	wrdreg s2  }
0xa9: {  	[dreg:$0x3] =	wrdreg s4  }
0xaa: {  	[dreg:$0x4] =	wrdreg $0xC0  }
0xab: {  	_ =	task [dreg:s6], $0x5FFFF  }
0xac: {  	[dreg:$0x1] =	wrdreg $0xFFFFFFFF  }
0xad: {  	[dreg:$0x0] =	wrdreg $0x60  }
0xae: {  	[dreg:$0x2] =	wrdreg s24  }
0xaf: {  	[dreg:$0x3] =	wrdreg $0x1C3900  }
0xb0: {  	[dreg:$0x4] =	wrdreg $0x9  }
0xb1: {  	_ =	task.clear_ibuf [dreg:s6], $0x5FFFF;
	_ =	strace $0x90000046  }
0xb2: {  	s29 =	simm.s32 $0x9;
	_ =	strace $0x80000048  }
0xb3: {  	_ =	swait.ge [sflag:s29], $0x1  }
0xb4: {  	[sflag:s29] =	ssyncadd.s32 $0xFFFFFFFF  }
0xb5: {  	_ =	strace $0x90000048  }
0xb6: {  	_ =	sfence  }
0xb7: {  	s30 =	sld [smem:$0x0];
	_ =	sdelay $0x2  }
0xb8: {  	s31 =	sshll.u32 s1, $0xD;
	s1 =	sshrl.u32 s1, $0x2  }
0xb9: {  	s3 =	sand.u32 $0x4000, s31;
	s1 =	sadd.s32 s1, s30  }
0xba: {  	s0 =	sor.u32 s3, s0;
	s1 =	sshll.u32 s1, $0x11  }
0xbb: {  	s0 =	sor.u32 s1, s0  }
0xbc: {  	s0 =	sadd.s32 $0x8F2B, s0  }
0xbd: {  	[sflag:s0] =	ssyncadd.remote.s32 $0x1  }
0xbe: {  	_ =	sfence.sel $0xFFFF  }
0xbf: {  	[dreg:$0x0] =	wrdreg $0xFFFFFFFF;
	(pc) =	sbr.abs _section_cstart, $3  }
0xc0: {  	[dreg:$0x1] =	wrdreg $0xFFFFFFFF  }
0xc1: {  	_ =	task.clear_ibuf [dreg:s6], $0x2FFFF;
	_ =	strace $0x9FFFFFFF  }
0xc2: {  	(tm) =	ssettm $0x7FFFFFFF  }
0xc3: {  	_ =	shalt  }
tec
execute0_lowered:
.L_overlay_start_1:
0x0: {  	(tag) =	ssettag $0x1  }
0x1: {  	s0 =	srdreg.scid;
	s4 =	rddreg [dreg:$0x0]  }
0x2: {  	s9 =	stileid.u32;
	s2 =	rddreg [dreg:$0x1];
	s5 =	simm.s32 $0x0  }
0x3: {  	s28 =	simm.s32 $0xBD10;
	s29 =	simm.s32 $0x1AA90;
	s30 =	simm.s32 $0x1B710  }
0x4: {  	s31 =	simm.s32 $0x1;
	s11 =	simm.s32 $0x6;
	s12 =	simm.s32 $0x0  }
0x5: {  	s0 =	sand.u32 $0x1, s0;
	s14 =	smul.u32 $0x2800, s9;
	[smem:$0x7FF] =	sst s5  }
0x6: {  	s5 =	sadd.s32 $0xB000, s4;
	s6 =	sadd.s32 $0x37000, s4;
	s1 =	sshll.u32 s0, $0x4  }
0x7: {  	s7 =	smul.u32 $0x28000, s0;
	_ =	strace $0x80000047;
	s0 =	ssub.s32 $0x2, s0  }
0x8: {  	s1 =	sor.u32 s9, s1;
	s9 =	smul.u32 $0xA000, s9;
	s15 =	sshrl.u32 s0, $0x1  }
0x9: {  	s3 =	smul.u32 $0x1388, s1;
	s7 =	sadd.s32 s14, s7;
	s0 =	ssub.s32 s0, s15  }
0xa: {  	s15 =	sadd.s32 s14, s2;
	s7 =	sshrl.u32 s7, $0x3;
	s17 =	sshrl.u32 s9, $0x2  }
0xb: {  	s0 =	smax.u32 s0, $0x1;
	[dreg:$0x5] =	wrdreg s15;
	s8 =	sshrl.u32 s3, $0x3  }
0xc: {  	s19 =	sadd.s32 s17, s2;
	s21 =	sadd.s32 $0xC8, s3;
	s23 =	sadd.s32 $0x11F8, s3  }
0xd: {  	[dreg:$0xe] =	wrdreg s0;
	s0 =	simm.s32 $0x12D90;
	s10 =	sadd.s32 s8, s4  }
0xe: {  	s4 =	sadd.s32 s7, s4;
	s7 =	sadd.s32 $0xC80, s19;
	s20 =	sadd.s32 $0x1900, s19  }
0xf: {  	s1 =	sadd.s32 $0x2580, s19;
	s22 =	sshrl.u32 s21, $0x3;
	[dreg:$0x6] =	wrdreg s7  }
0x10: {  	s8 =	sadd.s32 s6, s8;
	s24 =	sshrl.u32 s23, $0x3;
	[dreg:$0x7] =	wrdreg s20  }
0x11: {  	s19 =	simm.s32 $0x7;
	s21 =	simm.s32 $0x19E10;
	[dreg:$0x8] =	wrdreg s1  }
0x12: {  	s23 =	simm.s32 $0x27100;
	s16 =	sadd.s32 $0x1200, s10;
	[dreg:$0x9] =	wrdreg s8  }
0x13: {  	s18 =	sadd.s32 $0x6020, s10;
	s1 =	sadd.s32 s6, s22;
	[dreg:$0x3] =	wrdreg s16  }
0x14: {  	s25 =	sadd.s32 $0x258, s8;
	s26 =	sadd.s32 $0x85200, s4;
	[dreg:$0x4] =	wrdreg s18  }
0x15: {  	s22 =	simm.s32 $0xC8;
	s4 =	simm.s32 $0x4;
	[dreg:$0xa] =	wrdreg s1  }
0x16: {  	s7 =	simm.s32 $0x2;
	s8 =	simm.s32 $0x5;
	[dreg:$0xc] =	wrdreg s25  }
0x17: {  	s10 =	simm.s32 $0x3;
	s1 =	sadd.s32 s6, s24;
	[dreg:$0xd] =	wrdreg s26  }
0x18: {  	v1 =	vlaneseq.u32;
	s16 =	simm.s32 $0x1388;
	s24 =	simm.s32 $0x2710;
	s25 =	simm.s32 $0x4C90  }
0x19: {  	v0 =	vimm.f32 $0.0e+00;
	v1 =	vmul.u32 $0xC8, v1;
	s26 =	simm.s32 $0x3390;
	[dreg:$0xb] =	wrdreg s1;
	s1 =	simm.s32 $0x4010  }
.LBB2_1:
0x1a: {  	s9 =	simm.s32 $0x0;
	s13 =	rddreg [dreg:$0x3]  }
0x1b: {  	[tilespmem:s9], [sflag:$0x7] =	stream.linear.gather [hbm4b:s13+s9], $0x1388, $0x38;
	[tilespmem:$0x1EB90] =	vst v63  }
0x1c: {  	_ =	swait.ge [sflag:s19], $0x1388  }
0x1d: {  	[sflag:s19] =	ssyncset.done $0x0  }
0x1e: {  	s20 =	rddreg [dreg:$0x4];
	[sflag:s19] =	ssyncadd.s32 $0xFFFFEC78  }
0x1f: {  	[tilespmem:s16], [sflag:$0x7] =	stream.linear.gather [hbm4b:s20+s9], $0x1388, $0x38;
	[tilespmem:$0x1EB90] =	vst v63  }
0x20: {  	_ =	swait.ge [sflag:s19], $0x1388  }
0x21: {  	[sflag:s19] =	ssyncset.done $0x0  }
0x22: {  	s13 =	simm.s32 $0x0;
	s9 =	simm.s32 $0x40;
	[sflag:s19] =	ssyncadd.s32 $0xFFFFEC78  }
.LBB2_2:
0x23: {  	p0 =	sne.s32 s9, $0x31C0;
	[tilespmem:s13+$0x1B710] =	vst v0;
	s14 =	smov.u32 s9;
	s9 =	sadd.s32 $0x40, s9  }
.Ltmp0:
0x24: {  	[tilespmem:s13+$0x19E10] =	vst v0;
	(pc) =	sbr.rel @p0 .LBB2_2-.Ltmp0, $2  }
0x25: {  	[tilespmem:s13+$0x1AA90] =	vst v0;
	_ =	sdelay $0x2  }
0x26: {  	s13 =	sshra.s32 s14, $0x2  }
0x27: {  	[tilespmem:s13+$0x1B710] =	vst v0  }
0x28: {  	[tilespmem:s13+$0x19E10] =	vst v0  }
0x29: {  	[tilespmem:s13+$0x1AA90] =	vst v0  }
0x2a: {  	[spmem:s15] =	stream.linear.scatter [tilespmem:s21], [sflag:$0x7], $0xC80, $0x38;
	[tilespmem:$0x1EB90] =	vst v63  }
0x2b: {  	_ =	swait.ge [sflag:s19], $0xC80  }
0x2c: {  	[sflag:s19] =	ssyncset.done $0x0  }
0x2d: {  	s9 =	rddreg [dreg:$0x6];
	[sflag:s19] =	ssyncadd.s32 $0xFFFFF380  }
0x2e: {  	[spmem:s9] =	stream.linear.scatter [tilespmem:s21], [sflag:$0x7], $0xC80, $0x38;
	[tilespmem:$0x1EB90] =	vst v63  }
0x2f: {  	_ =	swait.ge [sflag:s19], $0xC80  }
0x30: {  	[sflag:s19] =	ssyncset.done $0x0  }
0x31: {  	s15 =	rddreg [dreg:$0x7];
	[sflag:s19] =	ssyncadd.s32 $0xFFFFF380  }
0x32: {  	[spmem:s15] =	stream.linear.scatter [tilespmem:s21], [sflag:$0x7], $0xC80, $0x38;
	[tilespmem:$0x1EB90] =	vst v63  }
0x33: {  	_ =	swait.ge [sflag:s19], $0xC80  }
0x34: {  	[sflag:s19] =	ssyncset.done $0x0  }
0x35: {  	s17 =	rddreg [dreg:$0x8];
	[sflag:s19] =	ssyncadd.s32 $0xFFFFF380  }
0x36: {  	[spmem:s17] =	stream.linear.scatter [tilespmem:s21], [sflag:$0x7], $0x280, $0x38;
	[tilespmem:$0x1EB90] =	vst v63  }
0x37: {  	_ =	swait.ge [sflag:s19], $0x280  }
0x38: {  	[sflag:s19] =	ssyncset.done $0x0  }
0x39: {  	[sflag:s19] =	ssyncadd.s32 $0xFFFFFD80  }
0x3a: {  	[bflag:$0x0] =	sbarrier.arrive $0xFFFF  }
0x3b: {  	s18 =	rddreg [dreg:$0x9]  }
0x3c: {  	[tilespmem:s24], [sflag:$0x1] =	stream.strided.gather [hbm4b:s18+s22], $0xC80, s23, s22, $0x38;
	[tilespmem:$0x1EB90] =	vst v63  }
0x3d: {  	s14 =	simm.s32 $0x0  }
0x3e: {  	[tilespmem:s25], [sflag:$0x1] =	stream.indirect.gather [hbm4b:s5+s22], $0x90, s14, s22, $0xb8;
	[tilespmem:$0x1EB90] =	vst v63  }
0x3f: {  	s20 =	rddreg [dreg:$0xa]  }
0x40: {  	[tilespmem:s26], [sflag:$0x2] =	stream.strided.gather [hbm4b:s20+s22], $0xC80, s23, s22, $0x38;
	[tilespmem:$0x1EB90] =	vst v63  }
0x41: {  	_ = 	snop  }
0x42: {  	[tilespmem:s28], [sflag:$0x2] =	stream.indirect.gather [hbm4b:s5+s22], $0x90, s22, s22, $0xb8;
	[tilespmem:$0x1EB90] =	vst v63  }
0x43: {  	_ = 	snop  }
0x44: {  	[spmem:s2] =	stream.indirect.scatter.add.f32 [tilespmem:s21], [sflag:$0x4], $0x10, s16, s22, $0xb8;
	[tilespmem:$0x1EB90] =	vst v63  }
0x45: {  	_ = 	snop  }
0x46: {  	[spmem:s2] =	stream.indirect.scatter.add.f32 [tilespmem:s29], [sflag:$0x5], $0x10, s16, s22, $0xb8;
	[tilespmem:$0x1EB90] =	vst v63  }
0x47: {  	s15 =	simm.s32 $0x0  }
0x48: {  	[spmem:s2] =	stream.indirect.scatter.add.f32 [tilespmem:s30], [sflag:$0x6], $0x10, s16, s22, $0xb8;
	[tilespmem:$0x1EB90] =	vst v63  }
.LBB2_4:
0x49: {  	_ =	swait.ge [sflag:s31], $0xC80;
	s17 =	smul.u32 $0x258, s15  }
0x4a: {  	[sflag:s31] =	ssyncset.done $0x0  }
0x4b: {  	[sflag:s31] =	ssyncadd.s32 $0xFFFFF380;
	s16 =	sadd.s32 $0x190, s17  }
0x4c: {  	_ =	swait.ge [sflag:s31], $0x7080;
	s9 =	sadd.s32 s3, s16  }
0x4d: {  	[sflag:s31] =	ssyncset.done $0x0;
	s9 =	sshrl.u32 s9, $0x3  }
0x4e: {  	[sflag:s31] =	ssyncadd.s32 $0xFFFF8F80;
	s9 =	sadd.s32 s6, s9  }
0x4f: {  	v2 =	vmov s14;
	[tilespmem:s1], [sflag:$0x3] =	stream.strided.gather [hbm4b:s9+s22], $0xC80, s23, s22, $0x38;
	[tilespmem:$0x1EB90] =	vst v63  }
0x50: {  	v2 =	vand.u32 $0xFF, v2  }
0x51: {  	v2 =	vadd.s32 v1, v2;
	[tilespmem:s0], [sflag:$0x3] =	stream.indirect.gather [hbm4b:s5+s22], $0x90, s16, s22, $0xb8;
	[tilespmem:$0x1EB90] =	vst v63  }
0x52: {  	_ =	swait.ge [sflag:s4], $0xC80  }
0x53: {  	[sflag:s4] =	ssyncset.done $0x0  }
0x54: {  	s18 =	simm.s32 $0x4CD0;
	[sflag:s4] =	ssyncadd.s32 $0xFFFFF380  }
0x55: {  	v3 =	vld [tilespmem:s18+$0xFFFFFFC0]  }
0x56: {  	v2 =	vld.idx.msk [tilespmem:v2+s24+$0x0], $0xffff  }
0x57: {  	v4 =	vld [tilespmem:s18+$0xFFFFFFD0];
	_ =	sdelay $0x1  }
0x58: {  	v5 =	vld [tilespmem:s18+$0xFFFFFFE0]  }
0x59: {  	v6 =	vshll.u32 v3, $0x10  }
0x5a: {  	v8 =	vld [tilespmem:s18+$0xFFFFFFF0];
	v3 =	vand.u32 $0xFFFF0000, v3;
	v7 =	vbroadcast v2, $0x0;
	v9 =	vbroadcast v2, $0x1  }
0x5b: {  	v14 =	vld [tilespmem:s18+$0x0];
	v10 =	vshll.u32 v4, $0x10;
	v11 =	vbroadcast v2, $0x2;
	v12 =	vbroadcast v2, $0x3  }
0x5c: {  	v20 =	vld [tilespmem:s18+$0x10];
	v4 =	vand.u32 $0xFFFF0000, v4;
	v13 =	vbroadcast v2, $0x4;
	v16 =	vbroadcast v2, $0x5  }
0x5d: {  	v15 =	vshll.u32 v5, $0x10;
	v17 =	vbroadcast v2, $0x6;
	v18 =	vbroadcast v2, $0x7  }
0x5e: {  	v25 =	vld [tilespmem:s18+$0x20];
	v5 =	vand.u32 $0xFFFF0000, v5;
	v19 =	vbroadcast v2, $0x8;
	v22 =	vbroadcast v2, $0x9  }
0x5f: {  	v21 =	vshll.u32 v8, $0x10;
	v23 =	vbroadcast v2, $0xA;
	v24 =	vbroadcast v2, $0xB  }
0x60: {  	v51 =	vld [tilespmem:s18+$0x40];
	v8 =	vand.u32 $0xFFFF0000, v8;
	v26 =	vbroadcast v2, $0xC;
	v27 =	vbroadcast v2, $0xD  }
0x61: {  	v48 =	vand.u32 $0xFFFF0000, v14;
	v50 =	vshll.u32 v20, $0x10;
	v6 =	vmul.f32 v6, v7  }
0x62: {  	v53 =	vand.u32 $0xFFFF0000, v20;
	v3 =	vmul.f32 v3, v9;
	v47 =	vmul.f32 v10, v11  }
0x63: {  	v54 =	vshll.u32 v25, $0x10;
	v4 =	vmul.f32 v4, v12;
	v49 =	vmul.f32 v15, v13  }
0x64: {  	v55 =	vld [tilespmem:s18+$0x30];
	v56 =	vand.u32 $0xFFFF0000, v25;
	v5 =	vmul.f32 v5, v16;
	v52 =	vmul.f32 v21, v17  }
0x65: {  	v59 =	vshll.u32 v51, $0x10;
	v8 =	vmul.f32 v8, v18;
	v10 =	vmul.f32 v48, v22  }
0x66: {  	v7 =	vshll.u32 v14, $0x10;
	v12 =	vmul.f32 v50, v23;
	v57 =	vmul.f32 v54, v26  }
0x67: {  	v58 =	vmul.f32 v56, v27;
	v7 =	vmul.f32 v7, v19;
	v3 =	vadd.f32 v3, v6  }
0x68: {  	v6 =	vmul.f32 v53, v24;
	v4 =	vadd.f32 v4, v47;
	v5 =	vadd.f32 v5, v49  }
0x69: {  	v60 =	vshll.u32 v55, $0x10;
	v8 =	vadd.f32 v8, v52;
	v9 =	vadd.f32 v58, v57  }
0x6a: {  	v61 =	vbroadcast v2, $0xE;
	v7 =	vadd.f32 v10, v7;
	v6 =	vadd.f32 v6, v12  }
0x6b: {  	v2 =	vbroadcast v2, $0xF;
	v3 =	vadd.f32 v59, v3;
	v4 =	vadd.f32 v5, v4  }
0x6c: {  	v62 =	vand.u32 $0xFFFF0000, v55;
	v5 =	vadd.f32 v7, v8;
	v6 =	vadd.f32 v9, v6  }
0x6d: {  	s20 =	simm.s32 $0x1;
	v63 =	vmul.f32 v60, v61;
	v2 =	vmul.f32 v62, v2  }
0x6e: {  	v7 =	vmov s20;
	v3 =	vadd.f32 v4, v3;
	v4 =	vadd.f32 v6, v5  }
0x6f: {  	v5 =	vand.u32 $0xFF, v7  }
0x70: {  	v2 =	vadd.f32 v2, v63;
	v5 =	vadd.s32 v1, v5;
	v3 =	vadd.f32 v4, v3;
	_ =	sdelay $0x1  }
0x71: {  	v2 =	vadd.f32 v3, v2  }
0x72: {  	s18 =	simm.s32 $0x19E10  }
0x73: {  	[tilespmem:s18+$0x0] =	vst v2  }
0x74: {  	s13 =	simm.s32 $0x4D60;
	v2 =	vld.idx.msk [tilespmem:v5+s24+$0x0], $0xffff  }
0x75: {  	v5 =	vld [tilespmem:s13+$0xFFFFFFC0]  }
0x76: {  	v4 =	vld [tilespmem:s13+$0xFFFFFFD0];
	_ =	sdelay $0x1  }
0x77: {  	v3 =	vld [tilespmem:s13+$0xFFFFFFE0]  }
0x78: {  	s20 =	simm.s32 $0x2  }
.LBB2_5:
0x79: {  	p0 =	sne.s32 s20, $0xC7;
	v6 =	vshll.u32 v5, $0x10;
	v5 =	vand.u32 $0xFFFF0000, v5;
	v7 =	vbroadcast v2, $0x0;
	v8 =	vld [tilespmem:s13+$0xFFFFFFF0]  }
0x7a: {  	v9 =	vbroadcast v2, $0x1;
	v11 =	vbroadcast v2, $0x2;
	v10 =	vshll.u32 v4, $0x10  }
0x7b: {  	v12 =	vbroadcast v2, $0x3;
	v13 =	vbroadcast v2, $0x4;
	v4 =	vand.u32 $0xFFFF0000, v4;
	v14 =	vld [tilespmem:s13+$0x0]  }
0x7c: {  	v16 =	vbroadcast v2, $0x5;
	v17 =	vbroadcast v2, $0x6;
	v15 =	vshll.u32 v3, $0x10  }
0x7d: {  	v18 =	vbroadcast v2, $0x7;
	v19 =	vbroadcast v2, $0x8;
	v3 =	vand.u32 $0xFFFF0000, v3;
	v20 =	vld [tilespmem:s13+$0x10]  }
0x7e: {  	v22 =	vbroadcast v2, $0x9;
	v23 =	vbroadcast v2, $0xA;
	v21 =	vshll.u32 v8, $0x10  }
0x7f: {  	v24 =	vbroadcast v2, $0xB;
	v26 =	vbroadcast v2, $0xC;
	v8 =	vand.u32 $0xFFFF0000, v8;
	v25 =	vld [tilespmem:s13+$0x20]  }
0x80: {  	v27 =	vbroadcast v2, $0xD;
	v6 =	vmul.f32 v6, v7;
	v7 =	vshll.u32 v14, $0x10  }
0x81: {  	v5 =	vmul.f32 v5, v9;
	v9 =	vmul.f32 v10, v11;
	v10 =	vand.u32 $0xFFFF0000, v14  }
0x82: {  	v4 =	vmul.f32 v4, v12;
	v11 =	vmul.f32 v15, v13;
	v12 =	vshll.u32 v20, $0x10  }
0x83: {  	v3 =	vmul.f32 v3, v16;
	v14 =	vmul.f32 v21, v17;
	v15 =	vand.u32 $0xFFFF0000, v20;
	v13 =	vld [tilespmem:s13+$0x40]  }
0x84: {  	v8 =	vmul.f32 v8, v18;
	v7 =	vmul.f32 v7, v19;
	v16 =	vshll.u32 v25, $0x10;
	v17 =	vld [tilespmem:s13+$0x30]  }
0x85: {  	v10 =	vmul.f32 v10, v22;
	v12 =	vmul.f32 v12, v23;
	v18 =	vand.u32 $0xFFFF0000, v25  }
0x86: {  	v5 =	vadd.f32 v5, v6;
	v6 =	vmul.f32 v15, v24;
	v15 =	vmul.f32 v16, v26  }
0x87: {  	v4 =	vadd.f32 v4, v9;
	v3 =	vadd.f32 v3, v11;
	v9 =	vmul.f32 v18, v27  }
0x88: {  	v8 =	vadd.f32 v8, v14;
	v7 =	vadd.f32 v10, v7;
	v11 =	vshll.u32 v13, $0x10  }
0x89: {  	v6 =	vadd.f32 v6, v12;
	v9 =	vadd.f32 v9, v15;
	v10 =	vshll.u32 v17, $0x10  }
0x8a: {  	v3 =	vadd.f32 v3, v4;
	v12 =	vbroadcast v2, $0xE;
	v5 =	vadd.f32 v11, v5  }
0x8b: {  	v2 =	vbroadcast v2, $0xF;
	v4 =	vadd.f32 v7, v8;
	v6 =	vadd.f32 v9, v6  }
0x8c: {  	v7 =	vmov s20;
	v8 =	vand.u32 $0xFFFF0000, v17;
	v9 =	vmul.f32 v10, v12  }
0x8d: {  	v2 =	vmul.f32 v8, v2;
	v3 =	vadd.f32 v3, v5;
	v4 =	vadd.f32 v6, v4  }
0x8e: {  	v5 =	vand.u32 $0xFF, v7  }
0x8f: {  	v5 =	vadd.s32 v1, v5;
	v2 =	vadd.f32 v2, v9;
	v3 =	vadd.f32 v4, v3;
	_ =	sdelay $0x1  }
0x90: {  	v2 =	vadd.f32 v3, v2  }
0x91: {  	s18 =	sadd.s32 $0x10, s18  }
0x92: {  	[tilespmem:s18+$0x0] =	vst v2  }
0x93: {  	s13 =	sadd.s32 $0x90, s13;
	v2 =	vld.idx.msk [tilespmem:v5+s24+$0x0], $0xffff  }
.Ltmp1:
0x94: {  	v5 =	vld [tilespmem:s13+$0xFFFFFFC0];
	(pc) =	sbr.rel @p0 .LBB2_5-.Ltmp1, $3  }
0x95: {  	v4 =	vld [tilespmem:s13+$0xFFFFFFD0];
	_ =	sdelay $0x1  }
0x96: {  	v3 =	vld [tilespmem:s13+$0xFFFFFFE0]  }
0x97: {  	s20 =	sadd.s32 $0x1, s20  }
0x98: {  	v7 =	vbroadcast v2, $0x0  }
0x99: {  	v9 =	vbroadcast v2, $0x1;
	v11 =	vbroadcast v2, $0x2  }
0x9a: {  	v12 =	vbroadcast v2, $0x3;
	v13 =	vbroadcast v2, $0x4  }
0x9b: {  	v16 =	vbroadcast v2, $0x5;
	v17 =	vbroadcast v2, $0x6  }
0x9c: {  	v18 =	vbroadcast v2, $0x7;
	v19 =	vbroadcast v2, $0x8  }
0x9d: {  	v6 =	vshll.u32 v5, $0x10;
	v8 =	vld [tilespmem:s13+$0xFFFFFFF0];
	v22 =	vbroadcast v2, $0x9;
	v23 =	vbroadcast v2, $0xA  }
0x9e: {  	v5 =	vand.u32 $0xFFFF0000, v5;
	v14 =	vld [tilespmem:s13+$0x0];
	v24 =	vbroadcast v2, $0xB;
	v26 =	vbroadcast v2, $0xC  }
0x9f: {  	v20 =	vld [tilespmem:s13+$0x10];
	v27 =	vbroadcast v2, $0xD;
	v10 =	vshll.u32 v4, $0x10;
	v6 =	vmul.f32 v6, v7  }
0xa0: {  	v4 =	vand.u32 $0xFFFF0000, v4;
	v5 =	vmul.f32 v5, v9;
	v45 =	vmul.f32 v10, v11  }
0xa1: {  	v25 =	vld [tilespmem:s13+$0x20];
	v4 =	vmul.f32 v4, v12;
	v15 =	vshll.u32 v3, $0x10;
	v3 =	vand.u32 $0xFFFF0000, v3  }
0xa2: {  	v47 =	vmul.f32 v15, v13;
	v3 =	vmul.f32 v3, v16;
	v5 =	vadd.f32 v5, v6  }
0xa3: {  	v4 =	vadd.f32 v4, v45;
	v21 =	vshll.u32 v8, $0x10;
	v8 =	vand.u32 $0xFFFF0000, v8  }
0xa4: {  	v7 =	vshll.u32 v14, $0x10;
	v46 =	vand.u32 $0xFFFF0000, v14;
	v48 =	vshll.u32 v20, $0x10  }
0xa5: {  	v49 =	vld [tilespmem:s13+$0x40];
	v51 =	vand.u32 $0xFFFF0000, v20;
	v50 =	vmul.f32 v21, v17;
	v8 =	vmul.f32 v8, v18  }
0xa6: {  	v52 =	vshll.u32 v25, $0x10;
	v7 =	vmul.f32 v7, v19;
	v10 =	vmul.f32 v46, v22  }
0xa7: {  	v53 =	vld [tilespmem:s13+$0x30];
	v54 =	vand.u32 $0xFFFF0000, v25;
	v12 =	vmul.f32 v48, v23;
	v6 =	vmul.f32 v51, v24  }
0xa8: {  	v55 =	vmul.f32 v52, v26;
	v3 =	vadd.f32 v3, v47;
	v56 =	vmul.f32 v54, v27  }
0xa9: {  	v59 =	vbroadcast v2, $0xE;
	v8 =	vadd.f32 v8, v50;
	v7 =	vadd.f32 v10, v7  }
0xaa: {  	v57 =	vshll.u32 v49, $0x10;
	v6 =	vadd.f32 v6, v12;
	v9 =	vadd.f32 v56, v55  }
0xab: {  	v2 =	vbroadcast v2, $0xF;
	v5 =	vadd.f32 v57, v5;
	v3 =	vadd.f32 v3, v4  }
0xac: {  	v58 =	vshll.u32 v53, $0x10;
	v4 =	vadd.f32 v7, v8;
	v6 =	vadd.f32 v9, v6  }
0xad: {  	v60 =	vmul.f32 v58, v59;
	v7 =	vand.u32 $0xFFFF0000, v53  }
0xae: {  	v3 =	vadd.f32 v3, v5;
	v2 =	vmul.f32 v7, v2;
	v4 =	vadd.f32 v6, v4;
	_ =	sdelay $0x1  }
0xaf: {  	v2 =	vadd.f32 v2, v60;
	v3 =	vadd.f32 v4, v3  }
0xb0: {  	s9 =	smul.u32 $0x960, s15  }
0xb1: {  	v2 =	vadd.f32 v3, v2  }
0xb2: {  	s20 =	sadd.s32 $0x10, s18;
	s18 =	sshra.s32 s9, $0x2  }
0xb3: {  	s9 =	sadd.s32 $0x1388, s18;
	[tilespmem:s20+$0x0] =	vst v2  }
0xb4: {  	[spmem:s2] =	stream.indirect.scatter.add.f32 [tilespmem:s21], [sflag:$0x4], $0x10, s9, s22, $0xb8;
	[tilespmem:$0x1EB90] =	vst v63  }
0xb5: {  	_ =	swait.ge [sflag:s7], $0xC80  }
0xb6: {  	[sflag:s7] =	ssyncset.done $0x0  }
0xb7: {  	s9 =	sadd.s32 $0x258, s17;
	[sflag:s7] =	ssyncadd.s32 $0xFFFFF380  }
0xb8: {  	s20 =	sadd.s32 s3, s9;
	_ =	swait.ge [sflag:s7], $0x7080  }
0xb9: {  	s13 =	sshrl.u32 s20, $0x3;
	[sflag:s7] =	ssyncset.done $0x0  }
0xba: {  	s20 =	simm.s32 $0x0;
	s13 =	sadd.s32 s6, s13;
	[sflag:s7] =	ssyncadd.s32 $0xFFFF8F80  }
0xbb: {  	v2 =	vmov s20;
	[tilespmem:s24], [sflag:$0x1] =	stream.strided.gather [hbm4b:s13+s22], $0xC80, s23, s22, $0x38;
	[tilespmem:$0x1EB90] =	vst v63  }
0xbc: {  	v2 =	vand.u32 $0xFF, v2  }
0xbd: {  	v2 =	vadd.s32 v1, v2;
	[tilespmem:s25], [sflag:$0x1] =	stream.indirect.gather [hbm4b:s5+s22], $0x90, s9, s22, $0xb8;
	[tilespmem:$0x1EB90] =	vst v63  }
0xbe: {  	_ =	swait.ge [sflag:s8], $0xC80  }
0xbf: {  	[sflag:s8] =	ssyncset.done $0x0  }
0xc0: {  	s13 =	simm.s32 $0xBD50;
	[sflag:s8] =	ssyncadd.s32 $0xFFFFF380  }
0xc1: {  	v3 =	vld [tilespmem:s13+$0xFFFFFFC0]  }
0xc2: {  	v2 =	vld.idx.msk [tilespmem:v2+s26+$0x0], $0xffff  }
0xc3: {  	v4 =	vld [tilespmem:s13+$0xFFFFFFD0];
	_ =	sdelay $0x1  }
0xc4: {  	v5 =	vld [tilespmem:s13+$0xFFFFFFE0]  }
0xc5: {  	v6 =	vshll.u32 v3, $0x10  }
0xc6: {  	v61 =	vld [tilespmem:s13+$0xFFFFFFF0];
	v3 =	vand.u32 $0xFFFF0000, v3;
	v7 =	vbroadcast v2, $0x0;
	v62 =	vbroadcast v2, $0x1  }
0xc7: {  	v33 =	vld [tilespmem:s13+$0x0];
	v63 =	vshll.u32 v4, $0x10;
	v30 =	vbroadcast v2, $0x2;
	v31 =	vbroadcast v2, $0x3  }
0xc8: {  	v39 =	vld [tilespmem:s13+$0x10];
	v4 =	vand.u32 $0xFFFF0000, v4;
	v32 =	vbroadcast v2, $0x4;
	v35 =	vbroadcast v2, $0x5  }
0xc9: {  	v34 =	vshll.u32 v5, $0x10;
	v36 =	vbroadcast v2, $0x6;
	v37 =	vbroadcast v2, $0x7  }
0xca: {  	v44 =	vld [tilespmem:s13+$0x20];
	v5 =	vand.u32 $0xFFFF0000, v5;
	v38 =	vbroadcast v2, $0x8;
	v41 =	vbroadcast v2, $0x9  }
0xcb: {  	v40 =	vshll.u32 v61, $0x10;
	v42 =	vbroadcast v2, $0xA;
	v43 =	vbroadcast v2, $0xB  }
0xcc: {  	v51 =	vld [tilespmem:s13+$0x40];
	v8 =	vand.u32 $0xFFFF0000, v61;
	v45 =	vbroadcast v2, $0xC;
	v46 =	vbroadcast v2, $0xD  }
0xcd: {  	v48 =	vand.u32 $0xFFFF0000, v33;
	v50 =	vshll.u32 v39, $0x10;
	v6 =	vmul.f32 v6, v7  }
0xce: {  	v53 =	vand.u32 $0xFFFF0000, v39;
	v3 =	vmul.f32 v3, v62;
	v47 =	vmul.f32 v63, v30  }
0xcf: {  	v54 =	vshll.u32 v44, $0x10;
	v4 =	vmul.f32 v4, v31;
	v49 =	vmul.f32 v34, v32  }
0xd0: {  	v55 =	vld [tilespmem:s13+$0x30];
	v56 =	vand.u32 $0xFFFF0000, v44;
	v5 =	vmul.f32 v5, v35;
	v52 =	vmul.f32 v40, v36  }
0xd1: {  	v59 =	vshll.u32 v51, $0x10;
	v8 =	vmul.f32 v8, v37;
	v10 =	vmul.f32 v48, v41  }
0xd2: {  	v7 =	vshll.u32 v33, $0x10;
	v12 =	vmul.f32 v50, v42;
	v57 =	vmul.f32 v54, v45  }
0xd3: {  	v58 =	vmul.f32 v56, v46;
	v7 =	vmul.f32 v7, v38;
	v3 =	vadd.f32 v3, v6  }
0xd4: {  	v6 =	vmul.f32 v53, v43;
	v4 =	vadd.f32 v4, v47;
	v5 =	vadd.f32 v5, v49  }
0xd5: {  	v60 =	vshll.u32 v55, $0x10;
	v8 =	vadd.f32 v8, v52;
	v9 =	vadd.f32 v58, v57  }
0xd6: {  	v61 =	vbroadcast v2, $0xE;
	v7 =	vadd.f32 v10, v7;
	v6 =	vadd.f32 v6, v12  }
0xd7: {  	v2 =	vbroadcast v2, $0xF;
	v3 =	vadd.f32 v59, v3;
	v4 =	vadd.f32 v5, v4  }
0xd8: {  	v62 =	vand.u32 $0xFFFF0000, v55;
	v5 =	vadd.f32 v7, v8;
	v6 =	vadd.f32 v9, v6  }
0xd9: {  	s20 =	simm.s32 $0x1;
	v63 =	vmul.f32 v60, v61;
	v2 =	vmul.f32 v62, v2  }
0xda: {  	v7 =	vmov s20;
	v3 =	vadd.f32 v4, v3;
	v4 =	vadd.f32 v6, v5  }
0xdb: {  	v5 =	vand.u32 $0xFF, v7  }
0xdc: {  	v2 =	vadd.f32 v2, v63;
	v5 =	vadd.s32 v1, v5;
	v3 =	vadd.f32 v4, v3;
	_ =	sdelay $0x1  }
0xdd: {  	v2 =	vadd.f32 v3, v2  }
0xde: {  	s13 =	simm.s32 $0x1AA90  }
0xdf: {  	[tilespmem:s13+$0x0] =	vst v2  }
0xe0: {  	s20 =	simm.s32 $0xBDE0;
	v2 =	vld.idx.msk [tilespmem:v5+s26+$0x0], $0xffff  }
0xe1: {  	v5 =	vld [tilespmem:s20+$0xFFFFFFC0]  }
0xe2: {  	v4 =	vld [tilespmem:s20+$0xFFFFFFD0];
	_ =	sdelay $0x1  }
0xe3: {  	v3 =	vld [tilespmem:s20+$0xFFFFFFE0]  }
0xe4: {  	s9 =	simm.s32 $0x2  }
.LBB2_7:
0xe5: {  	p0 =	sne.s32 s9, $0xC7;
	v6 =	vshll.u32 v5, $0x10;
	v5 =	vand.u32 $0xFFFF0000, v5;
	v7 =	vbroadcast v2, $0x0;
	v8 =	vld [tilespmem:s20+$0xFFFFFFF0]  }
0xe6: {  	v9 =	vbroadcast v2, $0x1;
	v11 =	vbroadcast v2, $0x2;
	v10 =	vshll.u32 v4, $0x10  }
0xe7: {  	v12 =	vbroadcast v2, $0x3;
	v13 =	vbroadcast v2, $0x4;
	v4 =	vand.u32 $0xFFFF0000, v4;
	v14 =	vld [tilespmem:s20+$0x0]  }
0xe8: {  	v16 =	vbroadcast v2, $0x5;
	v17 =	vbroadcast v2, $0x6;
	v15 =	vshll.u32 v3, $0x10  }
0xe9: {  	v18 =	vbroadcast v2, $0x7;
	v19 =	vbroadcast v2, $0x8;
	v3 =	vand.u32 $0xFFFF0000, v3;
	v20 =	vld [tilespmem:s20+$0x10]  }
0xea: {  	v22 =	vbroadcast v2, $0x9;
	v23 =	vbroadcast v2, $0xA;
	v21 =	vshll.u32 v8, $0x10  }
0xeb: {  	v24 =	vbroadcast v2, $0xB;
	v26 =	vbroadcast v2, $0xC;
	v8 =	vand.u32 $0xFFFF0000, v8;
	v25 =	vld [tilespmem:s20+$0x20]  }
0xec: {  	v27 =	vbroadcast v2, $0xD;
	v6 =	vmul.f32 v6, v7;
	v7 =	vshll.u32 v14, $0x10  }
0xed: {  	v5 =	vmul.f32 v5, v9;
	v9 =	vmul.f32 v10, v11;
	v10 =	vand.u32 $0xFFFF0000, v14  }
0xee: {  	v4 =	vmul.f32 v4, v12;
	v11 =	vmul.f32 v15, v13;
	v12 =	vshll.u32 v20, $0x10  }
0xef: {  	v3 =	vmul.f32 v3, v16;
	v14 =	vmul.f32 v21, v17;
	v15 =	vand.u32 $0xFFFF0000, v20;
	v13 =	vld [tilespmem:s20+$0x40]  }
0xf0: {  	v8 =	vmul.f32 v8, v18;
	v7 =	vmul.f32 v7, v19;
	v16 =	vshll.u32 v25, $0x10;
	v17 =	vld [tilespmem:s20+$0x30]  }
0xf1: {  	v10 =	vmul.f32 v10, v22;
	v12 =	vmul.f32 v12, v23;
	v18 =	vand.u32 $0xFFFF0000, v25  }
0xf2: {  	v5 =	vadd.f32 v5, v6;
	v6 =	vmul.f32 v15, v24;
	v15 =	vmul.f32 v16, v26  }
0xf3: {  	v4 =	vadd.f32 v4, v9;
	v3 =	vadd.f32 v3, v11;
	v9 =	vmul.f32 v18, v27  }
0xf4: {  	v8 =	vadd.f32 v8, v14;
	v7 =	vadd.f32 v10, v7;
	v11 =	vshll.u32 v13, $0x10  }
0xf5: {  	v6 =	vadd.f32 v6, v12;
	v9 =	vadd.f32 v9, v15;
	v10 =	vshll.u32 v17, $0x10  }
0xf6: {  	v3 =	vadd.f32 v3, v4;
	v12 =	vbroadcast v2, $0xE;
	v5 =	vadd.f32 v11, v5  }
0xf7: {  	v2 =	vbroadcast v2, $0xF;
	v4 =	vadd.f32 v7, v8;
	v6 =	vadd.f32 v9, v6  }
0xf8: {  	v7 =	vmov s9;
	v8 =	vand.u32 $0xFFFF0000, v17;
	v9 =	vmul.f32 v10, v12  }
0xf9: {  	v2 =	vmul.f32 v8, v2;
	v3 =	vadd.f32 v3, v5;
	v4 =	vadd.f32 v6, v4  }
0xfa: {  	v5 =	vand.u32 $0xFF, v7  }
0xfb: {  	v5 =	vadd.s32 v1, v5;
	v2 =	vadd.f32 v2, v9;
	v3 =	vadd.f32 v4, v3;
	_ =	sdelay $0x1  }
0xfc: {  	v2 =	vadd.f32 v3, v2  }
0xfd: {  	s13 =	sadd.s32 $0x10, s13  }
0xfe: {  	[tilespmem:s13+$0x0] =	vst v2  }
0xff: {  	s20 =	sadd.s32 $0x90, s20;
	v2 =	vld.idx.msk [tilespmem:v5+s26+$0x0], $0xffff  }
.Ltmp2:
0x100: {  	v5 =	vld [tilespmem:s20+$0xFFFFFFC0];
	(pc) =	sbr.rel @p0 .LBB2_7-.Ltmp2, $3  }
0x101: {  	v4 =	vld [tilespmem:s20+$0xFFFFFFD0];
	_ =	sdelay $0x1  }
0x102: {  	v3 =	vld [tilespmem:s20+$0xFFFFFFE0]  }
0x103: {  	s9 =	sadd.s32 $0x1, s9  }
0x104: {  	v7 =	vbroadcast v2, $0x0  }
0x105: {  	v9 =	vbroadcast v2, $0x1;
	v11 =	vbroadcast v2, $0x2  }
0x106: {  	v12 =	vbroadcast v2, $0x3;
	v13 =	vbroadcast v2, $0x4  }
0x107: {  	v16 =	vbroadcast v2, $0x5;
	v17 =	vbroadcast v2, $0x6  }
0x108: {  	v18 =	vbroadcast v2, $0x7;
	v19 =	vbroadcast v2, $0x8  }
0x109: {  	v6 =	vshll.u32 v5, $0x10;
	v8 =	vld [tilespmem:s20+$0xFFFFFFF0];
	v22 =	vbroadcast v2, $0x9;
	v23 =	vbroadcast v2, $0xA  }
0x10a: {  	v5 =	vand.u32 $0xFFFF0000, v5;
	v14 =	vld [tilespmem:s20+$0x0];
	v24 =	vbroadcast v2, $0xB;
	v26 =	vbroadcast v2, $0xC  }
0x10b: {  	v20 =	vld [tilespmem:s20+$0x10];
	v27 =	vbroadcast v2, $0xD;
	v10 =	vshll.u32 v4, $0x10;
	v6 =	vmul.f32 v6, v7  }
0x10c: {  	v4 =	vand.u32 $0xFFFF0000, v4;
	v5 =	vmul.f32 v5, v9;
	v45 =	vmul.f32 v10, v11  }
0x10d: {  	v25 =	vld [tilespmem:s20+$0x20];
	v4 =	vmul.f32 v4, v12;
	v15 =	vshll.u32 v3, $0x10;
	v3 =	vand.u32 $0xFFFF0000, v3  }
0x10e: {  	v47 =	vmul.f32 v15, v13;
	v3 =	vmul.f32 v3, v16;
	v5 =	vadd.f32 v5, v6  }
0x10f: {  	v4 =	vadd.f32 v4, v45;
	v21 =	vshll.u32 v8, $0x10;
	v8 =	vand.u32 $0xFFFF0000, v8  }
0x110: {  	v7 =	vshll.u32 v14, $0x10;
	v46 =	vand.u32 $0xFFFF0000, v14;
	v48 =	vshll.u32 v20, $0x10  }
0x111: {  	v49 =	vld [tilespmem:s20+$0x40];
	v51 =	vand.u32 $0xFFFF0000, v20;
	v50 =	vmul.f32 v21, v17;
	v8 =	vmul.f32 v8, v18  }
0x112: {  	v52 =	vshll.u32 v25, $0x10;
	v7 =	vmul.f32 v7, v19;
	v10 =	vmul.f32 v46, v22  }
0x113: {  	v53 =	vld [tilespmem:s20+$0x30];
	v54 =	vand.u32 $0xFFFF0000, v25;
	v12 =	vmul.f32 v48, v23;
	v6 =	vmul.f32 v51, v24  }
0x114: {  	v55 =	vmul.f32 v52, v26;
	v3 =	vadd.f32 v3, v47;
	v56 =	vmul.f32 v54, v27  }
0x115: {  	v59 =	vbroadcast v2, $0xE;
	v8 =	vadd.f32 v8, v50;
	v7 =	vadd.f32 v10, v7  }
0x116: {  	v57 =	vshll.u32 v49, $0x10;
	v6 =	vadd.f32 v6, v12;
	v9 =	vadd.f32 v56, v55  }
0x117: {  	v2 =	vbroadcast v2, $0xF;
	v5 =	vadd.f32 v57, v5;
	v3 =	vadd.f32 v3, v4  }
0x118: {  	v58 =	vshll.u32 v53, $0x10;
	v4 =	vadd.f32 v7, v8;
	v6 =	vadd.f32 v9, v6  }
0x119: {  	v60 =	vmul.f32 v58, v59;
	v7 =	vand.u32 $0xFFFF0000, v53  }
0x11a: {  	v3 =	vadd.f32 v3, v5;
	v2 =	vmul.f32 v7, v2;
	v4 =	vadd.f32 v6, v4;
	_ =	sdelay $0x1  }
0x11b: {  	v2 =	vadd.f32 v2, v60;
	v3 =	vadd.f32 v4, v3;
	_ =	sdelay $0x1  }
0x11c: {  	v2 =	vadd.f32 v3, v2  }
0x11d: {  	s9 =	sadd.s32 $0x10, s13  }
0x11e: {  	s13 =	sadd.s32 $0x1450, s18;
	[tilespmem:s9+$0x0] =	vst v2  }
0x11f: {  	[spmem:s2] =	stream.indirect.scatter.add.f32 [tilespmem:s29], [sflag:$0x5], $0x10, s13, s22, $0xb8;
	[tilespmem:$0x1EB90] =	vst v63  }
0x120: {  	_ =	swait.ge [sflag:s10], $0xC80  }
0x121: {  	[sflag:s10] =	ssyncset.done $0x0  }
0x122: {  	s9 =	sadd.s32 $0x320, s17;
	[sflag:s10] =	ssyncadd.s32 $0xFFFFF380  }
0x123: {  	s18 =	sadd.s32 s3, s9;
	_ =	swait.ge [sflag:s10], $0x7080  }
0x124: {  	s13 =	sshrl.u32 s18, $0x3;
	[sflag:s10] =	ssyncset.done $0x0  }
0x125: {  	s20 =	simm.s32 $0x0;
	s13 =	sadd.s32 s6, s13;
	[sflag:s10] =	ssyncadd.s32 $0xFFFF8F80  }
0x126: {  	v2 =	vmov s20;
	[tilespmem:s26], [sflag:$0x2] =	stream.strided.gather [hbm4b:s13+s22], $0xC80, s23, s22, $0x38;
	[tilespmem:$0x1EB90] =	vst v63  }
0x127: {  	v2 =	vand.u32 $0xFF, v2  }
0x128: {  	v2 =	vadd.s32 v1, v2;
	[tilespmem:s28], [sflag:$0x2] =	stream.indirect.gather [hbm4b:s5+s22], $0x90, s9, s22, $0xb8;
	[tilespmem:$0x1EB90] =	vst v63  }
0x129: {  	_ =	swait.ge [sflag:s11], $0xC80  }
0x12a: {  	[sflag:s11] =	ssyncset.done $0x0  }
0x12b: {  	s18 =	simm.s32 $0x12DD0;
	[sflag:s11] =	ssyncadd.s32 $0xFFFFF380  }
0x12c: {  	v3 =	vld [tilespmem:s18+$0xFFFFFFC0]  }
0x12d: {  	v2 =	vld.idx.msk [tilespmem:v2+s1+$0x0], $0xffff  }
0x12e: {  	v4 =	vld [tilespmem:s18+$0xFFFFFFD0];
	_ =	sdelay $0x1  }
0x12f: {  	v5 =	vld [tilespmem:s18+$0xFFFFFFE0]  }
0x130: {  	v6 =	vshll.u32 v3, $0x10  }
0x131: {  	v61 =	vld [tilespmem:s18+$0xFFFFFFF0];
	v3 =	vand.u32 $0xFFFF0000, v3;
	v7 =	vbroadcast v2, $0x0;
	v62 =	vbroadcast v2, $0x1  }
0x132: {  	v33 =	vld [tilespmem:s18+$0x0];
	v63 =	vshll.u32 v4, $0x10;
	v30 =	vbroadcast v2, $0x2;
	v31 =	vbroadcast v2, $0x3  }
0x133: {  	v39 =	vld [tilespmem:s18+$0x10];
	v4 =	vand.u32 $0xFFFF0000, v4;
	v32 =	vbroadcast v2, $0x4;
	v35 =	vbroadcast v2, $0x5  }
0x134: {  	v34 =	vshll.u32 v5, $0x10;
	v36 =	vbroadcast v2, $0x6;
	v37 =	vbroadcast v2, $0x7  }
0x135: {  	v44 =	vld [tilespmem:s18+$0x20];
	v5 =	vand.u32 $0xFFFF0000, v5;
	v38 =	vbroadcast v2, $0x8;
	v41 =	vbroadcast v2, $0x9  }
0x136: {  	v40 =	vshll.u32 v61, $0x10;
	v42 =	vbroadcast v2, $0xA;
	v43 =	vbroadcast v2, $0xB  }
0x137: {  	v51 =	vld [tilespmem:s18+$0x40];
	v8 =	vand.u32 $0xFFFF0000, v61;
	v45 =	vbroadcast v2, $0xC;
	v46 =	vbroadcast v2, $0xD  }
0x138: {  	v48 =	vand.u32 $0xFFFF0000, v33;
	v50 =	vshll.u32 v39, $0x10;
	v6 =	vmul.f32 v6, v7  }
0x139: {  	v53 =	vand.u32 $0xFFFF0000, v39;
	v3 =	vmul.f32 v3, v62;
	v47 =	vmul.f32 v63, v30  }
0x13a: {  	v54 =	vshll.u32 v44, $0x10;
	v4 =	vmul.f32 v4, v31;
	v49 =	vmul.f32 v34, v32  }
0x13b: {  	v55 =	vld [tilespmem:s18+$0x30];
	v56 =	vand.u32 $0xFFFF0000, v44;
	v5 =	vmul.f32 v5, v35;
	v52 =	vmul.f32 v40, v36  }
0x13c: {  	v59 =	vshll.u32 v51, $0x10;
	v8 =	vmul.f32 v8, v37;
	v10 =	vmul.f32 v48, v41  }
0x13d: {  	v7 =	vshll.u32 v33, $0x10;
	v12 =	vmul.f32 v50, v42;
	v57 =	vmul.f32 v54, v45  }
0x13e: {  	v58 =	vmul.f32 v56, v46;
	v7 =	vmul.f32 v7, v38;
	v3 =	vadd.f32 v3, v6  }
0x13f: {  	v6 =	vmul.f32 v53, v43;
	v4 =	vadd.f32 v4, v47;
	v5 =	vadd.f32 v5, v49  }
0x140: {  	v60 =	vshll.u32 v55, $0x10;
	v8 =	vadd.f32 v8, v52;
	v9 =	vadd.f32 v58, v57  }
0x141: {  	v61 =	vbroadcast v2, $0xE;
	v7 =	vadd.f32 v10, v7;
	v6 =	vadd.f32 v6, v12  }
0x142: {  	v2 =	vbroadcast v2, $0xF;
	v3 =	vadd.f32 v59, v3;
	v4 =	vadd.f32 v5, v4  }
0x143: {  	v62 =	vand.u32 $0xFFFF0000, v55;
	v5 =	vadd.f32 v7, v8;
	v6 =	vadd.f32 v9, v6  }
0x144: {  	s20 =	simm.s32 $0x1;
	v63 =	vmul.f32 v60, v61;
	v2 =	vmul.f32 v62, v2  }
0x145: {  	v7 =	vmov s20;
	v3 =	vadd.f32 v4, v3;
	v4 =	vadd.f32 v6, v5  }
0x146: {  	v5 =	vand.u32 $0xFF, v7  }
0x147: {  	v2 =	vadd.f32 v2, v63;
	v5 =	vadd.s32 v1, v5;
	v3 =	vadd.f32 v4, v3;
	_ =	sdelay $0x1  }
0x148: {  	v2 =	vadd.f32 v3, v2  }
0x149: {  	s13 =	simm.s32 $0x1B710  }
0x14a: {  	[tilespmem:s13+$0x0] =	vst v2  }
0x14b: {  	s17 =	simm.s32 $0x12E60;
	v2 =	vld.idx.msk [tilespmem:v5+s1+$0x0], $0xffff  }
0x14c: {  	v5 =	vld [tilespmem:s17+$0xFFFFFFC0]  }
0x14d: {  	v4 =	vld [tilespmem:s17+$0xFFFFFFD0];
	_ =	sdelay $0x1  }
0x14e: {  	v3 =	vld [tilespmem:s17+$0xFFFFFFE0]  }
0x14f: {  	s9 =	simm.s32 $0x2  }
.LBB2_9:
0x150: {  	p0 =	sne.s32 s9, $0xC7;
	v6 =	vshll.u32 v5, $0x10;
	v5 =	vand.u32 $0xFFFF0000, v5;
	v7 =	vbroadcast v2, $0x0;
	v8 =	vld [tilespmem:s17+$0xFFFFFFF0]  }
0x151: {  	v9 =	vbroadcast v2, $0x1;
	v11 =	vbroadcast v2, $0x2;
	v10 =	vshll.u32 v4, $0x10  }
0x152: {  	v12 =	vbroadcast v2, $0x3;
	v13 =	vbroadcast v2, $0x4;
	v4 =	vand.u32 $0xFFFF0000, v4;
	v14 =	vld [tilespmem:s17+$0x0]  }
0x153: {  	v16 =	vbroadcast v2, $0x5;
	v17 =	vbroadcast v2, $0x6;
	v15 =	vshll.u32 v3, $0x10  }
0x154: {  	v18 =	vbroadcast v2, $0x7;
	v19 =	vbroadcast v2, $0x8;
	v3 =	vand.u32 $0xFFFF0000, v3;
	v20 =	vld [tilespmem:s17+$0x10]  }
0x155: {  	v22 =	vbroadcast v2, $0x9;
	v23 =	vbroadcast v2, $0xA;
	v21 =	vshll.u32 v8, $0x10  }
0x156: {  	v24 =	vbroadcast v2, $0xB;
	v26 =	vbroadcast v2, $0xC;
	v8 =	vand.u32 $0xFFFF0000, v8;
	v25 =	vld [tilespmem:s17+$0x20]  }
0x157: {  	v27 =	vbroadcast v2, $0xD;
	v6 =	vmul.f32 v6, v7;
	v7 =	vshll.u32 v14, $0x10  }
0x158: {  	v5 =	vmul.f32 v5, v9;
	v9 =	vmul.f32 v10, v11;
	v10 =	vand.u32 $0xFFFF0000, v14  }
0x159: {  	v4 =	vmul.f32 v4, v12;
	v11 =	vmul.f32 v15, v13;
	v12 =	vshll.u32 v20, $0x10  }
0x15a: {  	v3 =	vmul.f32 v3, v16;
	v14 =	vmul.f32 v21, v17;
	v15 =	vand.u32 $0xFFFF0000, v20;
	v13 =	vld [tilespmem:s17+$0x40]  }
0x15b: {  	v8 =	vmul.f32 v8, v18;
	v7 =	vmul.f32 v7, v19;
	v16 =	vshll.u32 v25, $0x10;
	v17 =	vld [tilespmem:s17+$0x30]  }
0x15c: {  	v10 =	vmul.f32 v10, v22;
	v12 =	vmul.f32 v12, v23;
	v18 =	vand.u32 $0xFFFF0000, v25  }
0x15d: {  	v5 =	vadd.f32 v5, v6;
	v6 =	vmul.f32 v15, v24;
	v15 =	vmul.f32 v16, v26  }
0x15e: {  	v4 =	vadd.f32 v4, v9;
	v3 =	vadd.f32 v3, v11;
	v9 =	vmul.f32 v18, v27  }
0x15f: {  	v8 =	vadd.f32 v8, v14;
	v7 =	vadd.f32 v10, v7;
	v11 =	vshll.u32 v13, $0x10  }
0x160: {  	v6 =	vadd.f32 v6, v12;
	v9 =	vadd.f32 v9, v15;
	v10 =	vshll.u32 v17, $0x10  }
0x161: {  	v3 =	vadd.f32 v3, v4;
	v12 =	vbroadcast v2, $0xE;
	v5 =	vadd.f32 v11, v5  }
0x162: {  	v2 =	vbroadcast v2, $0xF;
	v4 =	vadd.f32 v7, v8;
	v6 =	vadd.f32 v9, v6  }
0x163: {  	v7 =	vmov s9;
	v8 =	vand.u32 $0xFFFF0000, v17;
	v9 =	vmul.f32 v10, v12  }
0x164: {  	v2 =	vmul.f32 v8, v2;
	v3 =	vadd.f32 v3, v5;
	v4 =	vadd.f32 v6, v4  }
0x165: {  	v5 =	vand.u32 $0xFF, v7  }
0x166: {  	v5 =	vadd.s32 v1, v5;
	v2 =	vadd.f32 v2, v9;
	v3 =	vadd.f32 v4, v3;
	_ =	sdelay $0x1  }
0x167: {  	v2 =	vadd.f32 v3, v2  }
0x168: {  	s13 =	sadd.s32 $0x10, s13  }
0x169: {  	[tilespmem:s13+$0x0] =	vst v2  }
0x16a: {  	s17 =	sadd.s32 $0x90, s17;
	v2 =	vld.idx.msk [tilespmem:v5+s1+$0x0], $0xffff  }
.Ltmp3:
0x16b: {  	v5 =	vld [tilespmem:s17+$0xFFFFFFC0];
	(pc) =	sbr.rel @p0 .LBB2_9-.Ltmp3, $3  }
0x16c: {  	v4 =	vld [tilespmem:s17+$0xFFFFFFD0];
	_ =	sdelay $0x1  }
0x16d: {  	v3 =	vld [tilespmem:s17+$0xFFFFFFE0]  }
0x16e: {  	s9 =	sadd.s32 $0x1, s9  }
0x16f: {  	v7 =	vbroadcast v2, $0x0  }
0x170: {  	v9 =	vbroadcast v2, $0x1;
	v11 =	vbroadcast v2, $0x2  }
0x171: {  	v12 =	vbroadcast v2, $0x3;
	v13 =	vbroadcast v2, $0x4  }
0x172: {  	v16 =	vbroadcast v2, $0x5;
	v17 =	vbroadcast v2, $0x6  }
0x173: {  	v18 =	vbroadcast v2, $0x7;
	v19 =	vbroadcast v2, $0x8  }
0x174: {  	v6 =	vshll.u32 v5, $0x10;
	v8 =	vld [tilespmem:s17+$0xFFFFFFF0];
	v22 =	vbroadcast v2, $0x9;
	v23 =	vbroadcast v2, $0xA  }
0x175: {  	v42 =	vand.u32 $0xFFFF0000, v5;
	v14 =	vld [tilespmem:s17+$0x0];
	v24 =	vbroadcast v2, $0xB;
	v26 =	vbroadcast v2, $0xC  }
0x176: {  	v20 =	vld [tilespmem:s17+$0x10];
	v27 =	vbroadcast v2, $0xD;
	v10 =	vshll.u32 v4, $0x10;
	v6 =	vmul.f32 v6, v7  }
0x177: {  	v43 =	vand.u32 $0xFFFF0000, v4;
	v5 =	vmul.f32 v42, v9;
	v45 =	vmul.f32 v10, v11  }
0x178: {  	v25 =	vld [tilespmem:s17+$0x20];
	v4 =	vmul.f32 v43, v12;
	v15 =	vshll.u32 v3, $0x10;
	v3 =	vand.u32 $0xFFFF0000, v3  }
0x179: {  	v47 =	vmul.f32 v15, v13;
	v3 =	vmul.f32 v3, v16;
	v5 =	vadd.f32 v5, v6  }
0x17a: {  	v4 =	vadd.f32 v4, v45;
	v21 =	vshll.u32 v8, $0x10;
	v8 =	vand.u32 $0xFFFF0000, v8  }
0x17b: {  	v44 =	vshll.u32 v14, $0x10;
	v46 =	vand.u32 $0xFFFF0000, v14;
	v48 =	vshll.u32 v20, $0x10  }
0x17c: {  	v49 =	vld [tilespmem:s17+$0x40];
	v51 =	vand.u32 $0xFFFF0000, v20;
	v50 =	vmul.f32 v21, v17;
	v8 =	vmul.f32 v8, v18  }
0x17d: {  	v52 =	vshll.u32 v25, $0x10;
	v7 =	vmul.f32 v44, v19;
	v10 =	vmul.f32 v46, v22  }
0x17e: {  	v53 =	vld [tilespmem:s17+$0x30];
	v54 =	vand.u32 $0xFFFF0000, v25;
	v12 =	vmul.f32 v48, v23;
	v55 =	vmul.f32 v51, v24  }
0x17f: {  	v56 =	vmul.f32 v52, v26;
	v3 =	vadd.f32 v3, v47;
	v57 =	vmul.f32 v54, v27  }
0x180: {  	v60 =	vbroadcast v2, $0xE;
	v8 =	vadd.f32 v8, v50;
	v7 =	vadd.f32 v10, v7  }
0x181: {  	v58 =	vshll.u32 v49, $0x10;
	v6 =	vadd.f32 v55, v12;
	v9 =	vadd.f32 v57, v56  }
0x182: {  	v2 =	vbroadcast v2, $0xF;
	v5 =	vadd.f32 v58, v5;
	v3 =	vadd.f32 v3, v4  }
0x183: {  	v59 =	vshll.u32 v53, $0x10;
	v61 =	vadd.f32 v7, v8;
	v6 =	vadd.f32 v9, v6  }
0x184: {  	v62 =	vand.u32 $0xFFFF0000, v53;
	v63 =	vmul.f32 v59, v60  }
0x185: {  	v2 =	vmul.f32 v62, v2;
	v3 =	vadd.f32 v3, v5;
	v4 =	vadd.f32 v6, v61  }
0x186: {  	s15 =	sadd.s32 $0x1, s15  }
0x187: {  	p0 =	sne.s32 s15, $0x7;
	v2 =	vadd.f32 v2, v63;
	v3 =	vadd.f32 v4, v3  }
.Ltmp4:
0x188: {  	_ = 	snop;
	(pc) =	sbr.rel @p0 .LBB2_4-.Ltmp4, $4  }
0x189: {  	v2 =	vadd.f32 v3, v2  }
0x18a: {  	s9 =	sadd.s32 $0x10, s13  }
0x18b: {  	s20 =	sadd.s32 $0x1388, s16;
	[tilespmem:s9+$0x0] =	vst v2  }
0x18c: {  	[spmem:s2] =	stream.indirect.scatter.add.f32 [tilespmem:s30], [sflag:$0x6], $0x10, s20, s22, $0xb8;
	[tilespmem:$0x1EB90] =	vst v63  }
0x18d: {  	_ =	swait.ge [sflag:s31], $0xC80  }
0x18e: {  	[sflag:s31] =	ssyncset.done $0x0  }
0x18f: {  	[sflag:s31] =	ssyncadd.s32 $0xFFFFF380  }
0x190: {  	_ =	swait.ge [sflag:s31], $0x7080  }
0x191: {  	[sflag:s31] =	ssyncset.done $0x0  }
0x192: {  	s9 =	simm.s32 $0x0;
	s16 =	rddreg [dreg:$0xb];
	[sflag:s31] =	ssyncadd.s32 $0xFFFF8F80  }
0x193: {  	v2 =	vmov s9;
	[tilespmem:s1], [sflag:$0x3] =	stream.strided.gather [hbm4b:s16+s22], $0xC80, s23, s22, $0x38;
	[tilespmem:$0x1EB90] =	vst v63  }
0x194: {  	s17 =	simm.s32 $0x11F8;
	v2 =	vand.u32 $0xFF, v2  }
0x195: {  	v2 =	vadd.s32 v1, v2;
	[tilespmem:s0], [sflag:$0x3] =	stream.indirect.gather [hbm4b:s5+s22], $0x90, s17, s22, $0xb8;
	[tilespmem:$0x1EB90] =	vst v63  }
0x196: {  	_ =	swait.ge [sflag:s4], $0xC80  }
0x197: {  	[sflag:s4] =	ssyncset.done $0x0  }
0x198: {  	s18 =	simm.s32 $0x4CD0;
	[sflag:s4] =	ssyncadd.s32 $0xFFFFF380  }
0x199: {  	v3 =	vld [tilespmem:s18+$0xFFFFFFC0]  }
0x19a: {  	v2 =	vld.idx.msk [tilespmem:v2+s24+$0x0], $0xffff  }
0x19b: {  	v4 =	vld [tilespmem:s18+$0xFFFFFFD0];
	_ =	sdelay $0x1  }
0x19c: {  	v5 =	vld [tilespmem:s18+$0xFFFFFFE0]  }
0x19d: {  	v6 =	vshll.u32 v3, $0x10  }
0x19e: {  	v8 =	vld [tilespmem:s18+$0xFFFFFFF0];
	v3 =	vand.u32 $0xFFFF0000, v3;
	v7 =	vbroadcast v2, $0x0;
	v9 =	vbroadcast v2, $0x1  }
0x19f: {  	v14 =	vld [tilespmem:s18+$0x0];
	v10 =	vshll.u32 v4, $0x10;
	v11 =	vbroadcast v2, $0x2;
	v12 =	vbroadcast v2, $0x3  }
0x1a0: {  	v20 =	vld [tilespmem:s18+$0x10];
	v4 =	vand.u32 $0xFFFF0000, v4;
	v13 =	vbroadcast v2, $0x4;
	v16 =	vbroadcast v2, $0x5  }
0x1a1: {  	v15 =	vshll.u32 v5, $0x10;
	v17 =	vbroadcast v2, $0x6;
	v18 =	vbroadcast v2, $0x7  }
0x1a2: {  	v25 =	vld [tilespmem:s18+$0x20];
	v5 =	vand.u32 $0xFFFF0000, v5;
	v19 =	vbroadcast v2, $0x8;
	v22 =	vbroadcast v2, $0x9  }
0x1a3: {  	v21 =	vshll.u32 v8, $0x10;
	v23 =	vbroadcast v2, $0xA;
	v24 =	vbroadcast v2, $0xB  }
0x1a4: {  	v51 =	vld [tilespmem:s18+$0x40];
	v8 =	vand.u32 $0xFFFF0000, v8;
	v26 =	vbroadcast v2, $0xC;
	v27 =	vbroadcast v2, $0xD  }
0x1a5: {  	v48 =	vand.u32 $0xFFFF0000, v14;
	v50 =	vshll.u32 v20, $0x10;
	v6 =	vmul.f32 v6, v7  }
0x1a6: {  	v53 =	vand.u32 $0xFFFF0000, v20;
	v3 =	vmul.f32 v3, v9;
	v47 =	vmul.f32 v10, v11  }
0x1a7: {  	v54 =	vshll.u32 v25, $0x10;
	v4 =	vmul.f32 v4, v12;
	v49 =	vmul.f32 v15, v13  }
0x1a8: {  	v55 =	vld [tilespmem:s18+$0x30];
	v56 =	vand.u32 $0xFFFF0000, v25;
	v5 =	vmul.f32 v5, v16;
	v52 =	vmul.f32 v21, v17  }
0x1a9: {  	v59 =	vshll.u32 v51, $0x10;
	v8 =	vmul.f32 v8, v18;
	v10 =	vmul.f32 v48, v22  }
0x1aa: {  	v7 =	vshll.u32 v14, $0x10;
	v12 =	vmul.f32 v50, v23;
	v57 =	vmul.f32 v54, v26  }
0x1ab: {  	v58 =	vmul.f32 v56, v27;
	v7 =	vmul.f32 v7, v19;
	v3 =	vadd.f32 v3, v6  }
0x1ac: {  	v6 =	vmul.f32 v53, v24;
	v4 =	vadd.f32 v4, v47;
	v5 =	vadd.f32 v5, v49  }
0x1ad: {  	v60 =	vshll.u32 v55, $0x10;
	v8 =	vadd.f32 v8, v52;
	v9 =	vadd.f32 v58, v57  }
0x1ae: {  	v61 =	vbroadcast v2, $0xE;
	v7 =	vadd.f32 v10, v7;
	v6 =	vadd.f32 v6, v12  }
0x1af: {  	v2 =	vbroadcast v2, $0xF;
	v3 =	vadd.f32 v59, v3;
	v4 =	vadd.f32 v5, v4  }
0x1b0: {  	v62 =	vand.u32 $0xFFFF0000, v55;
	v5 =	vadd.f32 v7, v8;
	v6 =	vadd.f32 v9, v6  }
0x1b1: {  	s20 =	simm.s32 $0x1;
	v63 =	vmul.f32 v60, v61;
	v2 =	vmul.f32 v62, v2  }
0x1b2: {  	v7 =	vmov s20;
	v3 =	vadd.f32 v4, v3;
	v4 =	vadd.f32 v6, v5  }
0x1b3: {  	v5 =	vand.u32 $0xFF, v7  }
0x1b4: {  	v2 =	vadd.f32 v2, v63;
	v5 =	vadd.s32 v1, v5;
	v3 =	vadd.f32 v4, v3;
	_ =	sdelay $0x1  }
0x1b5: {  	v2 =	vadd.f32 v3, v2  }
0x1b6: {  	s13 =	simm.s32 $0x19E10  }
0x1b7: {  	[tilespmem:s13+$0x0] =	vst v2  }
0x1b8: {  	s14 =	simm.s32 $0x4D60;
	v2 =	vld.idx.msk [tilespmem:v5+s24+$0x0], $0xffff  }
0x1b9: {  	v5 =	vld [tilespmem:s14+$0xFFFFFFC0]  }
0x1ba: {  	v4 =	vld [tilespmem:s14+$0xFFFFFFD0];
	_ =	sdelay $0x1  }
0x1bb: {  	v3 =	vld [tilespmem:s14+$0xFFFFFFE0]  }
0x1bc: {  	s9 =	simm.s32 $0x2  }
.LBB2_12:
0x1bd: {  	p0 =	sne.s32 s9, $0xC7;
	v6 =	vshll.u32 v5, $0x10;
	v5 =	vand.u32 $0xFFFF0000, v5;
	v7 =	vbroadcast v2, $0x0;
	v8 =	vld [tilespmem:s14+$0xFFFFFFF0]  }
0x1be: {  	v9 =	vbroadcast v2, $0x1;
	v11 =	vbroadcast v2, $0x2;
	v10 =	vshll.u32 v4, $0x10  }
0x1bf: {  	v12 =	vbroadcast v2, $0x3;
	v13 =	vbroadcast v2, $0x4;
	v4 =	vand.u32 $0xFFFF0000, v4;
	v14 =	vld [tilespmem:s14+$0x0]  }
0x1c0: {  	v16 =	vbroadcast v2, $0x5;
	v17 =	vbroadcast v2, $0x6;
	v15 =	vshll.u32 v3, $0x10  }
0x1c1: {  	v18 =	vbroadcast v2, $0x7;
	v19 =	vbroadcast v2, $0x8;
	v3 =	vand.u32 $0xFFFF0000, v3;
	v20 =	vld [tilespmem:s14+$0x10]  }
0x1c2: {  	v22 =	vbroadcast v2, $0x9;
	v23 =	vbroadcast v2, $0xA;
	v21 =	vshll.u32 v8, $0x10  }
0x1c3: {  	v24 =	vbroadcast v2, $0xB;
	v26 =	vbroadcast v2, $0xC;
	v8 =	vand.u32 $0xFFFF0000, v8;
	v25 =	vld [tilespmem:s14+$0x20]  }
0x1c4: {  	v27 =	vbroadcast v2, $0xD;
	v6 =	vmul.f32 v6, v7;
	v7 =	vshll.u32 v14, $0x10  }
0x1c5: {  	v5 =	vmul.f32 v5, v9;
	v9 =	vmul.f32 v10, v11;
	v10 =	vand.u32 $0xFFFF0000, v14  }
0x1c6: {  	v4 =	vmul.f32 v4, v12;
	v11 =	vmul.f32 v15, v13;
	v12 =	vshll.u32 v20, $0x10  }
0x1c7: {  	v3 =	vmul.f32 v3, v16;
	v14 =	vmul.f32 v21, v17;
	v15 =	vand.u32 $0xFFFF0000, v20;
	v13 =	vld [tilespmem:s14+$0x40]  }
0x1c8: {  	v8 =	vmul.f32 v8, v18;
	v7 =	vmul.f32 v7, v19;
	v16 =	vshll.u32 v25, $0x10;
	v17 =	vld [tilespmem:s14+$0x30]  }
0x1c9: {  	v10 =	vmul.f32 v10, v22;
	v12 =	vmul.f32 v12, v23;
	v18 =	vand.u32 $0xFFFF0000, v25  }
0x1ca: {  	v5 =	vadd.f32 v5, v6;
	v6 =	vmul.f32 v15, v24;
	v15 =	vmul.f32 v16, v26  }
0x1cb: {  	v4 =	vadd.f32 v4, v9;
	v3 =	vadd.f32 v3, v11;
	v9 =	vmul.f32 v18, v27  }
0x1cc: {  	v8 =	vadd.f32 v8, v14;
	v7 =	vadd.f32 v10, v7;
	v11 =	vshll.u32 v13, $0x10  }
0x1cd: {  	v6 =	vadd.f32 v6, v12;
	v9 =	vadd.f32 v9, v15;
	v10 =	vshll.u32 v17, $0x10  }
0x1ce: {  	v3 =	vadd.f32 v3, v4;
	v12 =	vbroadcast v2, $0xE;
	v5 =	vadd.f32 v11, v5  }
0x1cf: {  	v2 =	vbroadcast v2, $0xF;
	v4 =	vadd.f32 v7, v8;
	v6 =	vadd.f32 v9, v6  }
0x1d0: {  	v7 =	vmov s9;
	v8 =	vand.u32 $0xFFFF0000, v17;
	v9 =	vmul.f32 v10, v12  }
0x1d1: {  	v2 =	vmul.f32 v8, v2;
	v3 =	vadd.f32 v3, v5;
	v4 =	vadd.f32 v6, v4  }
0x1d2: {  	v5 =	vand.u32 $0xFF, v7  }
0x1d3: {  	v5 =	vadd.s32 v1, v5;
	v2 =	vadd.f32 v2, v9;
	v3 =	vadd.f32 v4, v3;
	_ =	sdelay $0x1  }
0x1d4: {  	v2 =	vadd.f32 v3, v2  }
0x1d5: {  	s13 =	sadd.s32 $0x10, s13  }
0x1d6: {  	[tilespmem:s13+$0x0] =	vst v2  }
0x1d7: {  	s14 =	sadd.s32 $0x90, s14;
	v2 =	vld.idx.msk [tilespmem:v5+s24+$0x0], $0xffff  }
.Ltmp5:
0x1d8: {  	v5 =	vld [tilespmem:s14+$0xFFFFFFC0];
	(pc) =	sbr.rel @p0 .LBB2_12-.Ltmp5, $3  }
0x1d9: {  	v4 =	vld [tilespmem:s14+$0xFFFFFFD0];
	_ =	sdelay $0x1  }
0x1da: {  	v3 =	vld [tilespmem:s14+$0xFFFFFFE0]  }
0x1db: {  	s9 =	sadd.s32 $0x1, s9  }
0x1dc: {  	v7 =	vbroadcast v2, $0x0  }
0x1dd: {  	v9 =	vbroadcast v2, $0x1;
	v11 =	vbroadcast v2, $0x2  }
0x1de: {  	v12 =	vbroadcast v2, $0x3;
	v13 =	vbroadcast v2, $0x4  }
0x1df: {  	v16 =	vbroadcast v2, $0x5;
	v17 =	vbroadcast v2, $0x6  }
0x1e0: {  	v18 =	vbroadcast v2, $0x7;
	v19 =	vbroadcast v2, $0x8  }
0x1e1: {  	v6 =	vshll.u32 v5, $0x10;
	v8 =	vld [tilespmem:s14+$0xFFFFFFF0];
	v22 =	vbroadcast v2, $0x9;
	v23 =	vbroadcast v2, $0xA  }
0x1e2: {  	v5 =	vand.u32 $0xFFFF0000, v5;
	v14 =	vld [tilespmem:s14+$0x0];
	v24 =	vbroadcast v2, $0xB;
	v26 =	vbroadcast v2, $0xC  }
0x1e3: {  	v20 =	vld [tilespmem:s14+$0x10];
	v27 =	vbroadcast v2, $0xD;
	v10 =	vshll.u32 v4, $0x10;
	v6 =	vmul.f32 v6, v7  }
0x1e4: {  	v4 =	vand.u32 $0xFFFF0000, v4;
	v5 =	vmul.f32 v5, v9;
	v45 =	vmul.f32 v10, v11  }
0x1e5: {  	v25 =	vld [tilespmem:s14+$0x20];
	v4 =	vmul.f32 v4, v12;
	v15 =	vshll.u32 v3, $0x10;
	v3 =	vand.u32 $0xFFFF0000, v3  }
0x1e6: {  	v47 =	vmul.f32 v15, v13;
	v3 =	vmul.f32 v3, v16;
	v5 =	vadd.f32 v5, v6  }
0x1e7: {  	v4 =	vadd.f32 v4, v45;
	v21 =	vshll.u32 v8, $0x10;
	v8 =	vand.u32 $0xFFFF0000, v8  }
0x1e8: {  	v7 =	vshll.u32 v14, $0x10;
	v46 =	vand.u32 $0xFFFF0000, v14;
	v48 =	vshll.u32 v20, $0x10  }
0x1e9: {  	v49 =	vld [tilespmem:s14+$0x40];
	v51 =	vand.u32 $0xFFFF0000, v20;
	v50 =	vmul.f32 v21, v17;
	v8 =	vmul.f32 v8, v18  }
0x1ea: {  	v52 =	vshll.u32 v25, $0x10;
	v7 =	vmul.f32 v7, v19;
	v10 =	vmul.f32 v46, v22  }
0x1eb: {  	v53 =	vld [tilespmem:s14+$0x30];
	v54 =	vand.u32 $0xFFFF0000, v25;
	v12 =	vmul.f32 v48, v23;
	v6 =	vmul.f32 v51, v24  }
0x1ec: {  	v55 =	vmul.f32 v52, v26;
	v3 =	vadd.f32 v3, v47;
	v56 =	vmul.f32 v54, v27  }
0x1ed: {  	v59 =	vbroadcast v2, $0xE;
	v8 =	vadd.f32 v8, v50;
	v7 =	vadd.f32 v10, v7  }
0x1ee: {  	v57 =	vshll.u32 v49, $0x10;
	v6 =	vadd.f32 v6, v12;
	v9 =	vadd.f32 v56, v55  }
0x1ef: {  	v2 =	vbroadcast v2, $0xF;
	v5 =	vadd.f32 v57, v5;
	v3 =	vadd.f32 v3, v4  }
0x1f0: {  	v58 =	vshll.u32 v53, $0x10;
	v4 =	vadd.f32 v7, v8;
	v6 =	vadd.f32 v9, v6  }
0x1f1: {  	v60 =	vmul.f32 v58, v59;
	v7 =	vand.u32 $0xFFFF0000, v53  }
0x1f2: {  	v3 =	vadd.f32 v3, v5;
	v2 =	vmul.f32 v7, v2;
	v4 =	vadd.f32 v6, v4;
	_ =	sdelay $0x1  }
0x1f3: {  	v2 =	vadd.f32 v2, v60;
	v3 =	vadd.f32 v4, v3;
	_ =	sdelay $0x1  }
0x1f4: {  	v2 =	vadd.f32 v3, v2  }
0x1f5: {  	s9 =	sadd.s32 $0x10, s13  }
0x1f6: {  	s14 =	simm.s32 $0x23F0;
	[tilespmem:s9+$0x0] =	vst v2  }
0x1f7: {  	[spmem:s2] =	stream.indirect.scatter.add.f32 [tilespmem:s21], [sflag:$0x4], $0x10, s14, s22, $0xb8;
	[tilespmem:$0x1EB90] =	vst v63  }
0x1f8: {  	_ =	swait.ge [sflag:s7], $0xC80  }
0x1f9: {  	[sflag:s7] =	ssyncset.done $0x0  }
0x1fa: {  	[sflag:s7] =	ssyncadd.s32 $0xFFFFF380  }
0x1fb: {  	_ =	swait.ge [sflag:s7], $0x7080  }
0x1fc: {  	[sflag:s7] =	ssyncset.done $0x0  }
0x1fd: {  	s15 =	simm.s32 $0x0;
	s16 =	rddreg [dreg:$0xc];
	[sflag:s7] =	ssyncadd.s32 $0xFFFF8F80  }
0x1fe: {  	v2 =	vmov s15;
	[tilespmem:s24], [sflag:$0x1] =	stream.strided.gather [hbm4b:s16+s22], $0xC80, s23, s22, $0x38;
	[tilespmem:$0x1EB90] =	vst v63  }
0x1ff: {  	s17 =	simm.s32 $0x12C0;
	v2 =	vand.u32 $0xFF, v2  }
0x200: {  	v2 =	vadd.s32 v1, v2;
	[tilespmem:s25], [sflag:$0x1] =	stream.indirect.gather [hbm4b:s5+s22], $0x90, s17, s22, $0xb8;
	[tilespmem:$0x1EB90] =	vst v63  }
0x201: {  	_ =	swait.ge [sflag:s8], $0xC80  }
0x202: {  	[sflag:s8] =	ssyncset.done $0x0  }
0x203: {  	s18 =	simm.s32 $0xBD50;
	[sflag:s8] =	ssyncadd.s32 $0xFFFFF380  }
0x204: {  	v3 =	vld [tilespmem:s18+$0xFFFFFFC0]  }
0x205: {  	v2 =	vld.idx.msk [tilespmem:v2+s26+$0x0], $0xffff  }
0x206: {  	v4 =	vld [tilespmem:s18+$0xFFFFFFD0];
	_ =	sdelay $0x1  }
0x207: {  	v5 =	vld [tilespmem:s18+$0xFFFFFFE0]  }
0x208: {  	v6 =	vshll.u32 v3, $0x10  }
0x209: {  	v61 =	vld [tilespmem:s18+$0xFFFFFFF0];
	v3 =	vand.u32 $0xFFFF0000, v3;
	v7 =	vbroadcast v2, $0x0;
	v62 =	vbroadcast v2, $0x1  }
0x20a: {  	v33 =	vld [tilespmem:s18+$0x0];
	v63 =	vshll.u32 v4, $0x10;
	v30 =	vbroadcast v2, $0x2;
	v31 =	vbroadcast v2, $0x3  }
0x20b: {  	v39 =	vld [tilespmem:s18+$0x10];
	v4 =	vand.u32 $0xFFFF0000, v4;
	v32 =	vbroadcast v2, $0x4;
	v35 =	vbroadcast v2, $0x5  }
0x20c: {  	v34 =	vshll.u32 v5, $0x10;
	v36 =	vbroadcast v2, $0x6;
	v37 =	vbroadcast v2, $0x7  }
0x20d: {  	v44 =	vld [tilespmem:s18+$0x20];
	v5 =	vand.u32 $0xFFFF0000, v5;
	v38 =	vbroadcast v2, $0x8;
	v41 =	vbroadcast v2, $0x9  }
0x20e: {  	v40 =	vshll.u32 v61, $0x10;
	v42 =	vbroadcast v2, $0xA;
	v43 =	vbroadcast v2, $0xB  }
0x20f: {  	v51 =	vld [tilespmem:s18+$0x40];
	v8 =	vand.u32 $0xFFFF0000, v61;
	v45 =	vbroadcast v2, $0xC;
	v46 =	vbroadcast v2, $0xD  }
0x210: {  	v48 =	vand.u32 $0xFFFF0000, v33;
	v50 =	vshll.u32 v39, $0x10;
	v6 =	vmul.f32 v6, v7  }
0x211: {  	v53 =	vand.u32 $0xFFFF0000, v39;
	v3 =	vmul.f32 v3, v62;
	v47 =	vmul.f32 v63, v30  }
0x212: {  	v54 =	vshll.u32 v44, $0x10;
	v4 =	vmul.f32 v4, v31;
	v49 =	vmul.f32 v34, v32  }
0x213: {  	v55 =	vld [tilespmem:s18+$0x30];
	v56 =	vand.u32 $0xFFFF0000, v44;
	v5 =	vmul.f32 v5, v35;
	v52 =	vmul.f32 v40, v36  }
0x214: {  	v59 =	vshll.u32 v51, $0x10;
	v8 =	vmul.f32 v8, v37;
	v10 =	vmul.f32 v48, v41  }
0x215: {  	v7 =	vshll.u32 v33, $0x10;
	v12 =	vmul.f32 v50, v42;
	v57 =	vmul.f32 v54, v45  }
0x216: {  	v58 =	vmul.f32 v56, v46;
	v7 =	vmul.f32 v7, v38;
	v3 =	vadd.f32 v3, v6  }
0x217: {  	v6 =	vmul.f32 v53, v43;
	v4 =	vadd.f32 v4, v47;
	v5 =	vadd.f32 v5, v49  }
0x218: {  	v60 =	vshll.u32 v55, $0x10;
	v8 =	vadd.f32 v8, v52;
	v9 =	vadd.f32 v58, v57  }
0x219: {  	v61 =	vbroadcast v2, $0xE;
	v7 =	vadd.f32 v10, v7;
	v6 =	vadd.f32 v6, v12  }
0x21a: {  	v2 =	vbroadcast v2, $0xF;
	v3 =	vadd.f32 v59, v3;
	v4 =	vadd.f32 v5, v4  }
0x21b: {  	v62 =	vand.u32 $0xFFFF0000, v55;
	v5 =	vadd.f32 v7, v8;
	v6 =	vadd.f32 v9, v6  }
0x21c: {  	s20 =	simm.s32 $0x1;
	v63 =	vmul.f32 v60, v61;
	v2 =	vmul.f32 v62, v2  }
0x21d: {  	v7 =	vmov s20;
	v3 =	vadd.f32 v4, v3;
	v4 =	vadd.f32 v6, v5  }
0x21e: {  	v5 =	vand.u32 $0xFF, v7  }
0x21f: {  	v2 =	vadd.f32 v2, v63;
	v5 =	vadd.s32 v1, v5;
	v3 =	vadd.f32 v4, v3;
	_ =	sdelay $0x1  }
0x220: {  	v2 =	vadd.f32 v3, v2  }
0x221: {  	s13 =	simm.s32 $0x1AA90  }
0x222: {  	[tilespmem:s13+$0x0] =	vst v2  }
0x223: {  	s14 =	simm.s32 $0xBDE0;
	v2 =	vld.idx.msk [tilespmem:v5+s26+$0x0], $0xffff  }
0x224: {  	v5 =	vld [tilespmem:s14+$0xFFFFFFC0]  }
0x225: {  	v4 =	vld [tilespmem:s14+$0xFFFFFFD0];
	_ =	sdelay $0x1  }
0x226: {  	v3 =	vld [tilespmem:s14+$0xFFFFFFE0]  }
0x227: {  	s9 =	simm.s32 $0x2;
	s15 =	rddreg [dreg:$0x5]  }
.LBB2_14:
0x228: {  	p0 =	sne.s32 s9, $0xC7;
	v6 =	vshll.u32 v5, $0x10;
	v5 =	vand.u32 $0xFFFF0000, v5;
	v7 =	vbroadcast v2, $0x0;
	v8 =	vld [tilespmem:s14+$0xFFFFFFF0]  }
0x229: {  	v9 =	vbroadcast v2, $0x1;
	v11 =	vbroadcast v2, $0x2;
	v10 =	vshll.u32 v4, $0x10  }
0x22a: {  	v12 =	vbroadcast v2, $0x3;
	v13 =	vbroadcast v2, $0x4;
	v4 =	vand.u32 $0xFFFF0000, v4;
	v14 =	vld [tilespmem:s14+$0x0]  }
0x22b: {  	v16 =	vbroadcast v2, $0x5;
	v17 =	vbroadcast v2, $0x6;
	v15 =	vshll.u32 v3, $0x10  }
0x22c: {  	v18 =	vbroadcast v2, $0x7;
	v19 =	vbroadcast v2, $0x8;
	v3 =	vand.u32 $0xFFFF0000, v3;
	v20 =	vld [tilespmem:s14+$0x10]  }
0x22d: {  	v22 =	vbroadcast v2, $0x9;
	v23 =	vbroadcast v2, $0xA;
	v21 =	vshll.u32 v8, $0x10  }
0x22e: {  	v24 =	vbroadcast v2, $0xB;
	v26 =	vbroadcast v2, $0xC;
	v8 =	vand.u32 $0xFFFF0000, v8;
	v25 =	vld [tilespmem:s14+$0x20]  }
0x22f: {  	v27 =	vbroadcast v2, $0xD;
	v6 =	vmul.f32 v6, v7;
	v7 =	vshll.u32 v14, $0x10  }
0x230: {  	v5 =	vmul.f32 v5, v9;
	v9 =	vmul.f32 v10, v11;
	v10 =	vand.u32 $0xFFFF0000, v14  }
0x231: {  	v4 =	vmul.f32 v4, v12;
	v11 =	vmul.f32 v15, v13;
	v12 =	vshll.u32 v20, $0x10  }
0x232: {  	v3 =	vmul.f32 v3, v16;
	v14 =	vmul.f32 v21, v17;
	v15 =	vand.u32 $0xFFFF0000, v20;
	v13 =	vld [tilespmem:s14+$0x40]  }
0x233: {  	v8 =	vmul.f32 v8, v18;
	v7 =	vmul.f32 v7, v19;
	v16 =	vshll.u32 v25, $0x10;
	v17 =	vld [tilespmem:s14+$0x30]  }
0x234: {  	v10 =	vmul.f32 v10, v22;
	v12 =	vmul.f32 v12, v23;
	v18 =	vand.u32 $0xFFFF0000, v25  }
0x235: {  	v5 =	vadd.f32 v5, v6;
	v6 =	vmul.f32 v15, v24;
	v15 =	vmul.f32 v16, v26  }
0x236: {  	v4 =	vadd.f32 v4, v9;
	v3 =	vadd.f32 v3, v11;
	v9 =	vmul.f32 v18, v27  }
0x237: {  	v8 =	vadd.f32 v8, v14;
	v7 =	vadd.f32 v10, v7;
	v11 =	vshll.u32 v13, $0x10  }
0x238: {  	v6 =	vadd.f32 v6, v12;
	v9 =	vadd.f32 v9, v15;
	v10 =	vshll.u32 v17, $0x10  }
0x239: {  	v3 =	vadd.f32 v3, v4;
	v12 =	vbroadcast v2, $0xE;
	v5 =	vadd.f32 v11, v5  }
0x23a: {  	v2 =	vbroadcast v2, $0xF;
	v4 =	vadd.f32 v7, v8;
	v6 =	vadd.f32 v9, v6  }
0x23b: {  	v7 =	vmov s9;
	v8 =	vand.u32 $0xFFFF0000, v17;
	v9 =	vmul.f32 v10, v12  }
0x23c: {  	v2 =	vmul.f32 v8, v2;
	v3 =	vadd.f32 v3, v5;
	v4 =	vadd.f32 v6, v4  }
0x23d: {  	v5 =	vand.u32 $0xFF, v7  }
0x23e: {  	v5 =	vadd.s32 v1, v5;
	v2 =	vadd.f32 v2, v9;
	v3 =	vadd.f32 v4, v3;
	_ =	sdelay $0x1  }
0x23f: {  	v2 =	vadd.f32 v3, v2  }
0x240: {  	s13 =	sadd.s32 $0x10, s13  }
0x241: {  	[tilespmem:s13+$0x0] =	vst v2  }
0x242: {  	s14 =	sadd.s32 $0x90, s14;
	v2 =	vld.idx.msk [tilespmem:v5+s26+$0x0], $0xffff  }
.Ltmp6:
0x243: {  	v5 =	vld [tilespmem:s14+$0xFFFFFFC0];
	(pc) =	sbr.rel @p0 .LBB2_14-.Ltmp6, $3  }
0x244: {  	v4 =	vld [tilespmem:s14+$0xFFFFFFD0];
	_ =	sdelay $0x1  }
0x245: {  	v3 =	vld [tilespmem:s14+$0xFFFFFFE0]  }
0x246: {  	s9 =	sadd.s32 $0x1, s9  }
0x247: {  	v7 =	vbroadcast v2, $0x0  }
0x248: {  	v9 =	vbroadcast v2, $0x1;
	v11 =	vbroadcast v2, $0x2  }
0x249: {  	v12 =	vbroadcast v2, $0x3;
	v13 =	vbroadcast v2, $0x4  }
0x24a: {  	v16 =	vbroadcast v2, $0x5;
	v17 =	vbroadcast v2, $0x6  }
0x24b: {  	v18 =	vbroadcast v2, $0x7;
	v19 =	vbroadcast v2, $0x8  }
0x24c: {  	v6 =	vshll.u32 v5, $0x10;
	v8 =	vld [tilespmem:s14+$0xFFFFFFF0];
	v22 =	vbroadcast v2, $0x9;
	v23 =	vbroadcast v2, $0xA  }
0x24d: {  	v5 =	vand.u32 $0xFFFF0000, v5;
	v14 =	vld [tilespmem:s14+$0x0];
	v24 =	vbroadcast v2, $0xB;
	v26 =	vbroadcast v2, $0xC  }
0x24e: {  	v20 =	vld [tilespmem:s14+$0x10];
	v27 =	vbroadcast v2, $0xD;
	v10 =	vshll.u32 v4, $0x10;
	v6 =	vmul.f32 v6, v7  }
0x24f: {  	v4 =	vand.u32 $0xFFFF0000, v4;
	v5 =	vmul.f32 v5, v9;
	v45 =	vmul.f32 v10, v11  }
0x250: {  	v25 =	vld [tilespmem:s14+$0x20];
	v4 =	vmul.f32 v4, v12;
	v15 =	vshll.u32 v3, $0x10;
	v3 =	vand.u32 $0xFFFF0000, v3  }
0x251: {  	v47 =	vmul.f32 v15, v13;
	v3 =	vmul.f32 v3, v16;
	v5 =	vadd.f32 v5, v6  }
0x252: {  	v4 =	vadd.f32 v4, v45;
	v21 =	vshll.u32 v8, $0x10;
	v8 =	vand.u32 $0xFFFF0000, v8  }
0x253: {  	v7 =	vshll.u32 v14, $0x10;
	v46 =	vand.u32 $0xFFFF0000, v14;
	v48 =	vshll.u32 v20, $0x10  }
0x254: {  	v49 =	vld [tilespmem:s14+$0x40];
	v51 =	vand.u32 $0xFFFF0000, v20;
	v50 =	vmul.f32 v21, v17;
	v8 =	vmul.f32 v8, v18  }
0x255: {  	v52 =	vshll.u32 v25, $0x10;
	v7 =	vmul.f32 v7, v19;
	v10 =	vmul.f32 v46, v22  }
0x256: {  	v53 =	vld [tilespmem:s14+$0x30];
	v54 =	vand.u32 $0xFFFF0000, v25;
	v12 =	vmul.f32 v48, v23;
	v6 =	vmul.f32 v51, v24  }
0x257: {  	v55 =	vmul.f32 v52, v26;
	v3 =	vadd.f32 v3, v47;
	v56 =	vmul.f32 v54, v27  }
0x258: {  	v59 =	vbroadcast v2, $0xE;
	v8 =	vadd.f32 v8, v50;
	v7 =	vadd.f32 v10, v7  }
0x259: {  	v57 =	vshll.u32 v49, $0x10;
	v6 =	vadd.f32 v6, v12;
	v9 =	vadd.f32 v56, v55  }
0x25a: {  	v2 =	vbroadcast v2, $0xF;
	v5 =	vadd.f32 v57, v5;
	v3 =	vadd.f32 v3, v4  }
0x25b: {  	v58 =	vshll.u32 v53, $0x10;
	v4 =	vadd.f32 v7, v8;
	v6 =	vadd.f32 v9, v6  }
0x25c: {  	v60 =	vmul.f32 v58, v59;
	v7 =	vand.u32 $0xFFFF0000, v53  }
0x25d: {  	v3 =	vadd.f32 v3, v5;
	v2 =	vmul.f32 v7, v2;
	v4 =	vadd.f32 v6, v4;
	_ =	sdelay $0x1  }
0x25e: {  	v2 =	vadd.f32 v2, v60;
	v3 =	vadd.f32 v4, v3;
	_ =	sdelay $0x1  }
0x25f: {  	v2 =	vadd.f32 v3, v2  }
0x260: {  	s9 =	sadd.s32 $0x10, s13  }
0x261: {  	s16 =	simm.s32 $0x24B8;
	[tilespmem:s9+$0x0] =	vst v2  }
0x262: {  	[spmem:s2] =	stream.indirect.scatter.add.f32 [tilespmem:s29], [sflag:$0x5], $0x10, s16, s22, $0xb8;
	[tilespmem:$0x1EB90] =	vst v63  }
0x263: {  	_ =	swait.ge [sflag:s10], $0xC80  }
0x264: {  	[sflag:s10] =	ssyncset.done $0x0  }
0x265: {  	s17 =	simm.s32 $0x0;
	[sflag:s10] =	ssyncadd.s32 $0xFFFFF380  }
0x266: {  	v2 =	vmov s17;
	_ =	swait.ge [sflag:s10], $0x7080  }
0x267: {  	v2 =	vand.u32 $0xFF, v2;
	[sflag:s10] =	ssyncset.done $0x0  }
0x268: {  	v2 =	vadd.s32 v1, v2;
	[sflag:s10] =	ssyncadd.s32 $0xFFFF8F80  }
0x269: {  	_ =	swait.ge [sflag:s11], $0xC80  }
0x26a: {  	[sflag:s11] =	ssyncset.done $0x0  }
0x26b: {  	s18 =	simm.s32 $0x12DD0;
	[sflag:s11] =	ssyncadd.s32 $0xFFFFF380  }
0x26c: {  	v3 =	vld [tilespmem:s18+$0xFFFFFFC0]  }
0x26d: {  	v2 =	vld.idx.msk [tilespmem:v2+s1+$0x0], $0xffff  }
0x26e: {  	v4 =	vld [tilespmem:s18+$0xFFFFFFD0];
	_ =	sdelay $0x1  }
0x26f: {  	v5 =	vld [tilespmem:s18+$0xFFFFFFE0]  }
0x270: {  	v6 =	vshll.u32 v3, $0x10  }
0x271: {  	v61 =	vld [tilespmem:s18+$0xFFFFFFF0];
	v3 =	vand.u32 $0xFFFF0000, v3;
	v7 =	vbroadcast v2, $0x0;
	v62 =	vbroadcast v2, $0x1  }
0x272: {  	v33 =	vld [tilespmem:s18+$0x0];
	v63 =	vshll.u32 v4, $0x10;
	v30 =	vbroadcast v2, $0x2;
	v31 =	vbroadcast v2, $0x3  }
0x273: {  	v39 =	vld [tilespmem:s18+$0x10];
	v4 =	vand.u32 $0xFFFF0000, v4;
	v32 =	vbroadcast v2, $0x4;
	v35 =	vbroadcast v2, $0x5  }
0x274: {  	v34 =	vshll.u32 v5, $0x10;
	v36 =	vbroadcast v2, $0x6;
	v37 =	vbroadcast v2, $0x7  }
0x275: {  	v44 =	vld [tilespmem:s18+$0x20];
	v5 =	vand.u32 $0xFFFF0000, v5;
	v38 =	vbroadcast v2, $0x8;
	v41 =	vbroadcast v2, $0x9  }
0x276: {  	v40 =	vshll.u32 v61, $0x10;
	v42 =	vbroadcast v2, $0xA;
	v43 =	vbroadcast v2, $0xB  }
0x277: {  	v51 =	vld [tilespmem:s18+$0x40];
	v8 =	vand.u32 $0xFFFF0000, v61;
	v45 =	vbroadcast v2, $0xC;
	v46 =	vbroadcast v2, $0xD  }
0x278: {  	v48 =	vand.u32 $0xFFFF0000, v33;
	v50 =	vshll.u32 v39, $0x10;
	v6 =	vmul.f32 v6, v7  }
0x279: {  	v53 =	vand.u32 $0xFFFF0000, v39;
	v3 =	vmul.f32 v3, v62;
	v47 =	vmul.f32 v63, v30  }
0x27a: {  	v54 =	vshll.u32 v44, $0x10;
	v4 =	vmul.f32 v4, v31;
	v49 =	vmul.f32 v34, v32  }
0x27b: {  	v55 =	vld [tilespmem:s18+$0x30];
	v56 =	vand.u32 $0xFFFF0000, v44;
	v5 =	vmul.f32 v5, v35;
	v52 =	vmul.f32 v40, v36  }
0x27c: {  	v59 =	vshll.u32 v51, $0x10;
	v8 =	vmul.f32 v8, v37;
	v10 =	vmul.f32 v48, v41  }
0x27d: {  	v7 =	vshll.u32 v33, $0x10;
	v12 =	vmul.f32 v50, v42;
	v57 =	vmul.f32 v54, v45  }
0x27e: {  	v58 =	vmul.f32 v56, v46;
	v7 =	vmul.f32 v7, v38;
	v3 =	vadd.f32 v3, v6  }
0x27f: {  	v6 =	vmul.f32 v53, v43;
	v4 =	vadd.f32 v4, v47;
	v5 =	vadd.f32 v5, v49  }
0x280: {  	v60 =	vshll.u32 v55, $0x10;
	v8 =	vadd.f32 v8, v52;
	v9 =	vadd.f32 v58, v57  }
0x281: {  	v61 =	vbroadcast v2, $0xE;
	v7 =	vadd.f32 v10, v7;
	v6 =	vadd.f32 v6, v12  }
0x282: {  	v2 =	vbroadcast v2, $0xF;
	v3 =	vadd.f32 v59, v3;
	v4 =	vadd.f32 v5, v4  }
0x283: {  	v62 =	vand.u32 $0xFFFF0000, v55;
	v5 =	vadd.f32 v7, v8;
	v6 =	vadd.f32 v9, v6  }
0x284: {  	s20 =	simm.s32 $0x1;
	v63 =	vmul.f32 v60, v61;
	v2 =	vmul.f32 v62, v2  }
0x285: {  	v7 =	vmov s20;
	v3 =	vadd.f32 v4, v3;
	v4 =	vadd.f32 v6, v5  }
0x286: {  	v5 =	vand.u32 $0xFF, v7  }
0x287: {  	v2 =	vadd.f32 v2, v63;
	v5 =	vadd.s32 v1, v5;
	v3 =	vadd.f32 v4, v3;
	_ =	sdelay $0x1  }
0x288: {  	v2 =	vadd.f32 v3, v2  }
0x289: {  	s13 =	simm.s32 $0x1B710  }
0x28a: {  	[tilespmem:s13+$0x0] =	vst v2  }
0x28b: {  	s14 =	simm.s32 $0x12E60;
	v2 =	vld.idx.msk [tilespmem:v5+s1+$0x0], $0xffff  }
0x28c: {  	v5 =	vld [tilespmem:s14+$0xFFFFFFC0]  }
0x28d: {  	v4 =	vld [tilespmem:s14+$0xFFFFFFD0];
	_ =	sdelay $0x1  }
0x28e: {  	v3 =	vld [tilespmem:s14+$0xFFFFFFE0]  }
0x28f: {  	s9 =	simm.s32 $0x2  }
.LBB2_16:
0x290: {  	p0 =	sne.s32 s9, $0xC7;
	v6 =	vshll.u32 v5, $0x10;
	v5 =	vand.u32 $0xFFFF0000, v5;
	v7 =	vbroadcast v2, $0x0;
	v8 =	vld [tilespmem:s14+$0xFFFFFFF0]  }
0x291: {  	v9 =	vbroadcast v2, $0x1;
	v11 =	vbroadcast v2, $0x2;
	v10 =	vshll.u32 v4, $0x10  }
0x292: {  	v12 =	vbroadcast v2, $0x3;
	v13 =	vbroadcast v2, $0x4;
	v4 =	vand.u32 $0xFFFF0000, v4;
	v14 =	vld [tilespmem:s14+$0x0]  }
0x293: {  	v16 =	vbroadcast v2, $0x5;
	v17 =	vbroadcast v2, $0x6;
	v15 =	vshll.u32 v3, $0x10  }
0x294: {  	v18 =	vbroadcast v2, $0x7;
	v19 =	vbroadcast v2, $0x8;
	v3 =	vand.u32 $0xFFFF0000, v3;
	v20 =	vld [tilespmem:s14+$0x10]  }
0x295: {  	v22 =	vbroadcast v2, $0x9;
	v23 =	vbroadcast v2, $0xA;
	v21 =	vshll.u32 v8, $0x10  }
0x296: {  	v24 =	vbroadcast v2, $0xB;
	v26 =	vbroadcast v2, $0xC;
	v8 =	vand.u32 $0xFFFF0000, v8;
	v25 =	vld [tilespmem:s14+$0x20]  }
0x297: {  	v27 =	vbroadcast v2, $0xD;
	v6 =	vmul.f32 v6, v7;
	v7 =	vshll.u32 v14, $0x10  }
0x298: {  	v5 =	vmul.f32 v5, v9;
	v9 =	vmul.f32 v10, v11;
	v10 =	vand.u32 $0xFFFF0000, v14  }
0x299: {  	v4 =	vmul.f32 v4, v12;
	v11 =	vmul.f32 v15, v13;
	v12 =	vshll.u32 v20, $0x10  }
0x29a: {  	v3 =	vmul.f32 v3, v16;
	v14 =	vmul.f32 v21, v17;
	v15 =	vand.u32 $0xFFFF0000, v20;
	v13 =	vld [tilespmem:s14+$0x40]  }
0x29b: {  	v8 =	vmul.f32 v8, v18;
	v7 =	vmul.f32 v7, v19;
	v16 =	vshll.u32 v25, $0x10;
	v17 =	vld [tilespmem:s14+$0x30]  }
0x29c: {  	v10 =	vmul.f32 v10, v22;
	v12 =	vmul.f32 v12, v23;
	v18 =	vand.u32 $0xFFFF0000, v25  }
0x29d: {  	v5 =	vadd.f32 v5, v6;
	v6 =	vmul.f32 v15, v24;
	v15 =	vmul.f32 v16, v26  }
0x29e: {  	v4 =	vadd.f32 v4, v9;
	v3 =	vadd.f32 v3, v11;
	v9 =	vmul.f32 v18, v27  }
0x29f: {  	v8 =	vadd.f32 v8, v14;
	v7 =	vadd.f32 v10, v7;
	v11 =	vshll.u32 v13, $0x10  }
0x2a0: {  	v6 =	vadd.f32 v6, v12;
	v9 =	vadd.f32 v9, v15;
	v10 =	vshll.u32 v17, $0x10  }
0x2a1: {  	v3 =	vadd.f32 v3, v4;
	v12 =	vbroadcast v2, $0xE;
	v5 =	vadd.f32 v11, v5  }
0x2a2: {  	v2 =	vbroadcast v2, $0xF;
	v4 =	vadd.f32 v7, v8;
	v6 =	vadd.f32 v9, v6  }
0x2a3: {  	v7 =	vmov s9;
	v8 =	vand.u32 $0xFFFF0000, v17;
	v9 =	vmul.f32 v10, v12  }
0x2a4: {  	v2 =	vmul.f32 v8, v2;
	v3 =	vadd.f32 v3, v5;
	v4 =	vadd.f32 v6, v4  }
0x2a5: {  	v5 =	vand.u32 $0xFF, v7  }
0x2a6: {  	v5 =	vadd.s32 v1, v5;
	v2 =	vadd.f32 v2, v9;
	v3 =	vadd.f32 v4, v3;
	_ =	sdelay $0x1  }
0x2a7: {  	v2 =	vadd.f32 v3, v2  }
0x2a8: {  	s13 =	sadd.s32 $0x10, s13  }
0x2a9: {  	[tilespmem:s13+$0x0] =	vst v2  }
0x2aa: {  	s14 =	sadd.s32 $0x90, s14;
	v2 =	vld.idx.msk [tilespmem:v5+s1+$0x0], $0xffff  }
.Ltmp7:
0x2ab: {  	v5 =	vld [tilespmem:s14+$0xFFFFFFC0];
	(pc) =	sbr.rel @p0 .LBB2_16-.Ltmp7, $3  }
0x2ac: {  	v4 =	vld [tilespmem:s14+$0xFFFFFFD0];
	_ =	sdelay $0x1  }
0x2ad: {  	v3 =	vld [tilespmem:s14+$0xFFFFFFE0]  }
0x2ae: {  	s9 =	sadd.s32 $0x1, s9  }
0x2af: {  	v7 =	vbroadcast v2, $0x0  }
0x2b0: {  	v9 =	vbroadcast v2, $0x1;
	v11 =	vbroadcast v2, $0x2  }
0x2b1: {  	v12 =	vbroadcast v2, $0x3;
	v13 =	vbroadcast v2, $0x4  }
0x2b2: {  	v16 =	vbroadcast v2, $0x5;
	v17 =	vbroadcast v2, $0x6  }
0x2b3: {  	v18 =	vbroadcast v2, $0x7;
	v19 =	vbroadcast v2, $0x8  }
0x2b4: {  	v6 =	vshll.u32 v5, $0x10;
	v8 =	vld [tilespmem:s14+$0xFFFFFFF0];
	v22 =	vbroadcast v2, $0x9;
	v23 =	vbroadcast v2, $0xA  }
0x2b5: {  	v5 =	vand.u32 $0xFFFF0000, v5;
	v14 =	vld [tilespmem:s14+$0x0];
	v24 =	vbroadcast v2, $0xB;
	v26 =	vbroadcast v2, $0xC  }
0x2b6: {  	v20 =	vld [tilespmem:s14+$0x10];
	v27 =	vbroadcast v2, $0xD;
	v10 =	vshll.u32 v4, $0x10;
	v6 =	vmul.f32 v6, v7  }
0x2b7: {  	v4 =	vand.u32 $0xFFFF0000, v4;
	v5 =	vmul.f32 v5, v9;
	v45 =	vmul.f32 v10, v11  }
0x2b8: {  	v25 =	vld [tilespmem:s14+$0x20];
	v4 =	vmul.f32 v4, v12;
	v15 =	vshll.u32 v3, $0x10;
	v3 =	vand.u32 $0xFFFF0000, v3  }
0x2b9: {  	v47 =	vmul.f32 v15, v13;
	v3 =	vmul.f32 v3, v16;
	v5 =	vadd.f32 v5, v6  }
0x2ba: {  	v4 =	vadd.f32 v4, v45;
	v21 =	vshll.u32 v8, $0x10;
	v8 =	vand.u32 $0xFFFF0000, v8  }
0x2bb: {  	v7 =	vshll.u32 v14, $0x10;
	v46 =	vand.u32 $0xFFFF0000, v14;
	v48 =	vshll.u32 v20, $0x10  }
0x2bc: {  	v49 =	vld [tilespmem:s14+$0x40];
	v51 =	vand.u32 $0xFFFF0000, v20;
	v50 =	vmul.f32 v21, v17;
	v8 =	vmul.f32 v8, v18  }
0x2bd: {  	v52 =	vshll.u32 v25, $0x10;
	v7 =	vmul.f32 v7, v19;
	v10 =	vmul.f32 v46, v22  }
0x2be: {  	v53 =	vld [tilespmem:s14+$0x30];
	v54 =	vand.u32 $0xFFFF0000, v25;
	v12 =	vmul.f32 v48, v23;
	v6 =	vmul.f32 v51, v24  }
0x2bf: {  	v55 =	vmul.f32 v52, v26;
	v3 =	vadd.f32 v3, v47;
	v56 =	vmul.f32 v54, v27  }
0x2c0: {  	v59 =	vbroadcast v2, $0xE;
	v8 =	vadd.f32 v8, v50;
	v7 =	vadd.f32 v10, v7  }
0x2c1: {  	v57 =	vshll.u32 v49, $0x10;
	v6 =	vadd.f32 v6, v12;
	v9 =	vadd.f32 v56, v55  }
0x2c2: {  	v2 =	vbroadcast v2, $0xF;
	v5 =	vadd.f32 v57, v5;
	v3 =	vadd.f32 v3, v4  }
0x2c3: {  	v58 =	vshll.u32 v53, $0x10;
	v4 =	vadd.f32 v7, v8;
	v6 =	vadd.f32 v9, v6  }
0x2c4: {  	v60 =	vmul.f32 v58, v59;
	v7 =	vand.u32 $0xFFFF0000, v53  }
0x2c5: {  	v3 =	vadd.f32 v3, v5;
	v2 =	vmul.f32 v7, v2;
	v4 =	vadd.f32 v6, v4;
	_ =	sdelay $0x1  }
0x2c6: {  	v2 =	vadd.f32 v2, v60;
	v3 =	vadd.f32 v4, v3;
	_ =	sdelay $0x1  }
0x2c7: {  	v2 =	vadd.f32 v3, v2  }
0x2c8: {  	s9 =	sadd.s32 $0x10, s13  }
0x2c9: {  	s16 =	simm.s32 $0x2580;
	[tilespmem:s9+$0x0] =	vst v2  }
0x2ca: {  	[spmem:s2] =	stream.indirect.scatter.add.f32 [tilespmem:s30], [sflag:$0x6], $0x10, s16, s22, $0xb8;
	[tilespmem:$0x1EB90] =	vst v63  }
0x2cb: {  	_ =	swait.ge [sflag:s31], $0xC80  }
0x2cc: {  	[sflag:s31] =	ssyncset.done $0x0  }
0x2cd: {  	s17 =	simm.s32 $0x0;
	[sflag:s31] =	ssyncadd.s32 $0xFFFFF380  }
0x2ce: {  	v2 =	vmov s17;
	_ =	swait.ge [sflag:s31], $0x7080  }
0x2cf: {  	v2 =	vand.u32 $0xFF, v2;
	[sflag:s31] =	ssyncset.done $0x0  }
0x2d0: {  	v2 =	vadd.s32 v1, v2;
	[sflag:s31] =	ssyncadd.s32 $0xFFFF8F80  }
0x2d1: {  	_ =	swait.ge [sflag:s4], $0xC80  }
0x2d2: {  	[sflag:s4] =	ssyncset.done $0x0  }
0x2d3: {  	s18 =	simm.s32 $0x4CD0;
	[sflag:s4] =	ssyncadd.s32 $0xFFFFF380  }
0x2d4: {  	v3 =	vld [tilespmem:s18+$0xFFFFFFC0]  }
0x2d5: {  	v2 =	vld.idx.msk [tilespmem:v2+s24+$0x0], $0xffff  }
0x2d6: {  	v4 =	vld [tilespmem:s18+$0xFFFFFFD0];
	_ =	sdelay $0x1  }
0x2d7: {  	v5 =	vld [tilespmem:s18+$0xFFFFFFE0]  }
0x2d8: {  	v6 =	vshll.u32 v3, $0x10  }
0x2d9: {  	v61 =	vld [tilespmem:s18+$0xFFFFFFF0];
	v3 =	vand.u32 $0xFFFF0000, v3;
	v7 =	vbroadcast v2, $0x0;
	v62 =	vbroadcast v2, $0x1  }
0x2da: {  	v33 =	vld [tilespmem:s18+$0x0];
	v63 =	vshll.u32 v4, $0x10;
	v30 =	vbroadcast v2, $0x2;
	v31 =	vbroadcast v2, $0x3  }
0x2db: {  	v39 =	vld [tilespmem:s18+$0x10];
	v4 =	vand.u32 $0xFFFF0000, v4;
	v32 =	vbroadcast v2, $0x4;
	v35 =	vbroadcast v2, $0x5  }
0x2dc: {  	v34 =	vshll.u32 v5, $0x10;
	v36 =	vbroadcast v2, $0x6;
	v37 =	vbroadcast v2, $0x7  }
0x2dd: {  	v44 =	vld [tilespmem:s18+$0x20];
	v5 =	vand.u32 $0xFFFF0000, v5;
	v38 =	vbroadcast v2, $0x8;
	v41 =	vbroadcast v2, $0x9  }
0x2de: {  	v40 =	vshll.u32 v61, $0x10;
	v42 =	vbroadcast v2, $0xA;
	v43 =	vbroadcast v2, $0xB  }
0x2df: {  	v51 =	vld [tilespmem:s18+$0x40];
	v8 =	vand.u32 $0xFFFF0000, v61;
	v45 =	vbroadcast v2, $0xC;
	v46 =	vbroadcast v2, $0xD  }
0x2e0: {  	v48 =	vand.u32 $0xFFFF0000, v33;
	v50 =	vshll.u32 v39, $0x10;
	v6 =	vmul.f32 v6, v7  }
0x2e1: {  	v53 =	vand.u32 $0xFFFF0000, v39;
	v3 =	vmul.f32 v3, v62;
	v47 =	vmul.f32 v63, v30  }
0x2e2: {  	v54 =	vshll.u32 v44, $0x10;
	v4 =	vmul.f32 v4, v31;
	v49 =	vmul.f32 v34, v32  }
0x2e3: {  	v55 =	vld [tilespmem:s18+$0x30];
	v56 =	vand.u32 $0xFFFF0000, v44;
	v5 =	vmul.f32 v5, v35;
	v52 =	vmul.f32 v40, v36  }
0x2e4: {  	v59 =	vshll.u32 v51, $0x10;
	v8 =	vmul.f32 v8, v37;
	v10 =	vmul.f32 v48, v41  }
0x2e5: {  	v7 =	vshll.u32 v33, $0x10;
	v12 =	vmul.f32 v50, v42;
	v57 =	vmul.f32 v54, v45  }
0x2e6: {  	v58 =	vmul.f32 v56, v46;
	v7 =	vmul.f32 v7, v38;
	v3 =	vadd.f32 v3, v6  }
0x2e7: {  	v6 =	vmul.f32 v53, v43;
	v4 =	vadd.f32 v4, v47;
	v5 =	vadd.f32 v5, v49  }
0x2e8: {  	v60 =	vshll.u32 v55, $0x10;
	v8 =	vadd.f32 v8, v52;
	v9 =	vadd.f32 v58, v57  }
0x2e9: {  	v61 =	vbroadcast v2, $0xE;
	v7 =	vadd.f32 v10, v7;
	v6 =	vadd.f32 v6, v12  }
0x2ea: {  	v2 =	vbroadcast v2, $0xF;
	v3 =	vadd.f32 v59, v3;
	v4 =	vadd.f32 v5, v4  }
0x2eb: {  	v62 =	vand.u32 $0xFFFF0000, v55;
	v5 =	vadd.f32 v7, v8;
	v6 =	vadd.f32 v9, v6  }
0x2ec: {  	s20 =	simm.s32 $0x1;
	v63 =	vmul.f32 v60, v61;
	v2 =	vmul.f32 v62, v2  }
0x2ed: {  	v7 =	vmov s20;
	v3 =	vadd.f32 v4, v3;
	v4 =	vadd.f32 v6, v5  }
0x2ee: {  	v5 =	vand.u32 $0xFF, v7  }
0x2ef: {  	v2 =	vadd.f32 v2, v63;
	v5 =	vadd.s32 v1, v5;
	v3 =	vadd.f32 v4, v3;
	_ =	sdelay $0x1  }
0x2f0: {  	v2 =	vadd.f32 v3, v2  }
0x2f1: {  	s13 =	simm.s32 $0x19E10  }
0x2f2: {  	[tilespmem:s13+$0x0] =	vst v2  }
0x2f3: {  	s14 =	simm.s32 $0x4D60;
	v2 =	vld.idx.msk [tilespmem:v5+s24+$0x0], $0xffff  }
0x2f4: {  	v5 =	vld [tilespmem:s14+$0xFFFFFFC0]  }
0x2f5: {  	v4 =	vld [tilespmem:s14+$0xFFFFFFD0];
	_ =	sdelay $0x1  }
0x2f6: {  	v3 =	vld [tilespmem:s14+$0xFFFFFFE0]  }
0x2f7: {  	s9 =	simm.s32 $0x2;
	s16 =	simm.s32 $0x1388  }
.LBB2_18:
0x2f8: {  	p0 =	sne.s32 s9, $0xC7;
	v6 =	vshll.u32 v5, $0x10;
	v5 =	vand.u32 $0xFFFF0000, v5;
	v7 =	vbroadcast v2, $0x0;
	v8 =	vld [tilespmem:s14+$0xFFFFFFF0]  }
0x2f9: {  	v9 =	vbroadcast v2, $0x1;
	v11 =	vbroadcast v2, $0x2;
	v10 =	vshll.u32 v4, $0x10  }
0x2fa: {  	v12 =	vbroadcast v2, $0x3;
	v13 =	vbroadcast v2, $0x4;
	v4 =	vand.u32 $0xFFFF0000, v4;
	v14 =	vld [tilespmem:s14+$0x0]  }
0x2fb: {  	v16 =	vbroadcast v2, $0x5;
	v17 =	vbroadcast v2, $0x6;
	v15 =	vshll.u32 v3, $0x10  }
0x2fc: {  	v18 =	vbroadcast v2, $0x7;
	v19 =	vbroadcast v2, $0x8;
	v3 =	vand.u32 $0xFFFF0000, v3;
	v20 =	vld [tilespmem:s14+$0x10]  }
0x2fd: {  	v22 =	vbroadcast v2, $0x9;
	v23 =	vbroadcast v2, $0xA;
	v21 =	vshll.u32 v8, $0x10  }
0x2fe: {  	v24 =	vbroadcast v2, $0xB;
	v26 =	vbroadcast v2, $0xC;
	v8 =	vand.u32 $0xFFFF0000, v8;
	v25 =	vld [tilespmem:s14+$0x20]  }
0x2ff: {  	v27 =	vbroadcast v2, $0xD;
	v6 =	vmul.f32 v6, v7;
	v7 =	vshll.u32 v14, $0x10  }
0x300: {  	v5 =	vmul.f32 v5, v9;
	v9 =	vmul.f32 v10, v11;
	v10 =	vand.u32 $0xFFFF0000, v14  }
0x301: {  	v4 =	vmul.f32 v4, v12;
	v11 =	vmul.f32 v15, v13;
	v12 =	vshll.u32 v20, $0x10  }
0x302: {  	v3 =	vmul.f32 v3, v16;
	v14 =	vmul.f32 v21, v17;
	v15 =	vand.u32 $0xFFFF0000, v20;
	v13 =	vld [tilespmem:s14+$0x40]  }
0x303: {  	v8 =	vmul.f32 v8, v18;
	v7 =	vmul.f32 v7, v19;
	v16 =	vshll.u32 v25, $0x10;
	v17 =	vld [tilespmem:s14+$0x30]  }
0x304: {  	v10 =	vmul.f32 v10, v22;
	v12 =	vmul.f32 v12, v23;
	v18 =	vand.u32 $0xFFFF0000, v25  }
0x305: {  	v5 =	vadd.f32 v5, v6;
	v6 =	vmul.f32 v15, v24;
	v15 =	vmul.f32 v16, v26  }
0x306: {  	v4 =	vadd.f32 v4, v9;
	v3 =	vadd.f32 v3, v11;
	v9 =	vmul.f32 v18, v27  }
0x307: {  	v8 =	vadd.f32 v8, v14;
	v7 =	vadd.f32 v10, v7;
	v11 =	vshll.u32 v13, $0x10  }
0x308: {  	v6 =	vadd.f32 v6, v12;
	v9 =	vadd.f32 v9, v15;
	v10 =	vshll.u32 v17, $0x10  }
0x309: {  	v3 =	vadd.f32 v3, v4;
	v12 =	vbroadcast v2, $0xE;
	v5 =	vadd.f32 v11, v5  }
0x30a: {  	v2 =	vbroadcast v2, $0xF;
	v4 =	vadd.f32 v7, v8;
	v6 =	vadd.f32 v9, v6  }
0x30b: {  	v7 =	vmov s9;
	v8 =	vand.u32 $0xFFFF0000, v17;
	v9 =	vmul.f32 v10, v12  }
0x30c: {  	v2 =	vmul.f32 v8, v2;
	v3 =	vadd.f32 v3, v5;
	v4 =	vadd.f32 v6, v4  }
0x30d: {  	v5 =	vand.u32 $0xFF, v7  }
0x30e: {  	v5 =	vadd.s32 v1, v5;
	v2 =	vadd.f32 v2, v9;
	v3 =	vadd.f32 v4, v3;
	_ =	sdelay $0x1  }
0x30f: {  	v2 =	vadd.f32 v3, v2  }
0x310: {  	s13 =	sadd.s32 $0x10, s13  }
0x311: {  	[tilespmem:s13+$0x0] =	vst v2  }
0x312: {  	s14 =	sadd.s32 $0x90, s14;
	v2 =	vld.idx.msk [tilespmem:v5+s24+$0x0], $0xffff  }
.Ltmp8:
0x313: {  	v5 =	vld [tilespmem:s14+$0xFFFFFFC0];
	(pc) =	sbr.rel @p0 .LBB2_18-.Ltmp8, $3  }
0x314: {  	v4 =	vld [tilespmem:s14+$0xFFFFFFD0];
	_ =	sdelay $0x1  }
0x315: {  	v3 =	vld [tilespmem:s14+$0xFFFFFFE0]  }
0x316: {  	s9 =	sadd.s32 $0x1, s9  }
0x317: {  	v7 =	vbroadcast v2, $0x0  }
0x318: {  	v9 =	vbroadcast v2, $0x1;
	v11 =	vbroadcast v2, $0x2  }
0x319: {  	v12 =	vbroadcast v2, $0x3;
	v13 =	vbroadcast v2, $0x4  }
0x31a: {  	v16 =	vbroadcast v2, $0x5;
	v17 =	vbroadcast v2, $0x6  }
0x31b: {  	v18 =	vbroadcast v2, $0x7;
	v19 =	vbroadcast v2, $0x8  }
0x31c: {  	v6 =	vshll.u32 v5, $0x10;
	v8 =	vld [tilespmem:s14+$0xFFFFFFF0];
	v22 =	vbroadcast v2, $0x9;
	v23 =	vbroadcast v2, $0xA  }
0x31d: {  	v42 =	vand.u32 $0xFFFF0000, v5;
	v14 =	vld [tilespmem:s14+$0x0];
	v24 =	vbroadcast v2, $0xB;
	v26 =	vbroadcast v2, $0xC  }
0x31e: {  	v20 =	vld [tilespmem:s14+$0x10];
	v27 =	vbroadcast v2, $0xD;
	v10 =	vshll.u32 v4, $0x10;
	v6 =	vmul.f32 v6, v7  }
0x31f: {  	v43 =	vand.u32 $0xFFFF0000, v4;
	v5 =	vmul.f32 v42, v9;
	v45 =	vmul.f32 v10, v11  }
0x320: {  	v25 =	vld [tilespmem:s14+$0x20];
	v4 =	vmul.f32 v43, v12;
	v15 =	vshll.u32 v3, $0x10;
	v3 =	vand.u32 $0xFFFF0000, v3  }
0x321: {  	v47 =	vmul.f32 v15, v13;
	v3 =	vmul.f32 v3, v16;
	v5 =	vadd.f32 v5, v6  }
0x322: {  	v4 =	vadd.f32 v4, v45;
	v21 =	vshll.u32 v8, $0x10;
	v8 =	vand.u32 $0xFFFF0000, v8  }
0x323: {  	v44 =	vshll.u32 v14, $0x10;
	v46 =	vand.u32 $0xFFFF0000, v14;
	v48 =	vshll.u32 v20, $0x10  }
0x324: {  	v49 =	vld [tilespmem:s14+$0x40];
	v51 =	vand.u32 $0xFFFF0000, v20;
	v50 =	vmul.f32 v21, v17;
	v8 =	vmul.f32 v8, v18  }
0x325: {  	v52 =	vshll.u32 v25, $0x10;
	v7 =	vmul.f32 v44, v19;
	v10 =	vmul.f32 v46, v22  }
0x326: {  	v53 =	vld [tilespmem:s14+$0x30];
	v54 =	vand.u32 $0xFFFF0000, v25;
	v12 =	vmul.f32 v48, v23;
	v55 =	vmul.f32 v51, v24  }
0x327: {  	v56 =	vmul.f32 v52, v26;
	v3 =	vadd.f32 v3, v47;
	v57 =	vmul.f32 v54, v27  }
0x328: {  	v60 =	vbroadcast v2, $0xE;
	v8 =	vadd.f32 v8, v50;
	v7 =	vadd.f32 v10, v7  }
0x329: {  	v58 =	vshll.u32 v49, $0x10;
	v6 =	vadd.f32 v55, v12;
	v9 =	vadd.f32 v57, v56  }
0x32a: {  	v2 =	vbroadcast v2, $0xF;
	v5 =	vadd.f32 v58, v5;
	v3 =	vadd.f32 v3, v4  }
0x32b: {  	v59 =	vshll.u32 v53, $0x10;
	v61 =	vadd.f32 v7, v8;
	v6 =	vadd.f32 v9, v6  }
0x32c: {  	v62 =	vand.u32 $0xFFFF0000, v53;
	v63 =	vmul.f32 v59, v60  }
0x32d: {  	v2 =	vmul.f32 v62, v2;
	v3 =	vadd.f32 v3, v5;
	v4 =	vadd.f32 v6, v61;
	_ =	sdelay $0x1  }
0x32e: {  	v2 =	vadd.f32 v2, v63;
	v3 =	vadd.f32 v4, v3;
	_ =	sdelay $0x1  }
0x32f: {  	v2 =	vadd.f32 v3, v2  }
0x330: {  	s9 =	sadd.s32 $0x10, s13  }
0x331: {  	s13 =	simm.s32 $0x2648;
	[tilespmem:s9+$0x0] =	vst v2  }
0x332: {  	[spmem:s2] =	stream.indirect.scatter.add.f32 [tilespmem:s21], [sflag:$0x4], $0x10, s13, s22, $0xb8;
	[tilespmem:$0x1EB90] =	vst v63  }
0x333: {  	_ =	swait.ge [sflag:s4], $0xC80  }
0x334: {  	[sflag:s4] =	ssyncset.done $0x0  }
0x335: {  	[sflag:s4] =	ssyncadd.s32 $0xFFFFF380  }
0x336: {  	_ =	swait.ge [sflag:s8], $0xC80  }
0x337: {  	[sflag:s8] =	ssyncset.done $0x0  }
0x338: {  	[sflag:s8] =	ssyncadd.s32 $0xFFFFF380  }
0x339: {  	_ =	swait.ge [sflag:s11], $0xC80  }
0x33a: {  	[sflag:s11] =	ssyncset.done $0x0  }
0x33b: {  	s14 =	stileid.u32;
	[sflag:s11] =	ssyncadd.s32 $0xFFFFF380  }
0x33c: {  	s9 =	sshll.u32 s14, $0x6;
	[bflag:$0x0] =	sbarrier.arrive $0xFFFF  }
0x33d: {  	s17 =	sshrl.u32 s15, $0x3;
	s9 =	sor.u32 $0x1C07, s9;
	s18 =	rddreg [dreg:$0xd]  }
0x33e: {  	[hbm:s18], [sflag:s9] =	dma.local [spmem:s17], $0x500  }
0x33f: {  	_ =	swait.ge [sflag:s19], $0x500  }
0x340: {  	s12 =	sadd.s32 $0x1, s12;
	s20 =	rddreg [dreg:$0xe]  }
0x341: {  	p0 =	sne.s32 s12, s20  }
.Ltmp9:
0x342: {  	_ = 	snop;
	(pc) =	sbr.rel @p0 .LBB2_1-.Ltmp9, $3  }
0x343: {  	_ =	sdelay $0x1  }
0x344: {  	[sflag:s19] =	ssyncset.done $0x0  }
0x345: {  	[sflag:s19] =	ssyncadd.s32 $0xFFFFFB00  }
0x346: {  	_ =	sfence.sel $0x180000  }
0x347: {  	[bflag:$0x0] =	sbarrier.arrive $0xFFFF  }
0x348: {  	_ =	strace $0x90000047  }
0x349: {  	s0 =	stileid.u32;
	[bflag:$0x2] =	sbarrier.arrive $0xFFFF  }
0x34a: {  	p0 =	sne.s32 s0, $0x0;
	s0 =	rddreg [dreg:$0x2]  }
0x34b: {  	s0 =	sadd.s32 @!p0 $0x100000, s0  }
0x34c: {  	[sflag:s0] =	ssyncadd.tile.s32 @!p0 $0x1;
	_ =	shalt  }
.Lfunc_end2:
_tile_overlayer_lowered:
.L_overlay_start_2:
0x34d: {  	(tag) =	ssettag $0x2  }
0x34e: {  	s0 =	rddreg [dreg:$0x0];
	s2 =	stileid.u32  }
0x34f: {  	s1 =	rddreg [dreg:$0x1];
	p0 =	sne.s32 s2, $0x0  }
0x350: {  	s3 =	rddreg [dreg:$0x2];
	[bflag:$0x3] =	sbarrier.arrive $0xFFFF;
	s2 =	simm.s32 @!p0 $0x1C07  }
0x351: {  	[timem:s3], [sflag:s2] =	dma.local @!p0 [hbm:s0], s1  }
0x352: {  	s0 =	simm.s32 @!p0 $0x7  }
0x353: {  	_ =	swait.ge @!p0 [sflag:s0], s1  }
0x354: {  	s1 =	ssub.s32 @!p0 $0x0, s1;
	[sflag:s0] =	ssyncset.done @!p0 $0x0  }
0x355: {  	[sflag:s0] =	ssyncadd.s32 @!p0 s1  }
0x356: {  	[bflag:$0x3] =	sbarrier.arrive $0xFFFF  }
0x357: {  	_ =	shalt  }

</sc_bundles>
